<compile_context>
chip_gen: v7x
topology: tpu7x:2x2x1
jax: 0.10.2.dev20260603
libtpu: 0.0.44.dev20260713+nightly
codegen_flags: <defaults>
</compile_context>

<pallas_src>
import functools

import jax
import jax.numpy as jnp
from jax import lax
from jax.experimental import pallas as pl
from jax.experimental.pallas import tpu as pltpu
from jax.experimental.pallas import tpu_sc as plsc

N = 10000
E = 320000
D = 128
H = 256
EMB = 8
ISO = 16
C = 32

CHUNK = 128
NCHUNKS = 2560
EP = NCHUNKS * CHUNK
NSUB = 16
CH_PER_SUB = NCHUNKS // NSUB
NACC = 10112
ZROWS = NACC // NSUB

BN = 2000
GRID = N // BN



NBUF = 2
WIN = 40
NWIN = CH_PER_SUB // WIN
WROUNDS = WIN // NBUF


def _seg_body(h2, srcr, dstr, zrows, s_out, src_win, dst_win,
              r0, r1, acc_sh, g0, g1, s0, s1):
    c = lax.axis_index("c")
    s = lax.axis_index("s")
    rows = (r0, r1)
    gsem = (g0, g1)
    ssem = (s0, s1)

    pltpu.sync_copy(zrows, acc_sh.at[pl.ds(s * ZROWS, ZROWS)])
    plsc.subcore_barrier()

    def fire_gather(b, jj):
        pltpu.async_copy(h2.at[src_win.at[jj]], rows[b], gsem[b])

    def wait_gather(b, jj):
        pltpu.make_async_copy(h2.at[src_win.at[jj]], rows[b], gsem[b]).wait()

    def fire_scatter(b, jj):
        pltpu.async_copy(rows[b], acc_sh.at[dst_win.at[jj]], ssem[b],
                         add=True)

    def wait_scatter(b, jj):
        pltpu.make_async_copy(rows[b], acc_sh.at[dst_win.at[jj]],
                              ssem[b]).wait()

    @pl.loop(0, NWIN)
    def window_body(w):
        base = s * CH_PER_SUB + w * WIN
        pltpu.sync_copy(srcr.at[pl.ds(c * NCHUNKS + base, WIN)], src_win)
        pltpu.sync_copy(dstr.at[pl.ds(base, WIN)], dst_win)

        for b in range(NBUF):
            fire_gather(b, b)

        @pl.loop(0, WROUNDS - 1)
        def round_body(r):
            j0 = r * NBUF
            for b in range(NBUF):
                wait_gather(b, j0 + b)
                fire_scatter(b, j0 + b)
            for b in range(NBUF):
                wait_scatter(b, j0 + b)
                fire_gather(b, j0 + NBUF + b)

        j0 = (WROUNDS - 1) * NBUF
        for b in range(NBUF):
            wait_gather(b, j0 + b)
            fire_scatter(b, j0 + b)
        for b in range(NBUF):
            wait_scatter(b, j0 + b)

    plsc.subcore_barrier()

    pltpu.sync_copy(acc_sh.at[pl.ds(s * ZROWS, ZROWS)],
                    s_out.at[c, pl.ds(s * ZROWS, ZROWS)])


def _make_seg_kernel():
    mesh = plsc.VectorSubcoreMesh(core_axis_name="c", subcore_axis_name="s")
    return pl.kernel(
        _seg_body,
        out_type=jax.ShapeDtypeStruct((2, NACC, D), jnp.float32),
        mesh=mesh,
        scratch_types=[
            pltpu.VMEM((WIN, CHUNK), jnp.int32),
            pltpu.VMEM((WIN, CHUNK), jnp.int32),
            pltpu.VMEM((CHUNK, D), jnp.float32),
            pltpu.VMEM((CHUNK, D), jnp.float32),
            pltpu.VMEM_SHARED((NACC, D), jnp.float32),
            pltpu.SemaphoreType.DMA,
            pltpu.SemaphoreType.DMA,
            pltpu.SemaphoreType.DMA,
            pltpu.SemaphoreType.DMA,
        ],
        name="sc_segsum",
    )


CNT_PER_W = NCHUNKS // 32


def _cnt_body(dstr, zrows, ones_hbm, cnt_out, dst_all, ones_v, acc_sh, sem):
    c = lax.axis_index("c")
    s = lax.axis_index("s")
    w = c * NSUB + s

    pltpu.sync_copy(zrows, acc_sh.at[pl.ds(s * ZROWS, ZROWS)])
    pltpu.sync_copy(ones_hbm, ones_v)
    pltpu.sync_copy(dstr.at[pl.ds(w * CNT_PER_W, CNT_PER_W)], dst_all)
    plsc.subcore_barrier()

    @pl.loop(0, CNT_PER_W // 4)
    def chunk_body(r):
        j0 = r * 4
        for b in range(4):
            pltpu.async_copy(ones_v, acc_sh.at[dst_all.at[j0 + b]], sem,
                             add=True)
        for b in range(4):
            pltpu.make_async_copy(ones_v, acc_sh.at[dst_all.at[j0 + b]],
                                  sem).wait()

    plsc.subcore_barrier()
    pltpu.sync_copy(acc_sh.at[pl.ds(s * ZROWS, ZROWS)],
                    cnt_out.at[c, pl.ds(s * ZROWS, ZROWS)])


def _make_cnt_kernel():
    mesh = plsc.VectorSubcoreMesh(core_axis_name="c", subcore_axis_name="s")
    return pl.kernel(
        _cnt_body,
        out_type=jax.ShapeDtypeStruct((2, NACC, D), jnp.float32),
        mesh=mesh,
        scratch_types=[
            pltpu.VMEM((CNT_PER_W, CHUNK), jnp.int32),
            pltpu.VMEM((CHUNK, D), jnp.float32),
            pltpu.VMEM_SHARED((NACC, D), jnp.float32),
            pltpu.SemaphoreType.DMA,
        ],
        name="sc_degcount",
    )



_SQRT1_2 = 0.7071067811865476


def _gelu(z):
    return 0.5 * z * (1.0 + lax.erf(z * _SQRT1_2))


def _embed_body(x_ref, iso_ref, isoemb_ref, win_ref, bin_ref, out_ref):
    x = x_ref[...]
    t = isoemb_ref[...] @ win_ref[D:D + EMB, :]
    oh = (iso_ref[...] == lax.broadcasted_iota(jnp.int32, (BN, ISO), 1))
    h0 = x @ win_ref[:D, :] + oh.astype(jnp.float32) @ t + bin_ref[...]
    out_ref[0] = h0[:, :D]
    out_ref[1] = h0[:, D:]


def _layer_body(hp_ref, s_ref, cnt_ref, wl_ref, bl_ref, wr_ref, g_ref, be_ref,
                out_ref):
    hp = jnp.concatenate([hp_ref[0], hp_ref[1]], axis=-1)
    sv = jnp.concatenate([s_ref[0], s_ref[1]], axis=-1)
    cnt = cnt_ref[0][:, 0:1] + cnt_ref[1][:, 0:1]
    agg = sv / jnp.maximum(cnt, 1.0)
    z = agg @ wl_ref[...] + bl_ref[...] + hp @ wr_ref[...]
    m = jnp.mean(z, axis=-1, keepdims=True)
    v = jnp.mean((z - m) ** 2, axis=-1, keepdims=True)
    z = (z - m) * lax.rsqrt(v + 1e-5) * g_ref[...] + be_ref[...]
    res = hp + _gelu(z)
    out_ref[0] = res[:, :D]
    out_ref[1] = res[:, D:]


def _head_body(hp_ref, wh1_ref, bh1_ref, gh_ref, beh_ref, wh2_ref, bh2_ref,
               out_ref):
    hp = jnp.concatenate([hp_ref[0], hp_ref[1]], axis=-1)
    z = hp @ wh1_ref[...] + bh1_ref[...]
    m = jnp.mean(z, axis=-1, keepdims=True)
    v = jnp.mean((z - m) ** 2, axis=-1, keepdims=True)
    z = (z - m) * lax.rsqrt(v + 1e-5) * gh_ref[...] + beh_ref[...]
    out_ref[...] = _gelu(z) @ wh2_ref[...] + bh2_ref[...]


def _stacked_spec():
    return pl.BlockSpec((2, BN, D), lambda i: (0, i, 0))


def _full_spec(shape):
    nd = len(shape)
    return pl.BlockSpec(shape, lambda i: (0,) * nd)


_embed_call = pl.pallas_call(
    _embed_body,
    grid=(GRID,),
    in_specs=[
        pl.BlockSpec((BN, D), lambda i: (i, 0)),
        pl.BlockSpec((BN, 1), lambda i: (i, 0)),
        _full_spec((ISO, EMB)),
        _full_spec((D + EMB, H)),
        _full_spec((1, H)),
    ],
    out_specs=_stacked_spec(),
    out_shape=jax.ShapeDtypeStruct((2, N, D), jnp.float32),
)

_layer_call = pl.pallas_call(
    _layer_body,
    grid=(GRID,),
    in_specs=[
        _stacked_spec(),
        _stacked_spec(),
        pl.BlockSpec((2, BN, 8), lambda i: (0, i, 0)),
        _full_spec((H, H)),
        _full_spec((1, H)),
        _full_spec((H, H)),
        _full_spec((1, H)),
        _full_spec((1, H)),
    ],
    out_specs=_stacked_spec(),
    out_shape=jax.ShapeDtypeStruct((2, N, D), jnp.float32),
)

_head_call = pl.pallas_call(
    _head_body,
    grid=(GRID,),
    in_specs=[
        _stacked_spec(),
        _full_spec((H, D)),
        _full_spec((1, D)),
        _full_spec((1, D)),
        _full_spec((1, D)),
        _full_spec((D, C)),
        _full_spec((1, C)),
    ],
    out_specs=pl.BlockSpec((BN, C), lambda i: (i, 0)),
    out_shape=jax.ShapeDtypeStruct((N, C), jnp.float32),
)

_seg = _make_seg_kernel()
_cnt = _make_cnt_kernel()


def kernel(x, edge_index, iso_idx, iso_embed, W_in, b_in,
           Wl1, bl1, Wr1, g1, be1, Wl2, bl2, Wr2, g2, be2,
           Wl3, bl3, Wr3, g3, be3, Wl4, bl4, Wr4, g4, be4,
           Wh1, bh1, gh, beh, Wh2, bh2):
    src = edge_index[0].astype(jnp.int32)
    dst = edge_index[1].astype(jnp.int32)
    pad = EP - E
    src_p = jnp.concatenate([src, jnp.zeros((pad,), jnp.int32)])
    srcr = jnp.concatenate([src_p, src_p + N]).reshape(2 * NCHUNKS, CHUNK)
    dstr = jnp.concatenate([dst, jnp.full((pad,), N, jnp.int32)]).reshape(
        NCHUNKS, CHUNK)
    zrows = jnp.zeros((ZROWS, D), jnp.float32)
    ones128 = jnp.ones((CHUNK, D), jnp.float32)

    iso2d = iso_idx.astype(jnp.int32).reshape(N, 1)
    b_in2 = b_in.reshape(1, H)

    h = _embed_call(x, iso2d, iso_embed, W_in, b_in2)
    cnt_full = _cnt(dstr, zrows, ones128)
    cnt = cnt_full[:, :, :8]

    layer_params = [
        (Wl1, bl1, Wr1, g1, be1),
        (Wl2, bl2, Wr2, g2, be2),
        (Wl3, bl3, Wr3, g3, be3),
        (Wl4, bl4, Wr4, g4, be4),
    ]
    for (Wl, bl, Wr, g, be) in layer_params:
        h2 = h.reshape(2 * N, D)
        s = _seg(h2, srcr, dstr, zrows)
        h = _layer_call(h, s, cnt, Wl, bl.reshape(1, H), Wr,
                        g.reshape(1, H), be.reshape(1, H))

    return _head_call(h, Wh1, bh1.reshape(1, D), gh.reshape(1, D),
                      beh.reshape(1, D), Wh2, bh2.reshape(1, C))

# --- scband reference (transcript-rebuilt; emitter-appended) ---
"""Pipeline reference for scband-co2-assignment-gnn-57543971832601 (READ-ONLY COPY).

The authoritative reference and input builder live on the scoring server;
editing this copy changes nothing except your own understanding.
"""

import jax, jax.numpy as jnp
import numpy as np

N = 10000
E = 320000
D = 128
H = 256
EMB = 8
ISO = 16
C = 32

def _p(k, shape, scale=0.05):
    return jax.random.normal(k, shape, dtype=jnp.float32) * scale

def setup_inputs(seed: int = 0):
    key = jax.random.key(seed)
    k = lambda i: jax.random.fold_in(key, i)
    inp = {}
    inp['x'] = jax.random.normal(k(0), (N, D), dtype=jnp.float32)
    inp['edge_index'] = jax.random.randint(k(1), (2, E), 0, N)
    inp['iso_idx'] = jax.random.randint(k(2), (N,), 0, ISO)
    inp['iso_embed'] = _p(k(3), (ISO, EMB), 1.0)
    inp['W_in'] = _p(k(4), (D + EMB, H))
    inp['b_in'] = jnp.zeros((H,), jnp.float32)
    for l in range(1, 5):
        inp['Wl%d' % l] = _p(k(10 + l), (H, H))
        inp['bl%d' % l] = jnp.zeros((H,), jnp.float32)
        inp['Wr%d' % l] = _p(k(20 + l), (H, H))
        inp['g%d' % l] = jnp.ones((H,), jnp.float32)
        inp['be%d' % l] = jnp.zeros((H,), jnp.float32)
    inp['Wh1'] = _p(k(30), (H, 128))
    inp['bh1'] = jnp.zeros((128,), jnp.float32)
    inp['gh'] = jnp.ones((128,), jnp.float32)
    inp['beh'] = jnp.zeros((128,), jnp.float32)
    inp['Wh2'] = _p(k(31), (128, C))
    inp['bh2'] = jnp.zeros((C,), jnp.float32)
    return inp

def _ln(h, g, b):
    m = h.mean(-1, keepdims=True)
    v = ((h - m) ** 2).mean(-1, keepdims=True)
    return (h - m) / jnp.sqrt(v + 1e-5) * g + b

def _sage(x, src, dst, Wl, bl, Wr):
    s = jax.ops.segment_sum(x[src], dst, num_segments=N)
    c = jax.ops.segment_sum(jnp.ones((src.shape[0], 1), x.dtype), dst, num_segments=N)
    agg = s / jnp.maximum(c, 1.0)
    return agg @ Wl + bl + x @ Wr

def reference(x, edge_index, iso_idx, iso_embed, W_in, b_in, Wl1, bl1, Wr1, g1, be1, Wl2, bl2, Wr2, g2, be2, Wl3, bl3, Wr3, g3, be3, Wl4, bl4, Wr4, g4, be4, Wh1, bh1, gh, beh, Wh2, bh2):
    src, dst = edge_index[0], edge_index[1]
    emb = iso_embed[iso_idx]
    h0 = jnp.concatenate([x, emb], axis=1) @ W_in + b_in
    for (Wl, bl, Wr, g, b) in [(Wl1, bl1, Wr1, g1, be1), (Wl2, bl2, Wr2, g2, be2), (Wl3, bl3, Wr3, g3, be3), (Wl4, bl4, Wr4, g4, be4)]:
        h = _sage(h0, src, dst, Wl, bl, Wr)
        h = _ln(h, g, b)
        h = jax.nn.gelu(h, approximate=False)
        h0 = h0 + h
    h = h0 @ Wh1 + bh1
    h = _ln(h, gh, beh)
    h = jax.nn.gelu(h, approximate=False)
    return h @ Wh2 + bh2

if __name__ == "__main__":
    import jax
    _d = setup_inputs()
    print(jax.jit(kernel)(*tuple(_d.values())))

</pallas_src>

<mosaic_0001>
#map = affine_map<(d0, d1) -> (0, 0)>
#map1 = affine_map<(d0, d1) -> (0, 0, 0)>
module attributes {stable_mosaic.version = 14 : i64} {
  func.func @sc_degcount(%arg0: i32, %arg1: i32, %arg2: memref<2560x128xi32, #tpu.memory_space<hbm>>, %arg3: memref<632x128xf32, #tpu.memory_space<hbm>>, %arg4: memref<128x128xf32, #tpu.memory_space<hbm>>, %arg5: memref<2x10112x128xf32, #tpu.memory_space<hbm>>, %arg6: memref<80x128xi32, #tpu.memory_space<vmem>>, %arg7: memref<128x128xf32, #tpu.memory_space<vmem>>, %arg8: memref<10112x128xf32, #tpu.memory_space<vmem_shared>>, %arg9: memref<!tpu.dma_semaphore, #tpu.memory_space<semaphore_mem>>) attributes {dimension_semantics = [#tpu.dimension_semantics<core_parallel>, #tpu.dimension_semantics<subcore_parallel>], iteration_bounds = array<i64: 2, 16>, scalar_prefetch = 0 : i64, scratch_operands = 4 : i64, tpu.core_type = #tpu.core_type<sc_vector_subcore>, window_params = [{transform_indices = #map}, {transform_indices = #map}, {transform_indices = #map}, {transform_indices = #map1}]} {
    %mul3A = arith.constant 16 : i32
    %mul3A_0 = arith.muli %arg0, %mul3A : i32
    %add3A = arith.addi %mul3A_0, %arg1 : i32
    %mul3A_1 = arith.constant 632 : i32
    %mul3A_2 = arith.muli %arg1, %mul3A_1 : i32
    "tpu.region"() ({
      %run_scoped3A = tpu.sem_alloc : memref<!tpu.dma_semaphore, #tpu.memory_space<semaphore_mem>>
      %dma_start3A = arith.constant 0 : i32
      %dma_start3A_14 = tpu.memref_slice %arg8[%mul3A_2, %dma_start3A] : memref<10112x128xf32, #tpu.memory_space<vmem_shared>> -> memref<632x128xf32, #tpu.memory_space<vmem_shared>>
      tpu.enqueue_dma source(%arg3 : memref<632x128xf32, #tpu.memory_space<hbm>>) target(%dma_start3A_14 : memref<632x128xf32, #tpu.memory_space<vmem_shared>>) target_semaphore(%run_scoped3A : memref<!tpu.dma_semaphore, #tpu.memory_space<semaphore_mem>>)
      %dma_wait3A = arith.constant 0 : i32
      %dma_wait3A_15 = tpu.memref_slice %arg8[%mul3A_2, %dma_wait3A] : memref<10112x128xf32, #tpu.memory_space<vmem_shared>> -> memref<632x128xf32, #tpu.memory_space<vmem_shared>>
      tpu.wait_dma2 semaphore(%run_scoped3A : memref<!tpu.dma_semaphore, #tpu.memory_space<semaphore_mem>>) src(%arg3 : memref<632x128xf32, #tpu.memory_space<hbm>>) dst(%dma_wait3A_15 : memref<632x128xf32, #tpu.memory_space<vmem_shared>>)
      tpu.yield
    }) : () -> ()
    "tpu.region"() ({
      %run_scoped3A = tpu.sem_alloc : memref<!tpu.dma_semaphore, #tpu.memory_space<semaphore_mem>>
      tpu.enqueue_dma source(%arg4 : memref<128x128xf32, #tpu.memory_space<hbm>>) target(%arg7 : memref<128x128xf32, #tpu.memory_space<vmem>>) target_semaphore(%run_scoped3A : memref<!tpu.dma_semaphore, #tpu.memory_space<semaphore_mem>>)
      tpu.wait_dma2 semaphore(%run_scoped3A : memref<!tpu.dma_semaphore, #tpu.memory_space<semaphore_mem>>) src(%arg4 : memref<128x128xf32, #tpu.memory_space<hbm>>) dst(%arg7 : memref<128x128xf32, #tpu.memory_space<vmem>>)
      tpu.yield
    }) : () -> ()
    %mul3A_3 = arith.constant 80 : i32
    %mul3A_4 = arith.muli %add3A, %mul3A_3 : i32
    "tpu.region"() ({
      %run_scoped3A = tpu.sem_alloc : memref<!tpu.dma_semaphore, #tpu.memory_space<semaphore_mem>>
      %dma_start3A = arith.constant 0 : i32
      %dma_start3A_14 = tpu.memref_slice %arg2[%mul3A_4, %dma_start3A] : memref<2560x128xi32, #tpu.memory_space<hbm>> -> memref<80x128xi32, #tpu.memory_space<hbm>>
      %dma_start3A_15 = arith.constant 0 : i32
      %dma_start3A_16 = tpu.memref_slice %arg2[%mul3A_4, %dma_start3A_15] : memref<2560x128xi32, #tpu.memory_space<hbm>> -> memref<80x128xi32, #tpu.memory_space<hbm>>
      tpu.enqueue_dma source(%dma_start3A_16 : memref<80x128xi32, #tpu.memory_space<hbm>>) target(%arg6 : memref<80x128xi32, #tpu.memory_space<vmem>>) target_semaphore(%run_scoped3A : memref<!tpu.dma_semaphore, #tpu.memory_space<semaphore_mem>>)
      %dma_wait3A = arith.constant 0 : i32
      %dma_wait3A_17 = tpu.memref_slice %arg2[%mul3A_4, %dma_wait3A] : memref<2560x128xi32, #tpu.memory_space<hbm>> -> memref<80x128xi32, #tpu.memory_space<hbm>>
      %dma_wait3A_18 = arith.constant 0 : i32
      %dma_wait3A_19 = tpu.memref_slice %arg2[%mul3A_4, %dma_wait3A_18] : memref<2560x128xi32, #tpu.memory_space<hbm>> -> memref<80x128xi32, #tpu.memory_space<hbm>>
      tpu.wait_dma2 semaphore(%run_scoped3A : memref<!tpu.dma_semaphore, #tpu.memory_space<semaphore_mem>>) src(%dma_wait3A_19 : memref<80x128xi32, #tpu.memory_space<hbm>>) dst(%arg6 : memref<80x128xi32, #tpu.memory_space<vmem>>)
      tpu.yield
    }) : () -> ()
    %barrier3A = arith.constant 0 : index
    tpu.barrier barrier_id(%barrier3A)
    %scan3A = arith.constant 0 : i32
    %scan3A_5 = arith.constant 20 : i32
    %scan3A_6 = arith.addi %scan3A, %scan3A_5 : i32
    %scan3A_7 = arith.constant 1 : i32
    scf.for %scan3A_14 = %scan3A to %scan3A_6 step %scan3A_7  : i32 {
      %mul3A_15 = arith.constant 1 : i32
      %mul3A_16 = arith.muli %scan3A_14, %mul3A_15 : i32
      %add3A_17 = arith.constant 0 : i32
      %add3A_18 = arith.addi %add3A_17, %mul3A_16 : i32
      %mul3A_19 = arith.constant 4 : i32
      %mul3A_20 = arith.muli %add3A_18, %mul3A_19 : i32
      %add3A_21 = arith.constant 0 : i32
      %add3A_22 = arith.addi %mul3A_20, %add3A_21 : i32
      %dma_start3A = arith.constant 0 : i32
      %dma_start3A_23 = tpu.memref_slice %arg6[%add3A_22, %dma_start3A] : memref<80x128xi32, #tpu.memory_space<vmem>> -> memref<1x128xi32, #tpu.memory_space<vmem>>
      %dma_start3A_24 = tpu.memref_squeeze %dma_start3A_23 : memref<1x128xi32, #tpu.memory_space<vmem>> -> memref<128xi32, #tpu.memory_space<vmem>>
      %dma_start3A_25 = arith.constant 0 : i32
      %dma_start3A_26 = arith.constant 0 : i32
      %dma_start3A_27 = tpu.memref_slice %arg8[%dma_start3A_25, %dma_start3A_26] : memref<10112x128xf32, #tpu.memory_space<vmem_shared>> -> memref<10112x128xf32, #tpu.memory_space<vmem_shared>>
      tpu.enqueue_indirect_dma source(%arg7 : memref<128x128xf32, #tpu.memory_space<vmem>>) target(%dma_start3A_27 : memref<10112x128xf32, #tpu.memory_space<vmem_shared>>) offsets(%dma_start3A_24 : memref<128xi32, #tpu.memory_space<vmem>>) semaphore(%arg9 : memref<!tpu.dma_semaphore, #tpu.memory_space<semaphore_mem>>) {add = true}
      %add3A_28 = arith.constant 1 : i32
      %add3A_29 = arith.addi %mul3A_20, %add3A_28 : i32
      %dma_start3A_30 = arith.constant 0 : i32
      %dma_start3A_31 = tpu.memref_slice %arg6[%add3A_29, %dma_start3A_30] : memref<80x128xi32, #tpu.memory_space<vmem>> -> memref<1x128xi32, #tpu.memory_space<vmem>>
      %dma_start3A_32 = tpu.memref_squeeze %dma_start3A_31 : memref<1x128xi32, #tpu.memory_space<vmem>> -> memref<128xi32, #tpu.memory_space<vmem>>
      %dma_start3A_33 = arith.constant 0 : i32
      %dma_start3A_34 = arith.constant 0 : i32
      %dma_start3A_35 = tpu.memref_slice %arg8[%dma_start3A_33, %dma_start3A_34] : memref<10112x128xf32, #tpu.memory_space<vmem_shared>> -> memref<10112x128xf32, #tpu.memory_space<vmem_shared>>
      tpu.enqueue_indirect_dma source(%arg7 : memref<128x128xf32, #tpu.memory_space<vmem>>) target(%dma_start3A_35 : memref<10112x128xf32, #tpu.memory_space<vmem_shared>>) offsets(%dma_start3A_32 : memref<128xi32, #tpu.memory_space<vmem>>) semaphore(%arg9 : memref<!tpu.dma_semaphore, #tpu.memory_space<semaphore_mem>>) {add = true}
      %add3A_36 = arith.constant 2 : i32
      %add3A_37 = arith.addi %mul3A_20, %add3A_36 : i32
      %dma_start3A_38 = arith.constant 0 : i32
      %dma_start3A_39 = tpu.memref_slice %arg6[%add3A_37, %dma_start3A_38] : memref<80x128xi32, #tpu.memory_space<vmem>> -> memref<1x128xi32, #tpu.memory_space<vmem>>
      %dma_start3A_40 = tpu.memref_squeeze %dma_start3A_39 : memref<1x128xi32, #tpu.memory_space<vmem>> -> memref<128xi32, #tpu.memory_space<vmem>>
      %dma_start3A_41 = arith.constant 0 : i32
      %dma_start3A_42 = arith.constant 0 : i32
      %dma_start3A_43 = tpu.memref_slice %arg8[%dma_start3A_41, %dma_start3A_42] : memref<10112x128xf32, #tpu.memory_space<vmem_shared>> -> memref<10112x128xf32, #tpu.memory_space<vmem_shared>>
      tpu.enqueue_indirect_dma source(%arg7 : memref<128x128xf32, #tpu.memory_space<vmem>>) target(%dma_start3A_43 : memref<10112x128xf32, #tpu.memory_space<vmem_shared>>) offsets(%dma_start3A_40 : memref<128xi32, #tpu.memory_space<vmem>>) semaphore(%arg9 : memref<!tpu.dma_semaphore, #tpu.memory_space<semaphore_mem>>) {add = true}
      %add3A_44 = arith.constant 3 : i32
      %add3A_45 = arith.addi %mul3A_20, %add3A_44 : i32
      %dma_start3A_46 = arith.constant 0 : i32
      %dma_start3A_47 = tpu.memref_slice %arg6[%add3A_45, %dma_start3A_46] : memref<80x128xi32, #tpu.memory_space<vmem>> -> memref<1x128xi32, #tpu.memory_space<vmem>>
      %dma_start3A_48 = tpu.memref_squeeze %dma_start3A_47 : memref<1x128xi32, #tpu.memory_space<vmem>> -> memref<128xi32, #tpu.memory_space<vmem>>
      %dma_start3A_49 = arith.constant 0 : i32
      %dma_start3A_50 = arith.constant 0 : i32
      %dma_start3A_51 = tpu.memref_slice %arg8[%dma_start3A_49, %dma_start3A_50] : memref<10112x128xf32, #tpu.memory_space<vmem_shared>> -> memref<10112x128xf32, #tpu.memory_space<vmem_shared>>
      tpu.enqueue_indirect_dma source(%arg7 : memref<128x128xf32, #tpu.memory_space<vmem>>) target(%dma_start3A_51 : memref<10112x128xf32, #tpu.memory_space<vmem_shared>>) offsets(%dma_start3A_48 : memref<128xi32, #tpu.memory_space<vmem>>) semaphore(%arg9 : memref<!tpu.dma_semaphore, #tpu.memory_space<semaphore_mem>>) {add = true}
      %add3A_52 = arith.constant 0 : i32
      %add3A_53 = arith.addi %mul3A_20, %add3A_52 : i32
      %dma_wait3A = arith.constant 0 : i32
      %dma_wait3A_54 = tpu.memref_slice %arg6[%add3A_53, %dma_wait3A] : memref<80x128xi32, #tpu.memory_space<vmem>> -> memref<1x128xi32, #tpu.memory_space<vmem>>
      %dma_wait3A_55 = tpu.memref_squeeze %dma_wait3A_54 : memref<1x128xi32, #tpu.memory_space<vmem>> -> memref<128xi32, #tpu.memory_space<vmem>>
      %dma_wait3A_56 = arith.constant 0 : i32
      %dma_wait3A_57 = arith.constant 0 : i32
      %dma_wait3A_58 = tpu.memref_slice %arg8[%dma_wait3A_56, %dma_wait3A_57] : memref<10112x128xf32, #tpu.memory_space<vmem_shared>> -> memref<10112x128xf32, #tpu.memory_space<vmem_shared>>
      tpu.wait_indirect_dma semaphore(%arg9 : memref<!tpu.dma_semaphore, #tpu.memory_space<semaphore_mem>>) src(%arg7 : memref<128x128xf32, #tpu.memory_space<vmem>>) dst(%dma_wait3A_58 : memref<10112x128xf32, #tpu.memory_space<vmem_shared>>)
      %add3A_59 = arith.constant 1 : i32
      %add3A_60 = arith.addi %mul3A_20, %add3A_59 : i32
      %dma_wait3A_61 = arith.constant 0 : i32
      %dma_wait3A_62 = tpu.memref_slice %arg6[%add3A_60, %dma_wait3A_61] : memref<80x128xi32, #tpu.memory_space<vmem>> -> memref<1x128xi32, #tpu.memory_space<vmem>>
      %dma_wait3A_63 = tpu.memref_squeeze %dma_wait3A_62 : memref<1x128xi32, #tpu.memory_space<vmem>> -> memref<128xi32, #tpu.memory_space<vmem>>
      %dma_wait3A_64 = arith.constant 0 : i32
      %dma_wait3A_65 = arith.constant 0 : i32
      %dma_wait3A_66 = tpu.memref_slice %arg8[%dma_wait3A_64, %dma_wait3A_65] : memref<10112x128xf32, #tpu.memory_space<vmem_shared>> -> memref<10112x128xf32, #tpu.memory_space<vmem_shared>>
      tpu.wait_indirect_dma semaphore(%arg9 : memref<!tpu.dma_semaphore, #tpu.memory_space<semaphore_mem>>) src(%arg7 : memref<128x128xf32, #tpu.memory_space<vmem>>) dst(%dma_wait3A_66 : memref<10112x128xf32, #tpu.memory_space<vmem_shared>>)
      %add3A_67 = arith.constant 2 : i32
      %add3A_68 = arith.addi %mul3A_20, %add3A_67 : i32
      %dma_wait3A_69 = arith.constant 0 : i32
      %dma_wait3A_70 = tpu.memref_slice %arg6[%add3A_68, %dma_wait3A_69] : memref<80x128xi32, #tpu.memory_space<vmem>> -> memref<1x128xi32, #tpu.memory_space<vmem>>
      %dma_wait3A_71 = tpu.memref_squeeze %dma_wait3A_70 : memref<1x128xi32, #tpu.memory_space<vmem>> -> memref<128xi32, #tpu.memory_space<vmem>>
      %dma_wait3A_72 = arith.constant 0 : i32
      %dma_wait3A_73 = arith.constant 0 : i32
      %dma_wait3A_74 = tpu.memref_slice %arg8[%dma_wait3A_72, %dma_wait3A_73] : memref<10112x128xf32, #tpu.memory_space<vmem_shared>> -> memref<10112x128xf32, #tpu.memory_space<vmem_shared>>
      tpu.wait_indirect_dma semaphore(%arg9 : memref<!tpu.dma_semaphore, #tpu.memory_space<semaphore_mem>>) src(%arg7 : memref<128x128xf32, #tpu.memory_space<vmem>>) dst(%dma_wait3A_74 : memref<10112x128xf32, #tpu.memory_space<vmem_shared>>)
      %add3A_75 = arith.constant 3 : i32
      %add3A_76 = arith.addi %mul3A_20, %add3A_75 : i32
      %dma_wait3A_77 = arith.constant 0 : i32
      %dma_wait3A_78 = tpu.memref_slice %arg6[%add3A_76, %dma_wait3A_77] : memref<80x128xi32, #tpu.memory_space<vmem>> -> memref<1x128xi32, #tpu.memory_space<vmem>>
      %dma_wait3A_79 = tpu.memref_squeeze %dma_wait3A_78 : memref<1x128xi32, #tpu.memory_space<vmem>> -> memref<128xi32, #tpu.memory_space<vmem>>
      %dma_wait3A_80 = arith.constant 0 : i32
      %dma_wait3A_81 = arith.constant 0 : i32
      %dma_wait3A_82 = tpu.memref_slice %arg8[%dma_wait3A_80, %dma_wait3A_81] : memref<10112x128xf32, #tpu.memory_space<vmem_shared>> -> memref<10112x128xf32, #tpu.memory_space<vmem_shared>>
      tpu.wait_indirect_dma semaphore(%arg9 : memref<!tpu.dma_semaphore, #tpu.memory_space<semaphore_mem>>) src(%arg7 : memref<128x128xf32, #tpu.memory_space<vmem>>) dst(%dma_wait3A_82 : memref<10112x128xf32, #tpu.memory_space<vmem_shared>>)
    }
    %scan3A_8 = arith.constant 20 : i32
    %barrier3A_9 = arith.constant 0 : index
    tpu.barrier barrier_id(%barrier3A_9)
    %mul3A_10 = arith.constant 632 : i32
    %mul3A_11 = arith.muli %arg1, %mul3A_10 : i32
    %mul3A_12 = arith.constant 632 : i32
    %mul3A_13 = arith.muli %arg1, %mul3A_12 : i32
    "tpu.region"() ({
      %run_scoped3A = tpu.sem_alloc : memref<!tpu.dma_semaphore, #tpu.memory_space<semaphore_mem>>
      %dma_start3A = arith.constant 0 : i32
      %dma_start3A_14 = tpu.memref_slice %arg5[%arg0, %mul3A_13, %dma_start3A] : memref<2x10112x128xf32, #tpu.memory_space<hbm>> -> memref<1x632x128xf32, #tpu.memory_space<hbm>>
      %dma_start3A_15 = tpu.memref_squeeze %dma_start3A_14 : memref<1x632x128xf32, #tpu.memory_space<hbm>> -> memref<632x128xf32, #tpu.memory_space<hbm>>
      %dma_start3A_16 = arith.constant 0 : i32
      %dma_start3A_17 = tpu.memref_slice %arg8[%mul3A_11, %dma_start3A_16] : memref<10112x128xf32, #tpu.memory_space<vmem_shared>> -> memref<632x128xf32, #tpu.memory_space<vmem_shared>>
      tpu.enqueue_dma source(%dma_start3A_17 : memref<632x128xf32, #tpu.memory_space<vmem_shared>>) target(%dma_start3A_15 : memref<632x128xf32, #tpu.memory_space<hbm>>) target_semaphore(%run_scoped3A : memref<!tpu.dma_semaphore, #tpu.memory_space<semaphore_mem>>)
      %dma_wait3A = arith.constant 0 : i32
      %dma_wait3A_18 = tpu.memref_slice %arg5[%arg0, %mul3A_13, %dma_wait3A] : memref<2x10112x128xf32, #tpu.memory_space<hbm>> -> memref<1x632x128xf32, #tpu.memory_space<hbm>>
      %dma_wait3A_19 = tpu.memref_squeeze %dma_wait3A_18 : memref<1x632x128xf32, #tpu.memory_space<hbm>> -> memref<632x128xf32, #tpu.memory_space<hbm>>
      %dma_wait3A_20 = arith.constant 0 : i32
      %dma_wait3A_21 = tpu.memref_slice %arg8[%mul3A_11, %dma_wait3A_20] : memref<10112x128xf32, #tpu.memory_space<vmem_shared>> -> memref<632x128xf32, #tpu.memory_space<vmem_shared>>
      tpu.wait_dma2 semaphore(%run_scoped3A : memref<!tpu.dma_semaphore, #tpu.memory_space<semaphore_mem>>) src(%dma_wait3A_21 : memref<632x128xf32, #tpu.memory_space<vmem_shared>>) dst(%dma_wait3A_19 : memref<632x128xf32, #tpu.memory_space<hbm>>)
      tpu.yield
    }) : () -> ()
    return
  }
}

#map = affine_map<(d0, d1) -> (0, 0)>
#map1 = affine_map<(d0, d1) -> (0, 0, 0)>
module attributes {stable_mosaic.version = 14 : i64} {
  func.func @sc_segsum(%arg0: i32, %arg1: i32, %arg2: memref<20000x128xf32, #tpu.memory_space<hbm>>, %arg3: memref<5120x128xi32, #tpu.memory_space<hbm>>, %arg4: memref<2560x128xi32, #tpu.memory_space<hbm>>, %arg5: memref<632x128xf32, #tpu.memory_space<hbm>>, %arg6: memref<2x10112x128xf32, #tpu.memory_space<hbm>>, %arg7: memref<40x128xi32, #tpu.memory_space<vmem>>, %arg8: memref<40x128xi32, #tpu.memory_space<vmem>>, %arg9: memref<128x128xf32, #tpu.memory_space<vmem>>, %arg10: memref<128x128xf32, #tpu.memory_space<vmem>>, %arg11: memref<10112x128xf32, #tpu.memory_space<vmem_shared>>, %arg12: memref<!tpu.dma_semaphore, #tpu.memory_space<semaphore_mem>>, %arg13: memref<!tpu.dma_semaphore, #tpu.memory_space<semaphore_mem>>, %arg14: memref<!tpu.dma_semaphore, #tpu.memory_space<semaphore_mem>>, %arg15: memref<!tpu.dma_semaphore, #tpu.memory_space<semaphore_mem>>) attributes {dimension_semantics = [#tpu.dimension_semantics<core_parallel>, #tpu.dimension_semantics<subcore_parallel>], iteration_bounds = array<i64: 2, 16>, scalar_prefetch = 0 : i64, scratch_operands = 9 : i64, tpu.core_type = #tpu.core_type<sc_vector_subcore>, window_params = [{transform_indices = #map}, {transform_indices = #map}, {transform_indices = #map}, {transform_indices = #map}, {transform_indices = #map1}]} {
    %mul3A = arith.constant 632 : i32
    %mul3A_0 = arith.muli %arg1, %mul3A : i32
    "tpu.region"() ({
      %run_scoped3A = tpu.sem_alloc : memref<!tpu.dma_semaphore, #tpu.memory_space<semaphore_mem>>
      %dma_start3A = arith.constant 0 : i32
      %dma_start3A_10 = tpu.memref_slice %arg11[%mul3A_0, %dma_start3A] : memref<10112x128xf32, #tpu.memory_space<vmem_shared>> -> memref<632x128xf32, #tpu.memory_space<vmem_shared>>
      tpu.enqueue_dma source(%arg5 : memref<632x128xf32, #tpu.memory_space<hbm>>) target(%dma_start3A_10 : memref<632x128xf32, #tpu.memory_space<vmem_shared>>) target_semaphore(%run_scoped3A : memref<!tpu.dma_semaphore, #tpu.memory_space<semaphore_mem>>)
      %dma_wait3A = arith.constant 0 : i32
      %dma_wait3A_11 = tpu.memref_slice %arg11[%mul3A_0, %dma_wait3A] : memref<10112x128xf32, #tpu.memory_space<vmem_shared>> -> memref<632x128xf32, #tpu.memory_space<vmem_shared>>
      tpu.wait_dma2 semaphore(%run_scoped3A : memref<!tpu.dma_semaphore, #tpu.memory_space<semaphore_mem>>) src(%arg5 : memref<632x128xf32, #tpu.memory_space<hbm>>) dst(%dma_wait3A_11 : memref<632x128xf32, #tpu.memory_space<vmem_shared>>)
      tpu.yield
    }) : () -> ()
    %barrier3A = arith.constant 0 : index
    tpu.barrier barrier_id(%barrier3A)
    %scan3A = arith.constant 0 : i32
    %scan3A_1 = arith.constant 4 : i32
    %scan3A_2 = arith.addi %scan3A, %scan3A_1 : i32
    %scan3A_3 = arith.constant 1 : i32
    scf.for %scan3A_10 = %scan3A to %scan3A_2 step %scan3A_3  : i32 {
      %mul3A_11 = arith.constant 1 : i32
      %mul3A_12 = arith.muli %scan3A_10, %mul3A_11 : i32
      %add3A = arith.constant 0 : i32
      %add3A_13 = arith.addi %add3A, %mul3A_12 : i32
      %mul3A_14 = arith.constant 160 : i32
      %mul3A_15 = arith.muli %arg1, %mul3A_14 : i32
      %mul3A_16 = arith.constant 40 : i32
      %mul3A_17 = arith.muli %add3A_13, %mul3A_16 : i32
      %add3A_18 = arith.addi %mul3A_15, %mul3A_17 : i32
      %mul3A_19 = arith.constant 2560 : i32
      %mul3A_20 = arith.muli %arg0, %mul3A_19 : i32
      %add3A_21 = arith.addi %mul3A_20, %add3A_18 : i32
      "tpu.region"() ({
        %run_scoped3A = tpu.sem_alloc : memref<!tpu.dma_semaphore, #tpu.memory_space<semaphore_mem>>
        %dma_start3A_81 = arith.constant 0 : i32
        %dma_start3A_82 = tpu.memref_slice %arg3[%add3A_21, %dma_start3A_81] : memref<5120x128xi32, #tpu.memory_space<hbm>> -> memref<40x128xi32, #tpu.memory_space<hbm>>
        %dma_start3A_83 = arith.constant 0 : i32
        %dma_start3A_84 = tpu.memref_slice %arg3[%add3A_21, %dma_start3A_83] : memref<5120x128xi32, #tpu.memory_space<hbm>> -> memref<40x128xi32, #tpu.memory_space<hbm>>
        tpu.enqueue_dma source(%dma_start3A_84 : memref<40x128xi32, #tpu.memory_space<hbm>>) target(%arg7 : memref<40x128xi32, #tpu.memory_space<vmem>>) target_semaphore(%run_scoped3A : memref<!tpu.dma_semaphore, #tpu.memory_space<semaphore_mem>>)
        %dma_wait3A_85 = arith.constant 0 : i32
        %dma_wait3A_86 = tpu.memref_slice %arg3[%add3A_21, %dma_wait3A_85] : memref<5120x128xi32, #tpu.memory_space<hbm>> -> memref<40x128xi32, #tpu.memory_space<hbm>>
        %dma_wait3A_87 = arith.constant 0 : i32
        %dma_wait3A_88 = tpu.memref_slice %arg3[%add3A_21, %dma_wait3A_87] : memref<5120x128xi32, #tpu.memory_space<hbm>> -> memref<40x128xi32, #tpu.memory_space<hbm>>
        tpu.wait_dma2 semaphore(%run_scoped3A : memref<!tpu.dma_semaphore, #tpu.memory_space<semaphore_mem>>) src(%dma_wait3A_88 : memref<40x128xi32, #tpu.memory_space<hbm>>) dst(%arg7 : memref<40x128xi32, #tpu.memory_space<vmem>>)
        tpu.yield
      }) : () -> ()
      "tpu.region"() ({
        %run_scoped3A = tpu.sem_alloc : memref<!tpu.dma_semaphore, #tpu.memory_space<semaphore_mem>>
        %dma_start3A_81 = arith.constant 0 : i32
        %dma_start3A_82 = tpu.memref_slice %arg4[%add3A_18, %dma_start3A_81] : memref<2560x128xi32, #tpu.memory_space<hbm>> -> memref<40x128xi32, #tpu.memory_space<hbm>>
        %dma_start3A_83 = arith.constant 0 : i32
        %dma_start3A_84 = tpu.memref_slice %arg4[%add3A_18, %dma_start3A_83] : memref<2560x128xi32, #tpu.memory_space<hbm>> -> memref<40x128xi32, #tpu.memory_space<hbm>>
        tpu.enqueue_dma source(%dma_start3A_84 : memref<40x128xi32, #tpu.memory_space<hbm>>) target(%arg8 : memref<40x128xi32, #tpu.memory_space<vmem>>) target_semaphore(%run_scoped3A : memref<!tpu.dma_semaphore, #tpu.memory_space<semaphore_mem>>)
        %dma_wait3A_85 = arith.constant 0 : i32
        %dma_wait3A_86 = tpu.memref_slice %arg4[%add3A_18, %dma_wait3A_85] : memref<2560x128xi32, #tpu.memory_space<hbm>> -> memref<40x128xi32, #tpu.memory_space<hbm>>
        %dma_wait3A_87 = arith.constant 0 : i32
        %dma_wait3A_88 = tpu.memref_slice %arg4[%add3A_18, %dma_wait3A_87] : memref<2560x128xi32, #tpu.memory_space<hbm>> -> memref<40x128xi32, #tpu.memory_space<hbm>>
        tpu.wait_dma2 semaphore(%run_scoped3A : memref<!tpu.dma_semaphore, #tpu.memory_space<semaphore_mem>>) src(%dma_wait3A_88 : memref<40x128xi32, #tpu.memory_space<hbm>>) dst(%arg8 : memref<40x128xi32, #tpu.memory_space<vmem>>)
        tpu.yield
      }) : () -> ()
      %dma_start3A = arith.constant 0 : i32
      %dma_start3A_22 = arith.constant 0 : i32
      %dma_start3A_23 = tpu.memref_slice %arg7[%dma_start3A, %dma_start3A_22] : memref<40x128xi32, #tpu.memory_space<vmem>> -> memref<1x128xi32, #tpu.memory_space<vmem>>
      %dma_start3A_24 = tpu.memref_squeeze %dma_start3A_23 : memref<1x128xi32, #tpu.memory_space<vmem>> -> memref<128xi32, #tpu.memory_space<vmem>>
      %dma_start3A_25 = arith.constant 0 : i32
      %dma_start3A_26 = arith.constant 0 : i32
      %dma_start3A_27 = tpu.memref_slice %arg2[%dma_start3A_25, %dma_start3A_26] : memref<20000x128xf32, #tpu.memory_space<hbm>> -> memref<20000x128xf32, #tpu.memory_space<hbm>>
      tpu.enqueue_indirect_dma source(%dma_start3A_27 : memref<20000x128xf32, #tpu.memory_space<hbm>>) target(%arg9 : memref<128x128xf32, #tpu.memory_space<vmem>>) offsets(%dma_start3A_24 : memref<128xi32, #tpu.memory_space<vmem>>) semaphore(%arg12 : memref<!tpu.dma_semaphore, #tpu.memory_space<semaphore_mem>>)
      %dma_start3A_28 = arith.constant 1 : i32
      %dma_start3A_29 = arith.constant 0 : i32
      %dma_start3A_30 = tpu.memref_slice %arg7[%dma_start3A_28, %dma_start3A_29] : memref<40x128xi32, #tpu.memory_space<vmem>> -> memref<1x128xi32, #tpu.memory_space<vmem>>
      %dma_start3A_31 = tpu.memref_squeeze %dma_start3A_30 : memref<1x128xi32, #tpu.memory_space<vmem>> -> memref<128xi32, #tpu.memory_space<vmem>>
      %dma_start3A_32 = arith.constant 0 : i32
      %dma_start3A_33 = arith.constant 0 : i32
      %dma_start3A_34 = tpu.memref_slice %arg2[%dma_start3A_32, %dma_start3A_33] : memref<20000x128xf32, #tpu.memory_space<hbm>> -> memref<20000x128xf32, #tpu.memory_space<hbm>>
      tpu.enqueue_indirect_dma source(%dma_start3A_34 : memref<20000x128xf32, #tpu.memory_space<hbm>>) target(%arg10 : memref<128x128xf32, #tpu.memory_space<vmem>>) offsets(%dma_start3A_31 : memref<128xi32, #tpu.memory_space<vmem>>) semaphore(%arg13 : memref<!tpu.dma_semaphore, #tpu.memory_space<semaphore_mem>>)
      %scan3A_35 = arith.constant 0 : i32
      %scan3A_36 = arith.constant 19 : i32
      %scan3A_37 = arith.addi %scan3A_35, %scan3A_36 : i32
      %scan3A_38 = arith.constant 1 : i32
      scf.for %scan3A_81 = %scan3A_35 to %scan3A_37 step %scan3A_38  : i32 {
        %mul3A_82 = arith.constant 1 : i32
        %mul3A_83 = arith.muli %scan3A_81, %mul3A_82 : i32
        %add3A_84 = arith.constant 0 : i32
        %add3A_85 = arith.addi %add3A_84, %mul3A_83 : i32
        %mul3A_86 = arith.constant 2 : i32
        %mul3A_87 = arith.muli %add3A_85, %mul3A_86 : i32
        %add3A_88 = arith.constant 0 : i32
        %add3A_89 = arith.addi %mul3A_87, %add3A_88 : i32
        %dma_wait3A_90 = arith.constant 0 : i32
        %dma_wait3A_91 = tpu.memref_slice %arg7[%add3A_89, %dma_wait3A_90] : memref<40x128xi32, #tpu.memory_space<vmem>> -> memref<1x128xi32, #tpu.memory_space<vmem>>
        %dma_wait3A_92 = tpu.memref_squeeze %dma_wait3A_91 : memref<1x128xi32, #tpu.memory_space<vmem>> -> memref<128xi32, #tpu.memory_space<vmem>>
        %dma_wait3A_93 = arith.constant 0 : i32
        %dma_wait3A_94 = arith.constant 0 : i32
        %dma_wait3A_95 = tpu.memref_slice %arg2[%dma_wait3A_93, %dma_wait3A_94] : memref<20000x128xf32, #tpu.memory_space<hbm>> -> memref<20000x128xf32, #tpu.memory_space<hbm>>
        tpu.wait_indirect_dma semaphore(%arg12 : memref<!tpu.dma_semaphore, #tpu.memory_space<semaphore_mem>>) src(%dma_wait3A_95 : memref<20000x128xf32, #tpu.memory_space<hbm>>) dst(%arg9 : memref<128x128xf32, #tpu.memory_space<vmem>>)
        %add3A_96 = arith.constant 0 : i32
        %add3A_97 = arith.addi %mul3A_87, %add3A_96 : i32
        %dma_start3A_98 = arith.constant 0 : i32
        %dma_start3A_99 = tpu.memref_slice %arg8[%add3A_97, %dma_start3A_98] : memref<40x128xi32, #tpu.memory_space<vmem>> -> memref<1x128xi32, #tpu.memory_space<vmem>>
        %dma_start3A_100 = tpu.memref_squeeze %dma_start3A_99 : memref<1x128xi32, #tpu.memory_space<vmem>> -> memref<128xi32, #tpu.memory_space<vmem>>
        %dma_start3A_101 = arith.constant 0 : i32
        %dma_start3A_102 = arith.constant 0 : i32
        %dma_start3A_103 = tpu.memref_slice %arg11[%dma_start3A_101, %dma_start3A_102] : memref<10112x128xf32, #tpu.memory_space<vmem_shared>> -> memref<10112x128xf32, #tpu.memory_space<vmem_shared>>
        tpu.enqueue_indirect_dma source(%arg9 : memref<128x128xf32, #tpu.memory_space<vmem>>) target(%dma_start3A_103 : memref<10112x128xf32, #tpu.memory_space<vmem_shared>>) offsets(%dma_start3A_100 : memref<128xi32, #tpu.memory_space<vmem>>) semaphore(%arg14 : memref<!tpu.dma_semaphore, #tpu.memory_space<semaphore_mem>>) {add = true}
        %add3A_104 = arith.constant 1 : i32
        %add3A_105 = arith.addi %mul3A_87, %add3A_104 : i32
        %dma_wait3A_106 = arith.constant 0 : i32
        %dma_wait3A_107 = tpu.memref_slice %arg7[%add3A_105, %dma_wait3A_106] : memref<40x128xi32, #tpu.memory_space<vmem>> -> memref<1x128xi32, #tpu.memory_space<vmem>>
        %dma_wait3A_108 = tpu.memref_squeeze %dma_wait3A_107 : memref<1x128xi32, #tpu.memory_space<vmem>> -> memref<128xi32, #tpu.memory_space<vmem>>
        %dma_wait3A_109 = arith.constant 0 : i32
        %dma_wait3A_110 = arith.constant 0 : i32
        %dma_wait3A_111 = tpu.memref_slice %arg2[%dma_wait3A_109, %dma_wait3A_110] : memref<20000x128xf32, #tpu.memory_space<hbm>> -> memref<20000x128xf32, #tpu.memory_space<hbm>>
        tpu.wait_indirect_dma semaphore(%arg13 : memref<!tpu.dma_semaphore, #tpu.memory_space<semaphore_mem>>) src(%dma_wait3A_111 : memref<20000x128xf32, #tpu.memory_space<hbm>>) dst(%arg10 : memref<128x128xf32, #tpu.memory_space<vmem>>)
        %add3A_112 = arith.constant 1 : i32
        %add3A_113 = arith.addi %mul3A_87, %add3A_112 : i32
        %dma_start3A_114 = arith.constant 0 : i32
        %dma_start3A_115 = tpu.memref_slice %arg8[%add3A_113, %dma_start3A_114] : memref<40x128xi32, #tpu.memory_space<vmem>> -> memref<1x128xi32, #tpu.memory_space<vmem>>
        %dma_start3A_116 = tpu.memref_squeeze %dma_start3A_115 : memref<1x128xi32, #tpu.memory_space<vmem>> -> memref<128xi32, #tpu.memory_space<vmem>>
        %dma_start3A_117 = arith.constant 0 : i32
        %dma_start3A_118 = arith.constant 0 : i32
        %dma_start3A_119 = tpu.memref_slice %arg11[%dma_start3A_117, %dma_start3A_118] : memref<10112x128xf32, #tpu.memory_space<vmem_shared>> -> memref<10112x128xf32, #tpu.memory_space<vmem_shared>>
        tpu.enqueue_indirect_dma source(%arg10 : memref<128x128xf32, #tpu.memory_space<vmem>>) target(%dma_start3A_119 : memref<10112x128xf32, #tpu.memory_space<vmem_shared>>) offsets(%dma_start3A_116 : memref<128xi32, #tpu.memory_space<vmem>>) semaphore(%arg15 : memref<!tpu.dma_semaphore, #tpu.memory_space<semaphore_mem>>) {add = true}
        %add3A_120 = arith.constant 0 : i32
        %add3A_121 = arith.addi %mul3A_87, %add3A_120 : i32
        %dma_wait3A_122 = arith.constant 0 : i32
        %dma_wait3A_123 = tpu.memref_slice %arg8[%add3A_121, %dma_wait3A_122] : memref<40x128xi32, #tpu.memory_space<vmem>> -> memref<1x128xi32, #tpu.memory_space<vmem>>
        %dma_wait3A_124 = tpu.memref_squeeze %dma_wait3A_123 : memref<1x128xi32, #tpu.memory_space<vmem>> -> memref<128xi32, #tpu.memory_space<vmem>>
        %dma_wait3A_125 = arith.constant 0 : i32
        %dma_wait3A_126 = arith.constant 0 : i32
        %dma_wait3A_127 = tpu.memref_slice %arg11[%dma_wait3A_125, %dma_wait3A_126] : memref<10112x128xf32, #tpu.memory_space<vmem_shared>> -> memref<10112x128xf32, #tpu.memory_space<vmem_shared>>
        tpu.wait_indirect_dma semaphore(%arg14 : memref<!tpu.dma_semaphore, #tpu.memory_space<semaphore_mem>>) src(%arg9 : memref<128x128xf32, #tpu.memory_space<vmem>>) dst(%dma_wait3A_127 : memref<10112x128xf32, #tpu.memory_space<vmem_shared>>)
        %add3A_128 = arith.constant 2 : i32
        %add3A_129 = arith.addi %mul3A_87, %add3A_128 : i32
        %add3A_130 = arith.constant 0 : i32
        %add3A_131 = arith.addi %add3A_129, %add3A_130 : i32
        %dma_start3A_132 = arith.constant 0 : i32
        %dma_start3A_133 = tpu.memref_slice %arg7[%add3A_131, %dma_start3A_132] : memref<40x128xi32, #tpu.memory_space<vmem>> -> memref<1x128xi32, #tpu.memory_space<vmem>>
        %dma_start3A_134 = tpu.memref_squeeze %dma_start3A_133 : memref<1x128xi32, #tpu.memory_space<vmem>> -> memref<128xi32, #tpu.memory_space<vmem>>
        %dma_start3A_135 = arith.constant 0 : i32
        %dma_start3A_136 = arith.constant 0 : i32
        %dma_start3A_137 = tpu.memref_slice %arg2[%dma_start3A_135, %dma_start3A_136] : memref<20000x128xf32, #tpu.memory_space<hbm>> -> memref<20000x128xf32, #tpu.memory_space<hbm>>
        tpu.enqueue_indirect_dma source(%dma_start3A_137 : memref<20000x128xf32, #tpu.memory_space<hbm>>) target(%arg9 : memref<128x128xf32, #tpu.memory_space<vmem>>) offsets(%dma_start3A_134 : memref<128xi32, #tpu.memory_space<vmem>>) semaphore(%arg12 : memref<!tpu.dma_semaphore, #tpu.memory_space<semaphore_mem>>)
        %add3A_138 = arith.constant 1 : i32
        %add3A_139 = arith.addi %mul3A_87, %add3A_138 : i32
        %dma_wait3A_140 = arith.constant 0 : i32
        %dma_wait3A_141 = tpu.memref_slice %arg8[%add3A_139, %dma_wait3A_140] : memref<40x128xi32, #tpu.memory_space<vmem>> -> memref<1x128xi32, #tpu.memory_space<vmem>>
        %dma_wait3A_142 = tpu.memref_squeeze %dma_wait3A_141 : memref<1x128xi32, #tpu.memory_space<vmem>> -> memref<128xi32, #tpu.memory_space<vmem>>
        %dma_wait3A_143 = arith.constant 0 : i32
        %dma_wait3A_144 = arith.constant 0 : i32
        %dma_wait3A_145 = tpu.memref_slice %arg11[%dma_wait3A_143, %dma_wait3A_144] : memref<10112x128xf32, #tpu.memory_space<vmem_shared>> -> memref<10112x128xf32, #tpu.memory_space<vmem_shared>>
        tpu.wait_indirect_dma semaphore(%arg15 : memref<!tpu.dma_semaphore, #tpu.memory_space<semaphore_mem>>) src(%arg10 : memref<128x128xf32, #tpu.memory_space<vmem>>) dst(%dma_wait3A_145 : memref<10112x128xf32, #tpu.memory_space<vmem_shared>>)
        %add3A_146 = arith.constant 2 : i32
        %add3A_147 = arith.addi %mul3A_87, %add3A_146 : i32
        %add3A_148 = arith.constant 1 : i32
        %add3A_149 = arith.addi %add3A_147, %add3A_148 : i32
        %dma_start3A_150 = arith.constant 0 : i32
        %dma_start3A_151 = tpu.memref_slice %arg7[%add3A_149, %dma_start3A_150] : memref<40x128xi32, #tpu.memory_space<vmem>> -> memref<1x128xi32, #tpu.memory_space<vmem>>
        %dma_start3A_152 = tpu.memref_squeeze %dma_start3A_151 : memref<1x128xi32, #tpu.memory_space<vmem>> -> memref<128xi32, #tpu.memory_space<vmem>>
        %dma_start3A_153 = arith.constant 0 : i32
        %dma_start3A_154 = arith.constant 0 : i32
        %dma_start3A_155 = tpu.memref_slice %arg2[%dma_start3A_153, %dma_start3A_154] : memref<20000x128xf32, #tpu.memory_space<hbm>> -> memref<20000x128xf32, #tpu.memory_space<hbm>>
        tpu.enqueue_indirect_dma source(%dma_start3A_155 : memref<20000x128xf32, #tpu.memory_space<hbm>>) target(%arg10 : memref<128x128xf32, #tpu.memory_space<vmem>>) offsets(%dma_start3A_152 : memref<128xi32, #tpu.memory_space<vmem>>) semaphore(%arg13 : memref<!tpu.dma_semaphore, #tpu.memory_space<semaphore_mem>>)
      }
      %scan3A_39 = arith.constant 19 : i32
      %dma_wait3A = arith.constant 38 : i32
      %dma_wait3A_40 = arith.constant 0 : i32
      %dma_wait3A_41 = tpu.memref_slice %arg7[%dma_wait3A, %dma_wait3A_40] : memref<40x128xi32, #tpu.memory_space<vmem>> -> memref<1x128xi32, #tpu.memory_space<vmem>>
      %dma_wait3A_42 = tpu.memref_squeeze %dma_wait3A_41 : memref<1x128xi32, #tpu.memory_space<vmem>> -> memref<128xi32, #tpu.memory_space<vmem>>
      %dma_wait3A_43 = arith.constant 0 : i32
      %dma_wait3A_44 = arith.constant 0 : i32
      %dma_wait3A_45 = tpu.memref_slice %arg2[%dma_wait3A_43, %dma_wait3A_44] : memref<20000x128xf32, #tpu.memory_space<hbm>> -> memref<20000x128xf32, #tpu.memory_space<hbm>>
      tpu.wait_indirect_dma semaphore(%arg12 : memref<!tpu.dma_semaphore, #tpu.memory_space<semaphore_mem>>) src(%dma_wait3A_45 : memref<20000x128xf32, #tpu.memory_space<hbm>>) dst(%arg9 : memref<128x128xf32, #tpu.memory_space<vmem>>)
      %dma_start3A_46 = arith.constant 38 : i32
      %dma_start3A_47 = arith.constant 0 : i32
      %dma_start3A_48 = tpu.memref_slice %arg8[%dma_start3A_46, %dma_start3A_47] : memref<40x128xi32, #tpu.memory_space<vmem>> -> memref<1x128xi32, #tpu.memory_space<vmem>>
      %dma_start3A_49 = tpu.memref_squeeze %dma_start3A_48 : memref<1x128xi32, #tpu.memory_space<vmem>> -> memref<128xi32, #tpu.memory_space<vmem>>
      %dma_start3A_50 = arith.constant 0 : i32
      %dma_start3A_51 = arith.constant 0 : i32
      %dma_start3A_52 = tpu.memref_slice %arg11[%dma_start3A_50, %dma_start3A_51] : memref<10112x128xf32, #tpu.memory_space<vmem_shared>> -> memref<10112x128xf32, #tpu.memory_space<vmem_shared>>
      tpu.enqueue_indirect_dma source(%arg9 : memref<128x128xf32, #tpu.memory_space<vmem>>) target(%dma_start3A_52 : memref<10112x128xf32, #tpu.memory_space<vmem_shared>>) offsets(%dma_start3A_49 : memref<128xi32, #tpu.memory_space<vmem>>) semaphore(%arg14 : memref<!tpu.dma_semaphore, #tpu.memory_space<semaphore_mem>>) {add = true}
      %dma_wait3A_53 = arith.constant 39 : i32
      %dma_wait3A_54 = arith.constant 0 : i32
      %dma_wait3A_55 = tpu.memref_slice %arg7[%dma_wait3A_53, %dma_wait3A_54] : memref<40x128xi32, #tpu.memory_space<vmem>> -> memref<1x128xi32, #tpu.memory_space<vmem>>
      %dma_wait3A_56 = tpu.memref_squeeze %dma_wait3A_55 : memref<1x128xi32, #tpu.memory_space<vmem>> -> memref<128xi32, #tpu.memory_space<vmem>>
      %dma_wait3A_57 = arith.constant 0 : i32
      %dma_wait3A_58 = arith.constant 0 : i32
      %dma_wait3A_59 = tpu.memref_slice %arg2[%dma_wait3A_57, %dma_wait3A_58] : memref<20000x128xf32, #tpu.memory_space<hbm>> -> memref<20000x128xf32, #tpu.memory_space<hbm>>
      tpu.wait_indirect_dma semaphore(%arg13 : memref<!tpu.dma_semaphore, #tpu.memory_space<semaphore_mem>>) src(%dma_wait3A_59 : memref<20000x128xf32, #tpu.memory_space<hbm>>) dst(%arg10 : memref<128x128xf32, #tpu.memory_space<vmem>>)
      %dma_start3A_60 = arith.constant 39 : i32
      %dma_start3A_61 = arith.constant 0 : i32
      %dma_start3A_62 = tpu.memref_slice %arg8[%dma_start3A_60, %dma_start3A_61] : memref<40x128xi32, #tpu.memory_space<vmem>> -> memref<1x128xi32, #tpu.memory_space<vmem>>
      %dma_start3A_63 = tpu.memref_squeeze %dma_start3A_62 : memref<1x128xi32, #tpu.memory_space<vmem>> -> memref<128xi32, #tpu.memory_space<vmem>>
      %dma_start3A_64 = arith.constant 0 : i32
      %dma_start3A_65 = arith.constant 0 : i32
      %dma_start3A_66 = tpu.memref_slice %arg11[%dma_start3A_64, %dma_start3A_65] : memref<10112x128xf32, #tpu.memory_space<vmem_shared>> -> memref<10112x128xf32, #tpu.memory_space<vmem_shared>>
      tpu.enqueue_indirect_dma source(%arg10 : memref<128x128xf32, #tpu.memory_space<vmem>>) target(%dma_start3A_66 : memref<10112x128xf32, #tpu.memory_space<vmem_shared>>) offsets(%dma_start3A_63 : memref<128xi32, #tpu.memory_space<vmem>>) semaphore(%arg15 : memref<!tpu.dma_semaphore, #tpu.memory_space<semaphore_mem>>) {add = true}
      %dma_wait3A_67 = arith.constant 38 : i32
      %dma_wait3A_68 = arith.constant 0 : i32
      %dma_wait3A_69 = tpu.memref_slice %arg8[%dma_wait3A_67, %dma_wait3A_68] : memref<40x128xi32, #tpu.memory_space<vmem>> -> memref<1x128xi32, #tpu.memory_space<vmem>>
      %dma_wait3A_70 = tpu.memref_squeeze %dma_wait3A_69 : memref<1x128xi32, #tpu.memory_space<vmem>> -> memref<128xi32, #tpu.memory_space<vmem>>
      %dma_wait3A_71 = arith.constant 0 : i32
      %dma_wait3A_72 = arith.constant 0 : i32
      %dma_wait3A_73 = tpu.memref_slice %arg11[%dma_wait3A_71, %dma_wait3A_72] : memref<10112x128xf32, #tpu.memory_space<vmem_shared>> -> memref<10112x128xf32, #tpu.memory_space<vmem_shared>>
      tpu.wait_indirect_dma semaphore(%arg14 : memref<!tpu.dma_semaphore, #tpu.memory_space<semaphore_mem>>) src(%arg9 : memref<128x128xf32, #tpu.memory_space<vmem>>) dst(%dma_wait3A_73 : memref<10112x128xf32, #tpu.memory_space<vmem_shared>>)
      %dma_wait3A_74 = arith.constant 39 : i32
      %dma_wait3A_75 = arith.constant 0 : i32
      %dma_wait3A_76 = tpu.memref_slice %arg8[%dma_wait3A_74, %dma_wait3A_75] : memref<40x128xi32, #tpu.memory_space<vmem>> -> memref<1x128xi32, #tpu.memory_space<vmem>>
      %dma_wait3A_77 = tpu.memref_squeeze %dma_wait3A_76 : memref<1x128xi32, #tpu.memory_space<vmem>> -> memref<128xi32, #tpu.memory_space<vmem>>
      %dma_wait3A_78 = arith.constant 0 : i32
      %dma_wait3A_79 = arith.constant 0 : i32
      %dma_wait3A_80 = tpu.memref_slice %arg11[%dma_wait3A_78, %dma_wait3A_79] : memref<10112x128xf32, #tpu.memory_space<vmem_shared>> -> memref<10112x128xf32, #tpu.memory_space<vmem_shared>>
      tpu.wait_indirect_dma semaphore(%arg15 : memref<!tpu.dma_semaphore, #tpu.memory_space<semaphore_mem>>) src(%arg10 : memref<128x128xf32, #tpu.memory_space<vmem>>) dst(%dma_wait3A_80 : memref<10112x128xf32, #tpu.memory_space<vmem_shared>>)
    }
    %scan3A_4 = arith.constant 4 : i32
    %barrier3A_5 = arith.constant 0 : index
    tpu.barrier barrier_id(%barrier3A_5)
    %mul3A_6 = arith.constant 632 : i32
    %mul3A_7 = arith.muli %arg1, %mul3A_6 : i32
    %mul3A_8 = arith.constant 632 : i32
    %mul3A_9 = arith.muli %arg1, %mul3A_8 : i32
    "tpu.region"() ({
      %run_scoped3A = tpu.sem_alloc : memref<!tpu.dma_semaphore, #tpu.memory_space<semaphore_mem>>
      %dma_start3A = arith.constant 0 : i32
      %dma_start3A_10 = tpu.memref_slice %arg6[%arg0, %mul3A_9, %dma_start3A] : memref<2x10112x128xf32, #tpu.memory_space<hbm>> -> memref<1x632x128xf32, #tpu.memory_space<hbm>>
      %dma_start3A_11 = tpu.memref_squeeze %dma_start3A_10 : memref<1x632x128xf32, #tpu.memory_space<hbm>> -> memref<632x128xf32, #tpu.memory_space<hbm>>
      %dma_start3A_12 = arith.constant 0 : i32
      %dma_start3A_13 = tpu.memref_slice %arg11[%mul3A_7, %dma_start3A_12] : memref<10112x128xf32, #tpu.memory_space<vmem_shared>> -> memref<632x128xf32, #tpu.memory_space<vmem_shared>>
      tpu.enqueue_dma source(%dma_start3A_13 : memref<632x128xf32, #tpu.memory_space<vmem_shared>>) target(%dma_start3A_11 : memref<632x128xf32, #tpu.memory_space<hbm>>) target_semaphore(%run_scoped3A : memref<!tpu.dma_semaphore, #tpu.memory_space<semaphore_mem>>)
      %dma_wait3A = arith.constant 0 : i32
      %dma_wait3A_14 = tpu.memref_slice %arg6[%arg0, %mul3A_9, %dma_wait3A] : memref<2x10112x128xf32, #tpu.memory_space<hbm>> -> memref<1x632x128xf32, #tpu.memory_space<hbm>>
      %dma_wait3A_15 = tpu.memref_squeeze %dma_wait3A_14 : memref<1x632x128xf32, #tpu.memory_space<hbm>> -> memref<632x128xf32, #tpu.memory_space<hbm>>
      %dma_wait3A_16 = arith.constant 0 : i32
      %dma_wait3A_17 = tpu.memref_slice %arg11[%mul3A_7, %dma_wait3A_16] : memref<10112x128xf32, #tpu.memory_space<vmem_shared>> -> memref<632x128xf32, #tpu.memory_space<vmem_shared>>
      tpu.wait_dma2 semaphore(%run_scoped3A : memref<!tpu.dma_semaphore, #tpu.memory_space<semaphore_mem>>) src(%dma_wait3A_17 : memref<632x128xf32, #tpu.memory_space<vmem_shared>>) dst(%dma_wait3A_15 : memref<632x128xf32, #tpu.memory_space<hbm>>)
      tpu.yield
    }) : () -> ()
    return
  }
}

#map = affine_map<(d0, d1) -> (0, 0)>
#map1 = affine_map<(d0, d1) -> (0, 0, 0)>
module attributes {stable_mosaic.version = 14 : i64} {
  func.func @sc_segsum(%arg0: i32, %arg1: i32, %arg2: memref<20000x128xf32, #tpu.memory_space<hbm>>, %arg3: memref<5120x128xi32, #tpu.memory_space<hbm>>, %arg4: memref<2560x128xi32, #tpu.memory_space<hbm>>, %arg5: memref<632x128xf32, #tpu.memory_space<hbm>>, %arg6: memref<2x10112x128xf32, #tpu.memory_space<hbm>>, %arg7: memref<40x128xi32, #tpu.memory_space<vmem>>, %arg8: memref<40x128xi32, #tpu.memory_space<vmem>>, %arg9: memref<128x128xf32, #tpu.memory_space<vmem>>, %arg10: memref<128x128xf32, #tpu.memory_space<vmem>>, %arg11: memref<10112x128xf32, #tpu.memory_space<vmem_shared>>, %arg12: memref<!tpu.dma_semaphore, #tpu.memory_space<semaphore_mem>>, %arg13: memref<!tpu.dma_semaphore, #tpu.memory_space<semaphore_mem>>, %arg14: memref<!tpu.dma_semaphore, #tpu.memory_space<semaphore_mem>>, %arg15: memref<!tpu.dma_semaphore, #tpu.memory_space<semaphore_mem>>) attributes {dimension_semantics = [#tpu.dimension_semantics<core_parallel>, #tpu.dimension_semantics<subcore_parallel>], iteration_bounds = array<i64: 2, 16>, scalar_prefetch = 0 : i64, scratch_operands = 9 : i64, tpu.core_type = #tpu.core_type<sc_vector_subcore>, window_params = [{transform_indices = #map}, {transform_indices = #map}, {transform_indices = #map}, {transform_indices = #map}, {transform_indices = #map1}]} {
    %mul3A = arith.constant 632 : i32
    %mul3A_0 = arith.muli %arg1, %mul3A : i32
    "tpu.region"() ({
      %run_scoped3A = tpu.sem_alloc : memref<!tpu.dma_semaphore, #tpu.memory_space<semaphore_mem>>
      %dma_start3A = arith.constant 0 : i32
      %dma_start3A_10 = tpu.memref_slice %arg11[%mul3A_0, %dma_start3A] : memref<10112x128xf32, #tpu.memory_space<vmem_shared>> -> memref<632x128xf32, #tpu.memory_space<vmem_shared>>
      tpu.enqueue_dma source(%arg5 : memref<632x128xf32, #tpu.memory_space<hbm>>) target(%dma_start3A_10 : memref<632x128xf32, #tpu.memory_space<vmem_shared>>) target_semaphore(%run_scoped3A : memref<!tpu.dma_semaphore, #tpu.memory_space<semaphore_mem>>)
      %dma_wait3A = arith.constant 0 : i32
      %dma_wait3A_11 = tpu.memref_slice %arg11[%mul3A_0, %dma_wait3A] : memref<10112x128xf32, #tpu.memory_space<vmem_shared>> -> memref<632x128xf32, #tpu.memory_space<vmem_shared>>
      tpu.wait_dma2 semaphore(%run_scoped3A : memref<!tpu.dma_semaphore, #tpu.memory_space<semaphore_mem>>) src(%arg5 : memref<632x128xf32, #tpu.memory_space<hbm>>) dst(%dma_wait3A_11 : memref<632x128xf32, #tpu.memory_space<vmem_shared>>)
      tpu.yield
    }) : () -> ()
    %barrier3A = arith.constant 0 : index
    tpu.barrier barrier_id(%barrier3A)
    %scan3A = arith.constant 0 : i32
    %scan3A_1 = arith.constant 4 : i32
    %scan3A_2 = arith.addi %scan3A, %scan3A_1 : i32
    %scan3A_3 = arith.constant 1 : i32
    scf.for %scan3A_10 = %scan3A to %scan3A_2 step %scan3A_3  : i32 {
      %mul3A_11 = arith.constant 1 : i32
      %mul3A_12 = arith.muli %scan3A_10, %mul3A_11 : i32
      %add3A = arith.constant 0 : i32
      %add3A_13 = arith.addi %add3A, %mul3A_12 : i32
      %mul3A_14 = arith.constant 160 : i32
      %mul3A_15 = arith.muli %arg1, %mul3A_14 : i32
      %mul3A_16 = arith.constant 40 : i32
      %mul3A_17 = arith.muli %add3A_13, %mul3A_16 : i32
      %add3A_18 = arith.addi %mul3A_15, %mul3A_17 : i32
      %mul3A_19 = arith.constant 2560 : i32
      %mul3A_20 = arith.muli %arg0, %mul3A_19 : i32
      %add3A_21 = arith.addi %mul3A_20, %add3A_18 : i32
      "tpu.region"() ({
        %run_scoped3A = tpu.sem_alloc : memref<!tpu.dma_semaphore, #tpu.memory_space<semaphore_mem>>
        %dma_start3A_81 = arith.constant 0 : i32
        %dma_start3A_82 = tpu.memref_slice %arg3[%add3A_21, %dma_start3A_81] : memref<5120x128xi32, #tpu.memory_space<hbm>> -> memref<40x128xi32, #tpu.memory_space<hbm>>
        %dma_start3A_83 = arith.constant 0 : i32
        %dma_start3A_84 = tpu.memref_slice %arg3[%add3A_21, %dma_start3A_83] : memref<5120x128xi32, #tpu.memory_space<hbm>> -> memref<40x128xi32, #tpu.memory_space<hbm>>
        tpu.enqueue_dma source(%dma_start3A_84 : memref<40x128xi32, #tpu.memory_space<hbm>>) target(%arg7 : memref<40x128xi32, #tpu.memory_space<vmem>>) target_semaphore(%run_scoped3A : memref<!tpu.dma_semaphore, #tpu.memory_space<semaphore_mem>>)
        %dma_wait3A_85 = arith.constant 0 : i32
        %dma_wait3A_86 = tpu.memref_slice %arg3[%add3A_21, %dma_wait3A_85] : memref<5120x128xi32, #tpu.memory_space<hbm>> -> memref<40x128xi32, #tpu.memory_space<hbm>>
        %dma_wait3A_87 = arith.constant 0 : i32
        %dma_wait3A_88 = tpu.memref_slice %arg3[%add3A_21, %dma_wait3A_87] : memref<5120x128xi32, #tpu.memory_space<hbm>> -> memref<40x128xi32, #tpu.memory_space<hbm>>
        tpu.wait_dma2 semaphore(%run_scoped3A : memref<!tpu.dma_semaphore, #tpu.memory_space<semaphore_mem>>) src(%dma_wait3A_88 : memref<40x128xi32, #tpu.memory_space<hbm>>) dst(%arg7 : memref<40x128xi32, #tpu.memory_space<vmem>>)
        tpu.yield
      }) : () -> ()
      "tpu.region"() ({
        %run_scoped3A = tpu.sem_alloc : memref<!tpu.dma_semaphore, #tpu.memory_space<semaphore_mem>>
        %dma_start3A_81 = arith.constant 0 : i32
        %dma_start3A_82 = tpu.memref_slice %arg4[%add3A_18, %dma_start3A_81] : memref<2560x128xi32, #tpu.memory_space<hbm>> -> memref<40x128xi32, #tpu.memory_space<hbm>>
        %dma_start3A_83 = arith.constant 0 : i32
        %dma_start3A_84 = tpu.memref_slice %arg4[%add3A_18, %dma_start3A_83] : memref<2560x128xi32, #tpu.memory_space<hbm>> -> memref<40x128xi32, #tpu.memory_space<hbm>>
        tpu.enqueue_dma source(%dma_start3A_84 : memref<40x128xi32, #tpu.memory_space<hbm>>) target(%arg8 : memref<40x128xi32, #tpu.memory_space<vmem>>) target_semaphore(%run_scoped3A : memref<!tpu.dma_semaphore, #tpu.memory_space<semaphore_mem>>)
        %dma_wait3A_85 = arith.constant 0 : i32
        %dma_wait3A_86 = tpu.memref_slice %arg4[%add3A_18, %dma_wait3A_85] : memref<2560x128xi32, #tpu.memory_space<hbm>> -> memref<40x128xi32, #tpu.memory_space<hbm>>
        %dma_wait3A_87 = arith.constant 0 : i32
        %dma_wait3A_88 = tpu.memref_slice %arg4[%add3A_18, %dma_wait3A_87] : memref<2560x128xi32, #tpu.memory_space<hbm>> -> memref<40x128xi32, #tpu.memory_space<hbm>>
        tpu.wait_dma2 semaphore(%run_scoped3A : memref<!tpu.dma_semaphore, #tpu.memory_space<semaphore_mem>>) src(%dma_wait3A_88 : memref<40x128xi32, #tpu.memory_space<hbm>>) dst(%arg8 : memref<40x128xi32, #tpu.memory_space<vmem>>)
        tpu.yield
      }) : () -> ()
      %dma_start3A = arith.constant 0 : i32
      %dma_start3A_22 = arith.constant 0 : i32
      %dma_start3A_23 = tpu.memref_slice %arg7[%dma_start3A, %dma_start3A_22] : memref<40x128xi32, #tpu.memory_space<vmem>> -> memref<1x128xi32, #tpu.memory_space<vmem>>
      %dma_start3A_24 = tpu.memref_squeeze %dma_start3A_23 : memref<1x128xi32, #tpu.memory_space<vmem>> -> memref<128xi32, #tpu.memory_space<vmem>>
      %dma_start3A_25 = arith.constant 0 : i32
      %dma_start3A_26 = arith.constant 0 : i32
      %dma_start3A_27 = tpu.memref_slice %arg2[%dma_start3A_25, %dma_start3A_26] : memref<20000x128xf32, #tpu.memory_space<hbm>> -> memref<20000x128xf32, #tpu.memory_space<hbm>>
      tpu.enqueue_indirect_dma source(%dma_start3A_27 : memref<20000x128xf32, #tpu.memory_space<hbm>>) target(%arg9 : memref<128x128xf32, #tpu.memory_space<vmem>>) offsets(%dma_start3A_24 : memref<128xi32, #tpu.memory_space<vmem>>) semaphore(%arg12 : memref<!tpu.dma_semaphore, #tpu.memory_space<semaphore_mem>>)
      %dma_start3A_28 = arith.constant 1 : i32
      %dma_start3A_29 = arith.constant 0 : i32
      %dma_start3A_30 = tpu.memref_slice %arg7[%dma_start3A_28, %dma_start3A_29] : memref<40x128xi32, #tpu.memory_space<vmem>> -> memref<1x128xi32, #tpu.memory_space<vmem>>
      %dma_start3A_31 = tpu.memref_squeeze %dma_start3A_30 : memref<1x128xi32, #tpu.memory_space<vmem>> -> memref<128xi32, #tpu.memory_space<vmem>>
      %dma_start3A_32 = arith.constant 0 : i32
      %dma_start3A_33 = arith.constant 0 : i32
      %dma_start3A_34 = tpu.memref_slice %arg2[%dma_start3A_32, %dma_start3A_33] : memref<20000x128xf32, #tpu.memory_space<hbm>> -> memref<20000x128xf32, #tpu.memory_space<hbm>>
      tpu.enqueue_indirect_dma source(%dma_start3A_34 : memref<20000x128xf32, #tpu.memory_space<hbm>>) target(%arg10 : memref<128x128xf32, #tpu.memory_space<vmem>>) offsets(%dma_start3A_31 : memref<128xi32, #tpu.memory_space<vmem>>) semaphore(%arg13 : memref<!tpu.dma_semaphore, #tpu.memory_space<semaphore_mem>>)
      %scan3A_35 = arith.constant 0 : i32
      %scan3A_36 = arith.constant 19 : i32
      %scan3A_37 = arith.addi %scan3A_35, %scan3A_36 : i32
      %scan3A_38 = arith.constant 1 : i32
      scf.for %scan3A_81 = %scan3A_35 to %scan3A_37 step %scan3A_38  : i32 {
        %mul3A_82 = arith.constant 1 : i32
        %mul3A_83 = arith.muli %scan3A_81, %mul3A_82 : i32
        %add3A_84 = arith.constant 0 : i32
        %add3A_85 = arith.addi %add3A_84, %mul3A_83 : i32
        %mul3A_86 = arith.constant 2 : i32
        %mul3A_87 = arith.muli %add3A_85, %mul3A_86 : i32
        %add3A_88 = arith.constant 0 : i32
        %add3A_89 = arith.addi %mul3A_87, %add3A_88 : i32
        %dma_wait3A_90 = arith.constant 0 : i32
        %dma_wait3A_91 = tpu.memref_slice %arg7[%add3A_89, %dma_wait3A_90] : memref<40x128xi32, #tpu.memory_space<vmem>> -> memref<1x128xi32, #tpu.memory_space<vmem>>
        %dma_wait3A_92 = tpu.memref_squeeze %dma_wait3A_91 : memref<1x128xi32, #tpu.memory_space<vmem>> -> memref<128xi32, #tpu.memory_space<vmem>>
        %dma_wait3A_93 = arith.constant 0 : i32
        %dma_wait3A_94 = arith.constant 0 : i32
        %dma_wait3A_95 = tpu.memref_slice %arg2[%dma_wait3A_93, %dma_wait3A_94] : memref<20000x128xf32, #tpu.memory_space<hbm>> -> memref<20000x128xf32, #tpu.memory_space<hbm>>
        tpu.wait_indirect_dma semaphore(%arg12 : memref<!tpu.dma_semaphore, #tpu.memory_space<semaphore_mem>>) src(%dma_wait3A_95 : memref<20000x128xf32, #tpu.memory_space<hbm>>) dst(%arg9 : memref<128x128xf32, #tpu.memory_space<vmem>>)
        %add3A_96 = arith.constant 0 : i32
        %add3A_97 = arith.addi %mul3A_87, %add3A_96 : i32
        %dma_start3A_98 = arith.constant 0 : i32
        %dma_start3A_99 = tpu.memref_slice %arg8[%add3A_97, %dma_start3A_98] : memref<40x128xi32, #tpu.memory_space<vmem>> -> memref<1x128xi32, #tpu.memory_space<vmem>>
        %dma_start3A_100 = tpu.memref_squeeze %dma_start3A_99 : memref<1x128xi32, #tpu.memory_space<vmem>> -> memref<128xi32, #tpu.memory_space<vmem>>
        %dma_start3A_101 = arith.constant 0 : i32
        %dma_start3A_102 = arith.constant 0 : i32
        %dma_start3A_103 = tpu.memref_slice %arg11[%dma_start3A_101, %dma_start3A_102] : memref<10112x128xf32, #tpu.memory_space<vmem_shared>> -> memref<10112x128xf32, #tpu.memory_space<vmem_shared>>
        tpu.enqueue_indirect_dma source(%arg9 : memref<128x128xf32, #tpu.memory_space<vmem>>) target(%dma_start3A_103 : memref<10112x128xf32, #tpu.memory_space<vmem_shared>>) offsets(%dma_start3A_100 : memref<128xi32, #tpu.memory_space<vmem>>) semaphore(%arg14 : memref<!tpu.dma_semaphore, #tpu.memory_space<semaphore_mem>>) {add = true}
        %add3A_104 = arith.constant 1 : i32
        %add3A_105 = arith.addi %mul3A_87, %add3A_104 : i32
        %dma_wait3A_106 = arith.constant 0 : i32
        %dma_wait3A_107 = tpu.memref_slice %arg7[%add3A_105, %dma_wait3A_106] : memref<40x128xi32, #tpu.memory_space<vmem>> -> memref<1x128xi32, #tpu.memory_space<vmem>>
        %dma_wait3A_108 = tpu.memref_squeeze %dma_wait3A_107 : memref<1x128xi32, #tpu.memory_space<vmem>> -> memref<128xi32, #tpu.memory_space<vmem>>
        %dma_wait3A_109 = arith.constant 0 : i32
        %dma_wait3A_110 = arith.constant 0 : i32
        %dma_wait3A_111 = tpu.memref_slice %arg2[%dma_wait3A_109, %dma_wait3A_110] : memref<20000x128xf32, #tpu.memory_space<hbm>> -> memref<20000x128xf32, #tpu.memory_space<hbm>>
        tpu.wait_indirect_dma semaphore(%arg13 : memref<!tpu.dma_semaphore, #tpu.memory_space<semaphore_mem>>) src(%dma_wait3A_111 : memref<20000x128xf32, #tpu.memory_space<hbm>>) dst(%arg10 : memref<128x128xf32, #tpu.memory_space<vmem>>)
        %add3A_112 = arith.constant 1 : i32
        %add3A_113 = arith.addi %mul3A_87, %add3A_112 : i32
        %dma_start3A_114 = arith.constant 0 : i32
        %dma_start3A_115 = tpu.memref_slice %arg8[%add3A_113, %dma_start3A_114] : memref<40x128xi32, #tpu.memory_space<vmem>> -> memref<1x128xi32, #tpu.memory_space<vmem>>
        %dma_start3A_116 = tpu.memref_squeeze %dma_start3A_115 : memref<1x128xi32, #tpu.memory_space<vmem>> -> memref<128xi32, #tpu.memory_space<vmem>>
        %dma_start3A_117 = arith.constant 0 : i32
        %dma_start3A_118 = arith.constant 0 : i32
        %dma_start3A_119 = tpu.memref_slice %arg11[%dma_start3A_117, %dma_start3A_118] : memref<10112x128xf32, #tpu.memory_space<vmem_shared>> -> memref<10112x128xf32, #tpu.memory_space<vmem_shared>>
        tpu.enqueue_indirect_dma source(%arg10 : memref<128x128xf32, #tpu.memory_space<vmem>>) target(%dma_start3A_119 : memref<10112x128xf32, #tpu.memory_space<vmem_shared>>) offsets(%dma_start3A_116 : memref<128xi32, #tpu.memory_space<vmem>>) semaphore(%arg15 : memref<!tpu.dma_semaphore, #tpu.memory_space<semaphore_mem>>) {add = true}
        %add3A_120 = arith.constant 0 : i32
        %add3A_121 = arith.addi %mul3A_87, %add3A_120 : i32
        %dma_wait3A_122 = arith.constant 0 : i32
        %dma_wait3A_123 = tpu.memref_slice %arg8[%add3A_121, %dma_wait3A_122] : memref<40x128xi32, #tpu.memory_space<vmem>> -> memref<1x128xi32, #tpu.memory_space<vmem>>
        %dma_wait3A_124 = tpu.memref_squeeze %dma_wait3A_123 : memref<1x128xi32, #tpu.memory_space<vmem>> -> memref<128xi32, #tpu.memory_space<vmem>>
        %dma_wait3A_125 = arith.constant 0 : i32
        %dma_wait3A_126 = arith.constant 0 : i32
        %dma_wait3A_127 = tpu.memref_slice %arg11[%dma_wait3A_125, %dma_wait3A_126] : memref<10112x128xf32, #tpu.memory_space<vmem_shared>> -> memref<10112x128xf32, #tpu.memory_space<vmem_shared>>
        tpu.wait_indirect_dma semaphore(%arg14 : memref<!tpu.dma_semaphore, #tpu.memory_space<semaphore_mem>>) src(%arg9 : memref<128x128xf32, #tpu.memory_space<vmem>>) dst(%dma_wait3A_127 : memref<10112x128xf32, #tpu.memory_space<vmem_shared>>)
        %add3A_128 = arith.constant 2 : i32
        %add3A_129 = arith.addi %mul3A_87, %add3A_128 : i32
        %add3A_130 = arith.constant 0 : i32
        %add3A_131 = arith.addi %add3A_129, %add3A_130 : i32
        %dma_start3A_132 = arith.constant 0 : i32
        %dma_start3A_133 = tpu.memref_slice %arg7[%add3A_131, %dma_start3A_132] : memref<40x128xi32, #tpu.memory_space<vmem>> -> memref<1x128xi32, #tpu.memory_space<vmem>>
        %dma_start3A_134 = tpu.memref_squeeze %dma_start3A_133 : memref<1x128xi32, #tpu.memory_space<vmem>> -> memref<128xi32, #tpu.memory_space<vmem>>
        %dma_start3A_135 = arith.constant 0 : i32
        %dma_start3A_136 = arith.constant 0 : i32
        %dma_start3A_137 = tpu.memref_slice %arg2[%dma_start3A_135, %dma_start3A_136] : memref<20000x128xf32, #tpu.memory_space<hbm>> -> memref<20000x128xf32, #tpu.memory_space<hbm>>
        tpu.enqueue_indirect_dma source(%dma_start3A_137 : memref<20000x128xf32, #tpu.memory_space<hbm>>) target(%arg9 : memref<128x128xf32, #tpu.memory_space<vmem>>) offsets(%dma_start3A_134 : memref<128xi32, #tpu.memory_space<vmem>>) semaphore(%arg12 : memref<!tpu.dma_semaphore, #tpu.memory_space<semaphore_mem>>)
        %add3A_138 = arith.constant 1 : i32
        %add3A_139 = arith.addi %mul3A_87, %add3A_138 : i32
        %dma_wait3A_140 = arith.constant 0 : i32
        %dma_wait3A_141 = tpu.memref_slice %arg8[%add3A_139, %dma_wait3A_140] : memref<40x128xi32, #tpu.memory_space<vmem>> -> memref<1x128xi32, #tpu.memory_space<vmem>>
        %dma_wait3A_142 = tpu.memref_squeeze %dma_wait3A_141 : memref<1x128xi32, #tpu.memory_space<vmem>> -> memref<128xi32, #tpu.memory_space<vmem>>
        %dma_wait3A_143 = arith.constant 0 : i32
        %dma_wait3A_144 = arith.constant 0 : i32
        %dma_wait3A_145 = tpu.memref_slice %arg11[%dma_wait3A_143, %dma_wait3A_144] : memref<10112x128xf32, #tpu.memory_space<vmem_shared>> -> memref<10112x128xf32, #tpu.memory_space<vmem_shared>>
        tpu.wait_indirect_dma semaphore(%arg15 : memref<!tpu.dma_semaphore, #tpu.memory_space<semaphore_mem>>) src(%arg10 : memref<128x128xf32, #tpu.memory_space<vmem>>) dst(%dma_wait3A_145 : memref<10112x128xf32, #tpu.memory_space<vmem_shared>>)
        %add3A_146 = arith.constant 2 : i32
        %add3A_147 = arith.addi %mul3A_87, %add3A_146 : i32
        %add3A_148 = arith.constant 1 : i32
        %add3A_149 = arith.addi %add3A_147, %add3A_148 : i32
        %dma_start3A_150 = arith.constant 0 : i32
        %dma_start3A_151 = tpu.memref_slice %arg7[%add3A_149, %dma_start3A_150] : memref<40x128xi32, #tpu.memory_space<vmem>> -> memref<1x128xi32, #tpu.memory_space<vmem>>
        %dma_start3A_152 = tpu.memref_squeeze %dma_start3A_151 : memref<1x128xi32, #tpu.memory_space<vmem>> -> memref<128xi32, #tpu.memory_space<vmem>>
        %dma_start3A_153 = arith.constant 0 : i32
        %dma_start3A_154 = arith.constant 0 : i32
        %dma_start3A_155 = tpu.memref_slice %arg2[%dma_start3A_153, %dma_start3A_154] : memref<20000x128xf32, #tpu.memory_space<hbm>> -> memref<20000x128xf32, #tpu.memory_space<hbm>>
        tpu.enqueue_indirect_dma source(%dma_start3A_155 : memref<20000x128xf32, #tpu.memory_space<hbm>>) target(%arg10 : memref<128x128xf32, #tpu.memory_space<vmem>>) offsets(%dma_start3A_152 : memref<128xi32, #tpu.memory_space<vmem>>) semaphore(%arg13 : memref<!tpu.dma_semaphore, #tpu.memory_space<semaphore_mem>>)
      }
      %scan3A_39 = arith.constant 19 : i32
      %dma_wait3A = arith.constant 38 : i32
      %dma_wait3A_40 = arith.constant 0 : i32
      %dma_wait3A_41 = tpu.memref_slice %arg7[%dma_wait3A, %dma_wait3A_40] : memref<40x128xi32, #tpu.memory_space<vmem>> -> memref<1x128xi32, #tpu.memory_space<vmem>>
      %dma_wait3A_42 = tpu.memref_squeeze %dma_wait3A_41 : memref<1x128xi32, #tpu.memory_space<vmem>> -> memref<128xi32, #tpu.memory_space<vmem>>
      %dma_wait3A_43 = arith.constant 0 : i32
      %dma_wait3A_44 = arith.constant 0 : i32
      %dma_wait3A_45 = tpu.memref_slice %arg2[%dma_wait3A_43, %dma_wait3A_44] : memref<20000x128xf32, #tpu.memory_space<hbm>> -> memref<20000x128xf32, #tpu.memory_space<hbm>>
      tpu.wait_indirect_dma semaphore(%arg12 : memref<!tpu.dma_semaphore, #tpu.memory_space<semaphore_mem>>) src(%dma_wait3A_45 : memref<20000x128xf32, #tpu.memory_space<hbm>>) dst(%arg9 : memref<128x128xf32, #tpu.memory_space<vmem>>)
      %dma_start3A_46 = arith.constant 38 : i32
      %dma_start3A_47 = arith.constant 0 : i32
      %dma_start3A_48 = tpu.memref_slice %arg8[%dma_start3A_46, %dma_start3A_47] : memref<40x128xi32, #tpu.memory_space<vmem>> -> memref<1x128xi32, #tpu.memory_space<vmem>>
      %dma_start3A_49 = tpu.memref_squeeze %dma_start3A_48 : memref<1x128xi32, #tpu.memory_space<vmem>> -> memref<128xi32, #tpu.memory_space<vmem>>
      %dma_start3A_50 = arith.constant 0 : i32
      %dma_start3A_51 = arith.constant 0 : i32
      %dma_start3A_52 = tpu.memref_slice %arg11[%dma_start3A_50, %dma_start3A_51] : memref<10112x128xf32, #tpu.memory_space<vmem_shared>> -> memref<10112x128xf32, #tpu.memory_space<vmem_shared>>
      tpu.enqueue_indirect_dma source(%arg9 : memref<128x128xf32, #tpu.memory_space<vmem>>) target(%dma_start3A_52 : memref<10112x128xf32, #tpu.memory_space<vmem_shared>>) offsets(%dma_start3A_49 : memref<128xi32, #tpu.memory_space<vmem>>) semaphore(%arg14 : memref<!tpu.dma_semaphore, #tpu.memory_space<semaphore_mem>>) {add = true}
      %dma_wait3A_53 = arith.constant 39 : i32
      %dma_wait3A_54 = arith.constant 0 : i32
      %dma_wait3A_55 = tpu.memref_slice %arg7[%dma_wait3A_53, %dma_wait3A_54] : memref<40x128xi32, #tpu.memory_space<vmem>> -> memref<1x128xi32, #tpu.memory_space<vmem>>
      %dma_wait3A_56 = tpu.memref_squeeze %dma_wait3A_55 : memref<1x128xi32, #tpu.memory_space<vmem>> -> memref<128xi32, #tpu.memory_space<vmem>>
      %dma_wait3A_57 = arith.constant 0 : i32
      %dma_wait3A_58 = arith.constant 0 : i32
      %dma_wait3A_59 = tpu.memref_slice %arg2[%dma_wait3A_57, %dma_wait3A_58] : memref<20000x128xf32, #tpu.memory_space<hbm>> -> memref<20000x128xf32, #tpu.memory_space<hbm>>
      tpu.wait_indirect_dma semaphore(%arg13 : memref<!tpu.dma_semaphore, #tpu.memory_space<semaphore_mem>>) src(%dma_wait3A_59 : memref<20000x128xf32, #tpu.memory_space<hbm>>) dst(%arg10 : memref<128x128xf32, #tpu.memory_space<vmem>>)
      %dma_start3A_60 = arith.constant 39 : i32
      %dma_start3A_61 = arith.constant 0 : i32
      %dma_start3A_62 = tpu.memref_slice %arg8[%dma_start3A_60, %dma_start3A_61] : memref<40x128xi32, #tpu.memory_space<vmem>> -> memref<1x128xi32, #tpu.memory_space<vmem>>
      %dma_start3A_63 = tpu.memref_squeeze %dma_start3A_62 : memref<1x128xi32, #tpu.memory_space<vmem>> -> memref<128xi32, #tpu.memory_space<vmem>>
      %dma_start3A_64 = arith.constant 0 : i32
      %dma_start3A_65 = arith.constant 0 : i32
      %dma_start3A_66 = tpu.memref_slice %arg11[%dma_start3A_64, %dma_start3A_65] : memref<10112x128xf32, #tpu.memory_space<vmem_shared>> -> memref<10112x128xf32, #tpu.memory_space<vmem_shared>>
      tpu.enqueue_indirect_dma source(%arg10 : memref<128x128xf32, #tpu.memory_space<vmem>>) target(%dma_start3A_66 : memref<10112x128xf32, #tpu.memory_space<vmem_shared>>) offsets(%dma_start3A_63 : memref<128xi32, #tpu.memory_space<vmem>>) semaphore(%arg15 : memref<!tpu.dma_semaphore, #tpu.memory_space<semaphore_mem>>) {add = true}
      %dma_wait3A_67 = arith.constant 38 : i32
      %dma_wait3A_68 = arith.constant 0 : i32
      %dma_wait3A_69 = tpu.memref_slice %arg8[%dma_wait3A_67, %dma_wait3A_68] : memref<40x128xi32, #tpu.memory_space<vmem>> -> memref<1x128xi32, #tpu.memory_space<vmem>>
      %dma_wait3A_70 = tpu.memref_squeeze %dma_wait3A_69 : memref<1x128xi32, #tpu.memory_space<vmem>> -> memref<128xi32, #tpu.memory_space<vmem>>
      %dma_wait3A_71 = arith.constant 0 : i32
      %dma_wait3A_72 = arith.constant 0 : i32
      %dma_wait3A_73 = tpu.memref_slice %arg11[%dma_wait3A_71, %dma_wait3A_72] : memref<10112x128xf32, #tpu.memory_space<vmem_shared>> -> memref<10112x128xf32, #tpu.memory_space<vmem_shared>>
      tpu.wait_indirect_dma semaphore(%arg14 : memref<!tpu.dma_semaphore, #tpu.memory_space<semaphore_mem>>) src(%arg9 : memref<128x128xf32, #tpu.memory_space<vmem>>) dst(%dma_wait3A_73 : memref<10112x128xf32, #tpu.memory_space<vmem_shared>>)
      %dma_wait3A_74 = arith.constant 39 : i32
      %dma_wait3A_75 = arith.constant 0 : i32
      %dma_wait3A_76 = tpu.memref_slice %arg8[%dma_wait3A_74, %dma_wait3A_75] : memref<40x128xi32, #tpu.memory_space<vmem>> -> memref<1x128xi32, #tpu.memory_space<vmem>>
      %dma_wait3A_77 = tpu.memref_squeeze %dma_wait3A_76 : memref<1x128xi32, #tpu.memory_space<vmem>> -> memref<128xi32, #tpu.memory_space<vmem>>
      %dma_wait3A_78 = arith.constant 0 : i32
      %dma_wait3A_79 = arith.constant 0 : i32
      %dma_wait3A_80 = tpu.memref_slice %arg11[%dma_wait3A_78, %dma_wait3A_79] : memref<10112x128xf32, #tpu.memory_space<vmem_shared>> -> memref<10112x128xf32, #tpu.memory_space<vmem_shared>>
      tpu.wait_indirect_dma semaphore(%arg15 : memref<!tpu.dma_semaphore, #tpu.memory_space<semaphore_mem>>) src(%arg10 : memref<128x128xf32, #tpu.memory_space<vmem>>) dst(%dma_wait3A_80 : memref<10112x128xf32, #tpu.memory_space<vmem_shared>>)
    }
    %scan3A_4 = arith.constant 4 : i32
    %barrier3A_5 = arith.constant 0 : index
    tpu.barrier barrier_id(%barrier3A_5)
    %mul3A_6 = arith.constant 632 : i32
    %mul3A_7 = arith.muli %arg1, %mul3A_6 : i32
    %mul3A_8 = arith.constant 632 : i32
    %mul3A_9 = arith.muli %arg1, %mul3A_8 : i32
    "tpu.region"() ({
      %run_scoped3A = tpu.sem_alloc : memref<!tpu.dma_semaphore, #tpu.memory_space<semaphore_mem>>
      %dma_start3A = arith.constant 0 : i32
      %dma_start3A_10 = tpu.memref_slice %arg6[%arg0, %mul3A_9, %dma_start3A] : memref<2x10112x128xf32, #tpu.memory_space<hbm>> -> memref<1x632x128xf32, #tpu.memory_space<hbm>>
      %dma_start3A_11 = tpu.memref_squeeze %dma_start3A_10 : memref<1x632x128xf32, #tpu.memory_space<hbm>> -> memref<632x128xf32, #tpu.memory_space<hbm>>
      %dma_start3A_12 = arith.constant 0 : i32
      %dma_start3A_13 = tpu.memref_slice %arg11[%mul3A_7, %dma_start3A_12] : memref<10112x128xf32, #tpu.memory_space<vmem_shared>> -> memref<632x128xf32, #tpu.memory_space<vmem_shared>>
      tpu.enqueue_dma source(%dma_start3A_13 : memref<632x128xf32, #tpu.memory_space<vmem_shared>>) target(%dma_start3A_11 : memref<632x128xf32, #tpu.memory_space<hbm>>) target_semaphore(%run_scoped3A : memref<!tpu.dma_semaphore, #tpu.memory_space<semaphore_mem>>)
      %dma_wait3A = arith.constant 0 : i32
      %dma_wait3A_14 = tpu.memref_slice %arg6[%arg0, %mul3A_9, %dma_wait3A] : memref<2x10112x128xf32, #tpu.memory_space<hbm>> -> memref<1x632x128xf32, #tpu.memory_space<hbm>>
      %dma_wait3A_15 = tpu.memref_squeeze %dma_wait3A_14 : memref<1x632x128xf32, #tpu.memory_space<hbm>> -> memref<632x128xf32, #tpu.memory_space<hbm>>
      %dma_wait3A_16 = arith.constant 0 : i32
      %dma_wait3A_17 = tpu.memref_slice %arg11[%mul3A_7, %dma_wait3A_16] : memref<10112x128xf32, #tpu.memory_space<vmem_shared>> -> memref<632x128xf32, #tpu.memory_space<vmem_shared>>
      tpu.wait_dma2 semaphore(%run_scoped3A : memref<!tpu.dma_semaphore, #tpu.memory_space<semaphore_mem>>) src(%dma_wait3A_17 : memref<632x128xf32, #tpu.memory_space<vmem_shared>>) dst(%dma_wait3A_15 : memref<632x128xf32, #tpu.memory_space<hbm>>)
      tpu.yield
    }) : () -> ()
    return
  }
}

#map = affine_map<(d0, d1) -> (0, 0)>
#map1 = affine_map<(d0, d1) -> (0, 0, 0)>
module attributes {stable_mosaic.version = 14 : i64} {
  func.func @sc_segsum(%arg0: i32, %arg1: i32, %arg2: memref<20000x128xf32, #tpu.memory_space<hbm>>, %arg3: memref<5120x128xi32, #tpu.memory_space<hbm>>, %arg4: memref<2560x128xi32, #tpu.memory_space<hbm>>, %arg5: memref<632x128xf32, #tpu.memory_space<hbm>>, %arg6: memref<2x10112x128xf32, #tpu.memory_space<hbm>>, %arg7: memref<40x128xi32, #tpu.memory_space<vmem>>, %arg8: memref<40x128xi32, #tpu.memory_space<vmem>>, %arg9: memref<128x128xf32, #tpu.memory_space<vmem>>, %arg10: memref<128x128xf32, #tpu.memory_space<vmem>>, %arg11: memref<10112x128xf32, #tpu.memory_space<vmem_shared>>, %arg12: memref<!tpu.dma_semaphore, #tpu.memory_space<semaphore_mem>>, %arg13: memref<!tpu.dma_semaphore, #tpu.memory_space<semaphore_mem>>, %arg14: memref<!tpu.dma_semaphore, #tpu.memory_space<semaphore_mem>>, %arg15: memref<!tpu.dma_semaphore, #tpu.memory_space<semaphore_mem>>) attributes {dimension_semantics = [#tpu.dimension_semantics<core_parallel>, #tpu.dimension_semantics<subcore_parallel>], iteration_bounds = array<i64: 2, 16>, scalar_prefetch = 0 : i64, scratch_operands = 9 : i64, tpu.core_type = #tpu.core_type<sc_vector_subcore>, window_params = [{transform_indices = #map}, {transform_indices = #map}, {transform_indices = #map}, {transform_indices = #map}, {transform_indices = #map1}]} {
    %mul3A = arith.constant 632 : i32
    %mul3A_0 = arith.muli %arg1, %mul3A : i32
    "tpu.region"() ({
      %run_scoped3A = tpu.sem_alloc : memref<!tpu.dma_semaphore, #tpu.memory_space<semaphore_mem>>
      %dma_start3A = arith.constant 0 : i32
      %dma_start3A_10 = tpu.memref_slice %arg11[%mul3A_0, %dma_start3A] : memref<10112x128xf32, #tpu.memory_space<vmem_shared>> -> memref<632x128xf32, #tpu.memory_space<vmem_shared>>
      tpu.enqueue_dma source(%arg5 : memref<632x128xf32, #tpu.memory_space<hbm>>) target(%dma_start3A_10 : memref<632x128xf32, #tpu.memory_space<vmem_shared>>) target_semaphore(%run_scoped3A : memref<!tpu.dma_semaphore, #tpu.memory_space<semaphore_mem>>)
      %dma_wait3A = arith.constant 0 : i32
      %dma_wait3A_11 = tpu.memref_slice %arg11[%mul3A_0, %dma_wait3A] : memref<10112x128xf32, #tpu.memory_space<vmem_shared>> -> memref<632x128xf32, #tpu.memory_space<vmem_shared>>
      tpu.wait_dma2 semaphore(%run_scoped3A : memref<!tpu.dma_semaphore, #tpu.memory_space<semaphore_mem>>) src(%arg5 : memref<632x128xf32, #tpu.memory_space<hbm>>) dst(%dma_wait3A_11 : memref<632x128xf32, #tpu.memory_space<vmem_shared>>)
      tpu.yield
    }) : () -> ()
    %barrier3A = arith.constant 0 : index
    tpu.barrier barrier_id(%barrier3A)
    %scan3A = arith.constant 0 : i32
    %scan3A_1 = arith.constant 4 : i32
    %scan3A_2 = arith.addi %scan3A, %scan3A_1 : i32
    %scan3A_3 = arith.constant 1 : i32
    scf.for %scan3A_10 = %scan3A to %scan3A_2 step %scan3A_3  : i32 {
      %mul3A_11 = arith.constant 1 : i32
      %mul3A_12 = arith.muli %scan3A_10, %mul3A_11 : i32
      %add3A = arith.constant 0 : i32
      %add3A_13 = arith.addi %add3A, %mul3A_12 : i32
      %mul3A_14 = arith.constant 160 : i32
      %mul3A_15 = arith.muli %arg1, %mul3A_14 : i32
      %mul3A_16 = arith.constant 40 : i32
      %mul3A_17 = arith.muli %add3A_13, %mul3A_16 : i32
      %add3A_18 = arith.addi %mul3A_15, %mul3A_17 : i32
      %mul3A_19 = arith.constant 2560 : i32
      %mul3A_20 = arith.muli %arg0, %mul3A_19 : i32
      %add3A_21 = arith.addi %mul3A_20, %add3A_18 : i32
      "tpu.region"() ({
        %run_scoped3A = tpu.sem_alloc : memref<!tpu.dma_semaphore, #tpu.memory_space<semaphore_mem>>
        %dma_start3A_81 = arith.constant 0 : i32
        %dma_start3A_82 = tpu.memref_slice %arg3[%add3A_21, %dma_start3A_81] : memref<5120x128xi32, #tpu.memory_space<hbm>> -> memref<40x128xi32, #tpu.memory_space<hbm>>
        %dma_start3A_83 = arith.constant 0 : i32
        %dma_start3A_84 = tpu.memref_slice %arg3[%add3A_21, %dma_start3A_83] : memref<5120x128xi32, #tpu.memory_space<hbm>> -> memref<40x128xi32, #tpu.memory_space<hbm>>
        tpu.enqueue_dma source(%dma_start3A_84 : memref<40x128xi32, #tpu.memory_space<hbm>>) target(%arg7 : memref<40x128xi32, #tpu.memory_space<vmem>>) target_semaphore(%run_scoped3A : memref<!tpu.dma_semaphore, #tpu.memory_space<semaphore_mem>>)
        %dma_wait3A_85 = arith.constant 0 : i32
        %dma_wait3A_86 = tpu.memref_slice %arg3[%add3A_21, %dma_wait3A_85] : memref<5120x128xi32, #tpu.memory_space<hbm>> -> memref<40x128xi32, #tpu.memory_space<hbm>>
        %dma_wait3A_87 = arith.constant 0 : i32
        %dma_wait3A_88 = tpu.memref_slice %arg3[%add3A_21, %dma_wait3A_87] : memref<5120x128xi32, #tpu.memory_space<hbm>> -> memref<40x128xi32, #tpu.memory_space<hbm>>
        tpu.wait_dma2 semaphore(%run_scoped3A : memref<!tpu.dma_semaphore, #tpu.memory_space<semaphore_mem>>) src(%dma_wait3A_88 : memref<40x128xi32, #tpu.memory_space<hbm>>) dst(%arg7 : memref<40x128xi32, #tpu.memory_space<vmem>>)
        tpu.yield
      }) : () -> ()
      "tpu.region"() ({
        %run_scoped3A = tpu.sem_alloc : memref<!tpu.dma_semaphore, #tpu.memory_space<semaphore_mem>>
        %dma_start3A_81 = arith.constant 0 : i32
        %dma_start3A_82 = tpu.memref_slice %arg4[%add3A_18, %dma_start3A_81] : memref<2560x128xi32, #tpu.memory_space<hbm>> -> memref<40x128xi32, #tpu.memory_space<hbm>>
        %dma_start3A_83 = arith.constant 0 : i32
        %dma_start3A_84 = tpu.memref_slice %arg4[%add3A_18, %dma_start3A_83] : memref<2560x128xi32, #tpu.memory_space<hbm>> -> memref<40x128xi32, #tpu.memory_space<hbm>>
        tpu.enqueue_dma source(%dma_start3A_84 : memref<40x128xi32, #tpu.memory_space<hbm>>) target(%arg8 : memref<40x128xi32, #tpu.memory_space<vmem>>) target_semaphore(%run_scoped3A : memref<!tpu.dma_semaphore, #tpu.memory_space<semaphore_mem>>)
        %dma_wait3A_85 = arith.constant 0 : i32
        %dma_wait3A_86 = tpu.memref_slice %arg4[%add3A_18, %dma_wait3A_85] : memref<2560x128xi32, #tpu.memory_space<hbm>> -> memref<40x128xi32, #tpu.memory_space<hbm>>
        %dma_wait3A_87 = arith.constant 0 : i32
        %dma_wait3A_88 = tpu.memref_slice %arg4[%add3A_18, %dma_wait3A_87] : memref<2560x128xi32, #tpu.memory_space<hbm>> -> memref<40x128xi32, #tpu.memory_space<hbm>>
        tpu.wait_dma2 semaphore(%run_scoped3A : memref<!tpu.dma_semaphore, #tpu.memory_space<semaphore_mem>>) src(%dma_wait3A_88 : memref<40x128xi32, #tpu.memory_space<hbm>>) dst(%arg8 : memref<40x128xi32, #tpu.memory_space<vmem>>)
        tpu.yield
      }) : () -> ()
      %dma_start3A = arith.constant 0 : i32
      %dma_start3A_22 = arith.constant 0 : i32
      %dma_start3A_23 = tpu.memref_slice %arg7[%dma_start3A, %dma_start3A_22] : memref<40x128xi32, #tpu.memory_space<vmem>> -> memref<1x128xi32, #tpu.memory_space<vmem>>
      %dma_start3A_24 = tpu.memref_squeeze %dma_start3A_23 : memref<1x128xi32, #tpu.memory_space<vmem>> -> memref<128xi32, #tpu.memory_space<vmem>>
      %dma_start3A_25 = arith.constant 0 : i32
      %dma_start3A_26 = arith.constant 0 : i32
      %dma_start3A_27 = tpu.memref_slice %arg2[%dma_start3A_25, %dma_start3A_26] : memref<20000x128xf32, #tpu.memory_space<hbm>> -> memref<20000x128xf32, #tpu.memory_space<hbm>>
      tpu.enqueue_indirect_dma source(%dma_start3A_27 : memref<20000x128xf32, #tpu.memory_space<hbm>>) target(%arg9 : memref<128x128xf32, #tpu.memory_space<vmem>>) offsets(%dma_start3A_24 : memref<128xi32, #tpu.memory_space<vmem>>) semaphore(%arg12 : memref<!tpu.dma_semaphore, #tpu.memory_space<semaphore_mem>>)
      %dma_start3A_28 = arith.constant 1 : i32
      %dma_start3A_29 = arith.constant 0 : i32
      %dma_start3A_30 = tpu.memref_slice %arg7[%dma_start3A_28, %dma_start3A_29] : memref<40x128xi32, #tpu.memory_space<vmem>> -> memref<1x128xi32, #tpu.memory_space<vmem>>
      %dma_start3A_31 = tpu.memref_squeeze %dma_start3A_30 : memref<1x128xi32, #tpu.memory_space<vmem>> -> memref<128xi32, #tpu.memory_space<vmem>>
      %dma_start3A_32 = arith.constant 0 : i32
      %dma_start3A_33 = arith.constant 0 : i32
      %dma_start3A_34 = tpu.memref_slice %arg2[%dma_start3A_32, %dma_start3A_33] : memref<20000x128xf32, #tpu.memory_space<hbm>> -> memref<20000x128xf32, #tpu.memory_space<hbm>>
      tpu.enqueue_indirect_dma source(%dma_start3A_34 : memref<20000x128xf32, #tpu.memory_space<hbm>>) target(%arg10 : memref<128x128xf32, #tpu.memory_space<vmem>>) offsets(%dma_start3A_31 : memref<128xi32, #tpu.memory_space<vmem>>) semaphore(%arg13 : memref<!tpu.dma_semaphore, #tpu.memory_space<semaphore_mem>>)
      %scan3A_35 = arith.constant 0 : i32
      %scan3A_36 = arith.constant 19 : i32
      %scan3A_37 = arith.addi %scan3A_35, %scan3A_36 : i32
      %scan3A_38 = arith.constant 1 : i32
      scf.for %scan3A_81 = %scan3A_35 to %scan3A_37 step %scan3A_38  : i32 {
        %mul3A_82 = arith.constant 1 : i32
        %mul3A_83 = arith.muli %scan3A_81, %mul3A_82 : i32
        %add3A_84 = arith.constant 0 : i32
        %add3A_85 = arith.addi %add3A_84, %mul3A_83 : i32
        %mul3A_86 = arith.constant 2 : i32
        %mul3A_87 = arith.muli %add3A_85, %mul3A_86 : i32
        %add3A_88 = arith.constant 0 : i32
        %add3A_89 = arith.addi %mul3A_87, %add3A_88 : i32
        %dma_wait3A_90 = arith.constant 0 : i32
        %dma_wait3A_91 = tpu.memref_slice %arg7[%add3A_89, %dma_wait3A_90] : memref<40x128xi32, #tpu.memory_space<vmem>> -> memref<1x128xi32, #tpu.memory_space<vmem>>
        %dma_wait3A_92 = tpu.memref_squeeze %dma_wait3A_91 : memref<1x128xi32, #tpu.memory_space<vmem>> -> memref<128xi32, #tpu.memory_space<vmem>>
        %dma_wait3A_93 = arith.constant 0 : i32
        %dma_wait3A_94 = arith.constant 0 : i32
        %dma_wait3A_95 = tpu.memref_slice %arg2[%dma_wait3A_93, %dma_wait3A_94] : memref<20000x128xf32, #tpu.memory_space<hbm>> -> memref<20000x128xf32, #tpu.memory_space<hbm>>
        tpu.wait_indirect_dma semaphore(%arg12 : memref<!tpu.dma_semaphore, #tpu.memory_space<semaphore_mem>>) src(%dma_wait3A_95 : memref<20000x128xf32, #tpu.memory_space<hbm>>) dst(%arg9 : memref<128x128xf32, #tpu.memory_space<vmem>>)
        %add3A_96 = arith.constant 0 : i32
        %add3A_97 = arith.addi %mul3A_87, %add3A_96 : i32
        %dma_start3A_98 = arith.constant 0 : i32
        %dma_start3A_99 = tpu.memref_slice %arg8[%add3A_97, %dma_start3A_98] : memref<40x128xi32, #tpu.memory_space<vmem>> -> memref<1x128xi32, #tpu.memory_space<vmem>>
        %dma_start3A_100 = tpu.memref_squeeze %dma_start3A_99 : memref<1x128xi32, #tpu.memory_space<vmem>> -> memref<128xi32, #tpu.memory_space<vmem>>
        %dma_start3A_101 = arith.constant 0 : i32
        %dma_start3A_102 = arith.constant 0 : i32
        %dma_start3A_103 = tpu.memref_slice %arg11[%dma_start3A_101, %dma_start3A_102] : memref<10112x128xf32, #tpu.memory_space<vmem_shared>> -> memref<10112x128xf32, #tpu.memory_space<vmem_shared>>
        tpu.enqueue_indirect_dma source(%arg9 : memref<128x128xf32, #tpu.memory_space<vmem>>) target(%dma_start3A_103 : memref<10112x128xf32, #tpu.memory_space<vmem_shared>>) offsets(%dma_start3A_100 : memref<128xi32, #tpu.memory_space<vmem>>) semaphore(%arg14 : memref<!tpu.dma_semaphore, #tpu.memory_space<semaphore_mem>>) {add = true}
        %add3A_104 = arith.constant 1 : i32
        %add3A_105 = arith.addi %mul3A_87, %add3A_104 : i32
        %dma_wait3A_106 = arith.constant 0 : i32
        %dma_wait3A_107 = tpu.memref_slice %arg7[%add3A_105, %dma_wait3A_106] : memref<40x128xi32, #tpu.memory_space<vmem>> -> memref<1x128xi32, #tpu.memory_space<vmem>>
        %dma_wait3A_108 = tpu.memref_squeeze %dma_wait3A_107 : memref<1x128xi32, #tpu.memory_space<vmem>> -> memref<128xi32, #tpu.memory_space<vmem>>
        %dma_wait3A_109 = arith.constant 0 : i32
        %dma_wait3A_110 = arith.constant 0 : i32
        %dma_wait3A_111 = tpu.memref_slice %arg2[%dma_wait3A_109, %dma_wait3A_110] : memref<20000x128xf32, #tpu.memory_space<hbm>> -> memref<20000x128xf32, #tpu.memory_space<hbm>>
        tpu.wait_indirect_dma semaphore(%arg13 : memref<!tpu.dma_semaphore, #tpu.memory_space<semaphore_mem>>) src(%dma_wait3A_111 : memref<20000x128xf32, #tpu.memory_space<hbm>>) dst(%arg10 : memref<128x128xf32, #tpu.memory_space<vmem>>)
        %add3A_112 = arith.constant 1 : i32
        %add3A_113 = arith.addi %mul3A_87, %add3A_112 : i32
        %dma_start3A_114 = arith.constant 0 : i32
        %dma_start3A_115 = tpu.memref_slice %arg8[%add3A_113, %dma_start3A_114] : memref<40x128xi32, #tpu.memory_space<vmem>> -> memref<1x128xi32, #tpu.memory_space<vmem>>
        %dma_start3A_116 = tpu.memref_squeeze %dma_start3A_115 : memref<1x128xi32, #tpu.memory_space<vmem>> -> memref<128xi32, #tpu.memory_space<vmem>>
        %dma_start3A_117 = arith.constant 0 : i32
        %dma_start3A_118 = arith.constant 0 : i32
        %dma_start3A_119 = tpu.memref_slice %arg11[%dma_start3A_117, %dma_start3A_118] : memref<10112x128xf32, #tpu.memory_space<vmem_shared>> -> memref<10112x128xf32, #tpu.memory_space<vmem_shared>>
        tpu.enqueue_indirect_dma source(%arg10 : memref<128x128xf32, #tpu.memory_space<vmem>>) target(%dma_start3A_119 : memref<10112x128xf32, #tpu.memory_space<vmem_shared>>) offsets(%dma_start3A_116 : memref<128xi32, #tpu.memory_space<vmem>>) semaphore(%arg15 : memref<!tpu.dma_semaphore, #tpu.memory_space<semaphore_mem>>) {add = true}
        %add3A_120 = arith.constant 0 : i32
        %add3A_121 = arith.addi %mul3A_87, %add3A_120 : i32
        %dma_wait3A_122 = arith.constant 0 : i32
        %dma_wait3A_123 = tpu.memref_slice %arg8[%add3A_121, %dma_wait3A_122] : memref<40x128xi32, #tpu.memory_space<vmem>> -> memref<1x128xi32, #tpu.memory_space<vmem>>
        %dma_wait3A_124 = tpu.memref_squeeze %dma_wait3A_123 : memref<1x128xi32, #tpu.memory_space<vmem>> -> memref<128xi32, #tpu.memory_space<vmem>>
        %dma_wait3A_125 = arith.constant 0 : i32
        %dma_wait3A_126 = arith.constant 0 : i32
        %dma_wait3A_127 = tpu.memref_slice %arg11[%dma_wait3A_125, %dma_wait3A_126] : memref<10112x128xf32, #tpu.memory_space<vmem_shared>> -> memref<10112x128xf32, #tpu.memory_space<vmem_shared>>
        tpu.wait_indirect_dma semaphore(%arg14 : memref<!tpu.dma_semaphore, #tpu.memory_space<semaphore_mem>>) src(%arg9 : memref<128x128xf32, #tpu.memory_space<vmem>>) dst(%dma_wait3A_127 : memref<10112x128xf32, #tpu.memory_space<vmem_shared>>)
        %add3A_128 = arith.constant 2 : i32
        %add3A_129 = arith.addi %mul3A_87, %add3A_128 : i32
        %add3A_130 = arith.constant 0 : i32
        %add3A_131 = arith.addi %add3A_129, %add3A_130 : i32
        %dma_start3A_132 = arith.constant 0 : i32
        %dma_start3A_133 = tpu.memref_slice %arg7[%add3A_131, %dma_start3A_132] : memref<40x128xi32, #tpu.memory_space<vmem>> -> memref<1x128xi32, #tpu.memory_space<vmem>>
        %dma_start3A_134 = tpu.memref_squeeze %dma_start3A_133 : memref<1x128xi32, #tpu.memory_space<vmem>> -> memref<128xi32, #tpu.memory_space<vmem>>
        %dma_start3A_135 = arith.constant 0 : i32
        %dma_start3A_136 = arith.constant 0 : i32
        %dma_start3A_137 = tpu.memref_slice %arg2[%dma_start3A_135, %dma_start3A_136] : memref<20000x128xf32, #tpu.memory_space<hbm>> -> memref<20000x128xf32, #tpu.memory_space<hbm>>
        tpu.enqueue_indirect_dma source(%dma_start3A_137 : memref<20000x128xf32, #tpu.memory_space<hbm>>) target(%arg9 : memref<128x128xf32, #tpu.memory_space<vmem>>) offsets(%dma_start3A_134 : memref<128xi32, #tpu.memory_space<vmem>>) semaphore(%arg12 : memref<!tpu.dma_semaphore, #tpu.memory_space<semaphore_mem>>)
        %add3A_138 = arith.constant 1 : i32
        %add3A_139 = arith.addi %mul3A_87, %add3A_138 : i32
        %dma_wait3A_140 = arith.constant 0 : i32
        %dma_wait3A_141 = tpu.memref_slice %arg8[%add3A_139, %dma_wait3A_140] : memref<40x128xi32, #tpu.memory_space<vmem>> -> memref<1x128xi32, #tpu.memory_space<vmem>>
        %dma_wait3A_142 = tpu.memref_squeeze %dma_wait3A_141 : memref<1x128xi32, #tpu.memory_space<vmem>> -> memref<128xi32, #tpu.memory_space<vmem>>
        %dma_wait3A_143 = arith.constant 0 : i32
        %dma_wait3A_144 = arith.constant 0 : i32
        %dma_wait3A_145 = tpu.memref_slice %arg11[%dma_wait3A_143, %dma_wait3A_144] : memref<10112x128xf32, #tpu.memory_space<vmem_shared>> -> memref<10112x128xf32, #tpu.memory_space<vmem_shared>>
        tpu.wait_indirect_dma semaphore(%arg15 : memref<!tpu.dma_semaphore, #tpu.memory_space<semaphore_mem>>) src(%arg10 : memref<128x128xf32, #tpu.memory_space<vmem>>) dst(%dma_wait3A_145 : memref<10112x128xf32, #tpu.memory_space<vmem_shared>>)
        %add3A_146 = arith.constant 2 : i32
        %add3A_147 = arith.addi %mul3A_87, %add3A_146 : i32
        %add3A_148 = arith.constant 1 : i32
        %add3A_149 = arith.addi %add3A_147, %add3A_148 : i32
        %dma_start3A_150 = arith.constant 0 : i32
        %dma_start3A_151 = tpu.memref_slice %arg7[%add3A_149, %dma_start3A_150] : memref<40x128xi32, #tpu.memory_space<vmem>> -> memref<1x128xi32, #tpu.memory_space<vmem>>
        %dma_start3A_152 = tpu.memref_squeeze %dma_start3A_151 : memref<1x128xi32, #tpu.memory_space<vmem>> -> memref<128xi32, #tpu.memory_space<vmem>>
        %dma_start3A_153 = arith.constant 0 : i32
        %dma_start3A_154 = arith.constant 0 : i32
        %dma_start3A_155 = tpu.memref_slice %arg2[%dma_start3A_153, %dma_start3A_154] : memref<20000x128xf32, #tpu.memory_space<hbm>> -> memref<20000x128xf32, #tpu.memory_space<hbm>>
        tpu.enqueue_indirect_dma source(%dma_start3A_155 : memref<20000x128xf32, #tpu.memory_space<hbm>>) target(%arg10 : memref<128x128xf32, #tpu.memory_space<vmem>>) offsets(%dma_start3A_152 : memref<128xi32, #tpu.memory_space<vmem>>) semaphore(%arg13 : memref<!tpu.dma_semaphore, #tpu.memory_space<semaphore_mem>>)
      }
      %scan3A_39 = arith.constant 19 : i32
      %dma_wait3A = arith.constant 38 : i32
      %dma_wait3A_40 = arith.constant 0 : i32
      %dma_wait3A_41 = tpu.memref_slice %arg7[%dma_wait3A, %dma_wait3A_40] : memref<40x128xi32, #tpu.memory_space<vmem>> -> memref<1x128xi32, #tpu.memory_space<vmem>>
      %dma_wait3A_42 = tpu.memref_squeeze %dma_wait3A_41 : memref<1x128xi32, #tpu.memory_space<vmem>> -> memref<128xi32, #tpu.memory_space<vmem>>
      %dma_wait3A_43 = arith.constant 0 : i32
      %dma_wait3A_44 = arith.constant 0 : i32
      %dma_wait3A_45 = tpu.memref_slice %arg2[%dma_wait3A_43, %dma_wait3A_44] : memref<20000x128xf32, #tpu.memory_space<hbm>> -> memref<20000x128xf32, #tpu.memory_space<hbm>>
      tpu.wait_indirect_dma semaphore(%arg12 : memref<!tpu.dma_semaphore, #tpu.memory_space<semaphore_mem>>) src(%dma_wait3A_45 : memref<20000x128xf32, #tpu.memory_space<hbm>>) dst(%arg9 : memref<128x128xf32, #tpu.memory_space<vmem>>)
      %dma_start3A_46 = arith.constant 38 : i32
      %dma_start3A_47 = arith.constant 0 : i32
      %dma_start3A_48 = tpu.memref_slice %arg8[%dma_start3A_46, %dma_start3A_47] : memref<40x128xi32, #tpu.memory_space<vmem>> -> memref<1x128xi32, #tpu.memory_space<vmem>>
      %dma_start3A_49 = tpu.memref_squeeze %dma_start3A_48 : memref<1x128xi32, #tpu.memory_space<vmem>> -> memref<128xi32, #tpu.memory_space<vmem>>
      %dma_start3A_50 = arith.constant 0 : i32
      %dma_start3A_51 = arith.constant 0 : i32
      %dma_start3A_52 = tpu.memref_slice %arg11[%dma_start3A_50, %dma_start3A_51] : memref<10112x128xf32, #tpu.memory_space<vmem_shared>> -> memref<10112x128xf32, #tpu.memory_space<vmem_shared>>
      tpu.enqueue_indirect_dma source(%arg9 : memref<128x128xf32, #tpu.memory_space<vmem>>) target(%dma_start3A_52 : memref<10112x128xf32, #tpu.memory_space<vmem_shared>>) offsets(%dma_start3A_49 : memref<128xi32, #tpu.memory_space<vmem>>) semaphore(%arg14 : memref<!tpu.dma_semaphore, #tpu.memory_space<semaphore_mem>>) {add = true}
      %dma_wait3A_53 = arith.constant 39 : i32
      %dma_wait3A_54 = arith.constant 0 : i32
      %dma_wait3A_55 = tpu.memref_slice %arg7[%dma_wait3A_53, %dma_wait3A_54] : memref<40x128xi32, #tpu.memory_space<vmem>> -> memref<1x128xi32, #tpu.memory_space<vmem>>
      %dma_wait3A_56 = tpu.memref_squeeze %dma_wait3A_55 : memref<1x128xi32, #tpu.memory_space<vmem>> -> memref<128xi32, #tpu.memory_space<vmem>>
      %dma_wait3A_57 = arith.constant 0 : i32
      %dma_wait3A_58 = arith.constant 0 : i32
      %dma_wait3A_59 = tpu.memref_slice %arg2[%dma_wait3A_57, %dma_wait3A_58] : memref<20000x128xf32, #tpu.memory_space<hbm>> -> memref<20000x128xf32, #tpu.memory_space<hbm>>
      tpu.wait_indirect_dma semaphore(%arg13 : memref<!tpu.dma_semaphore, #tpu.memory_space<semaphore_mem>>) src(%dma_wait3A_59 : memref<20000x128xf32, #tpu.memory_space<hbm>>) dst(%arg10 : memref<128x128xf32, #tpu.memory_space<vmem>>)
      %dma_start3A_60 = arith.constant 39 : i32
      %dma_start3A_61 = arith.constant 0 : i32
      %dma_start3A_62 = tpu.memref_slice %arg8[%dma_start3A_60, %dma_start3A_61] : memref<40x128xi32, #tpu.memory_space<vmem>> -> memref<1x128xi32, #tpu.memory_space<vmem>>
      %dma_start3A_63 = tpu.memref_squeeze %dma_start3A_62 : memref<1x128xi32, #tpu.memory_space<vmem>> -> memref<128xi32, #tpu.memory_space<vmem>>
      %dma_start3A_64 = arith.constant 0 : i32
      %dma_start3A_65 = arith.constant 0 : i32
      %dma_start3A_66 = tpu.memref_slice %arg11[%dma_start3A_64, %dma_start3A_65] : memref<10112x128xf32, #tpu.memory_space<vmem_shared>> -> memref<10112x128xf32, #tpu.memory_space<vmem_shared>>
      tpu.enqueue_indirect_dma source(%arg10 : memref<128x128xf32, #tpu.memory_space<vmem>>) target(%dma_start3A_66 : memref<10112x128xf32, #tpu.memory_space<vmem_shared>>) offsets(%dma_start3A_63 : memref<128xi32, #tpu.memory_space<vmem>>) semaphore(%arg15 : memref<!tpu.dma_semaphore, #tpu.memory_space<semaphore_mem>>) {add = true}
      %dma_wait3A_67 = arith.constant 38 : i32
      %dma_wait3A_68 = arith.constant 0 : i32
      %dma_wait3A_69 = tpu.memref_slice %arg8[%dma_wait3A_67, %dma_wait3A_68] : memref<40x128xi32, #tpu.memory_space<vmem>> -> memref<1x128xi32, #tpu.memory_space<vmem>>
      %dma_wait3A_70 = tpu.memref_squeeze %dma_wait3A_69 : memref<1x128xi32, #tpu.memory_space<vmem>> -> memref<128xi32, #tpu.memory_space<vmem>>
      %dma_wait3A_71 = arith.constant 0 : i32
      %dma_wait3A_72 = arith.constant 0 : i32
      %dma_wait3A_73 = tpu.memref_slice %arg11[%dma_wait3A_71, %dma_wait3A_72] : memref<10112x128xf32, #tpu.memory_space<vmem_shared>> -> memref<10112x128xf32, #tpu.memory_space<vmem_shared>>
      tpu.wait_indirect_dma semaphore(%arg14 : memref<!tpu.dma_semaphore, #tpu.memory_space<semaphore_mem>>) src(%arg9 : memref<128x128xf32, #tpu.memory_space<vmem>>) dst(%dma_wait3A_73 : memref<10112x128xf32, #tpu.memory_space<vmem_shared>>)
      %dma_wait3A_74 = arith.constant 39 : i32
      %dma_wait3A_75 = arith.constant 0 : i32
      %dma_wait3A_76 = tpu.memref_slice %arg8[%dma_wait3A_74, %dma_wait3A_75] : memref<40x128xi32, #tpu.memory_space<vmem>> -> memref<1x128xi32, #tpu.memory_space<vmem>>
      %dma_wait3A_77 = tpu.memref_squeeze %dma_wait3A_76 : memref<1x128xi32, #tpu.memory_space<vmem>> -> memref<128xi32, #tpu.memory_space<vmem>>
      %dma_wait3A_78 = arith.constant 0 : i32
      %dma_wait3A_79 = arith.constant 0 : i32
      %dma_wait3A_80 = tpu.memref_slice %arg11[%dma_wait3A_78, %dma_wait3A_79] : memref<10112x128xf32, #tpu.memory_space<vmem_shared>> -> memref<10112x128xf32, #tpu.memory_space<vmem_shared>>
      tpu.wait_indirect_dma semaphore(%arg15 : memref<!tpu.dma_semaphore, #tpu.memory_space<semaphore_mem>>) src(%arg10 : memref<128x128xf32, #tpu.memory_space<vmem>>) dst(%dma_wait3A_80 : memref<10112x128xf32, #tpu.memory_space<vmem_shared>>)
    }
    %scan3A_4 = arith.constant 4 : i32
    %barrier3A_5 = arith.constant 0 : index
    tpu.barrier barrier_id(%barrier3A_5)
    %mul3A_6 = arith.constant 632 : i32
    %mul3A_7 = arith.muli %arg1, %mul3A_6 : i32
    %mul3A_8 = arith.constant 632 : i32
    %mul3A_9 = arith.muli %arg1, %mul3A_8 : i32
    "tpu.region"() ({
      %run_scoped3A = tpu.sem_alloc : memref<!tpu.dma_semaphore, #tpu.memory_space<semaphore_mem>>
      %dma_start3A = arith.constant 0 : i32
      %dma_start3A_10 = tpu.memref_slice %arg6[%arg0, %mul3A_9, %dma_start3A] : memref<2x10112x128xf32, #tpu.memory_space<hbm>> -> memref<1x632x128xf32, #tpu.memory_space<hbm>>
      %dma_start3A_11 = tpu.memref_squeeze %dma_start3A_10 : memref<1x632x128xf32, #tpu.memory_space<hbm>> -> memref<632x128xf32, #tpu.memory_space<hbm>>
      %dma_start3A_12 = arith.constant 0 : i32
      %dma_start3A_13 = tpu.memref_slice %arg11[%mul3A_7, %dma_start3A_12] : memref<10112x128xf32, #tpu.memory_space<vmem_shared>> -> memref<632x128xf32, #tpu.memory_space<vmem_shared>>
      tpu.enqueue_dma source(%dma_start3A_13 : memref<632x128xf32, #tpu.memory_space<vmem_shared>>) target(%dma_start3A_11 : memref<632x128xf32, #tpu.memory_space<hbm>>) target_semaphore(%run_scoped3A : memref<!tpu.dma_semaphore, #tpu.memory_space<semaphore_mem>>)
      %dma_wait3A = arith.constant 0 : i32
      %dma_wait3A_14 = tpu.memref_slice %arg6[%arg0, %mul3A_9, %dma_wait3A] : memref<2x10112x128xf32, #tpu.memory_space<hbm>> -> memref<1x632x128xf32, #tpu.memory_space<hbm>>
      %dma_wait3A_15 = tpu.memref_squeeze %dma_wait3A_14 : memref<1x632x128xf32, #tpu.memory_space<hbm>> -> memref<632x128xf32, #tpu.memory_space<hbm>>
      %dma_wait3A_16 = arith.constant 0 : i32
      %dma_wait3A_17 = tpu.memref_slice %arg11[%mul3A_7, %dma_wait3A_16] : memref<10112x128xf32, #tpu.memory_space<vmem_shared>> -> memref<632x128xf32, #tpu.memory_space<vmem_shared>>
      tpu.wait_dma2 semaphore(%run_scoped3A : memref<!tpu.dma_semaphore, #tpu.memory_space<semaphore_mem>>) src(%dma_wait3A_17 : memref<632x128xf32, #tpu.memory_space<vmem_shared>>) dst(%dma_wait3A_15 : memref<632x128xf32, #tpu.memory_space<hbm>>)
      tpu.yield
    }) : () -> ()
    return
  }
}

#map = affine_map<(d0, d1) -> (0, 0)>
#map1 = affine_map<(d0, d1) -> (0, 0, 0)>
module attributes {stable_mosaic.version = 14 : i64} {
  func.func @sc_segsum(%arg0: i32, %arg1: i32, %arg2: memref<20000x128xf32, #tpu.memory_space<hbm>>, %arg3: memref<5120x128xi32, #tpu.memory_space<hbm>>, %arg4: memref<2560x128xi32, #tpu.memory_space<hbm>>, %arg5: memref<632x128xf32, #tpu.memory_space<hbm>>, %arg6: memref<2x10112x128xf32, #tpu.memory_space<hbm>>, %arg7: memref<40x128xi32, #tpu.memory_space<vmem>>, %arg8: memref<40x128xi32, #tpu.memory_space<vmem>>, %arg9: memref<128x128xf32, #tpu.memory_space<vmem>>, %arg10: memref<128x128xf32, #tpu.memory_space<vmem>>, %arg11: memref<10112x128xf32, #tpu.memory_space<vmem_shared>>, %arg12: memref<!tpu.dma_semaphore, #tpu.memory_space<semaphore_mem>>, %arg13: memref<!tpu.dma_semaphore, #tpu.memory_space<semaphore_mem>>, %arg14: memref<!tpu.dma_semaphore, #tpu.memory_space<semaphore_mem>>, %arg15: memref<!tpu.dma_semaphore, #tpu.memory_space<semaphore_mem>>) attributes {dimension_semantics = [#tpu.dimension_semantics<core_parallel>, #tpu.dimension_semantics<subcore_parallel>], iteration_bounds = array<i64: 2, 16>, scalar_prefetch = 0 : i64, scratch_operands = 9 : i64, tpu.core_type = #tpu.core_type<sc_vector_subcore>, window_params = [{transform_indices = #map}, {transform_indices = #map}, {transform_indices = #map}, {transform_indices = #map}, {transform_indices = #map1}]} {
    %mul3A = arith.constant 632 : i32
    %mul3A_0 = arith.muli %arg1, %mul3A : i32
    "tpu.region"() ({
      %run_scoped3A = tpu.sem_alloc : memref<!tpu.dma_semaphore, #tpu.memory_space<semaphore_mem>>
      %dma_start3A = arith.constant 0 : i32
      %dma_start3A_10 = tpu.memref_slice %arg11[%mul3A_0, %dma_start3A] : memref<10112x128xf32, #tpu.memory_space<vmem_shared>> -> memref<632x128xf32, #tpu.memory_space<vmem_shared>>
      tpu.enqueue_dma source(%arg5 : memref<632x128xf32, #tpu.memory_space<hbm>>) target(%dma_start3A_10 : memref<632x128xf32, #tpu.memory_space<vmem_shared>>) target_semaphore(%run_scoped3A : memref<!tpu.dma_semaphore, #tpu.memory_space<semaphore_mem>>)
      %dma_wait3A = arith.constant 0 : i32
      %dma_wait3A_11 = tpu.memref_slice %arg11[%mul3A_0, %dma_wait3A] : memref<10112x128xf32, #tpu.memory_space<vmem_shared>> -> memref<632x128xf32, #tpu.memory_space<vmem_shared>>
      tpu.wait_dma2 semaphore(%run_scoped3A : memref<!tpu.dma_semaphore, #tpu.memory_space<semaphore_mem>>) src(%arg5 : memref<632x128xf32, #tpu.memory_space<hbm>>) dst(%dma_wait3A_11 : memref<632x128xf32, #tpu.memory_space<vmem_shared>>)
      tpu.yield
    }) : () -> ()
    %barrier3A = arith.constant 0 : index
    tpu.barrier barrier_id(%barrier3A)
    %scan3A = arith.constant 0 : i32
    %scan3A_1 = arith.constant 4 : i32
    %scan3A_2 = arith.addi %scan3A, %scan3A_1 : i32
    %scan3A_3 = arith.constant 1 : i32
    scf.for %scan3A_10 = %scan3A to %scan3A_2 step %scan3A_3  : i32 {
      %mul3A_11 = arith.constant 1 : i32
      %mul3A_12 = arith.muli %scan3A_10, %mul3A_11 : i32
      %add3A = arith.constant 0 : i32
      %add3A_13 = arith.addi %add3A, %mul3A_12 : i32
      %mul3A_14 = arith.constant 160 : i32
      %mul3A_15 = arith.muli %arg1, %mul3A_14 : i32
      %mul3A_16 = arith.constant 40 : i32
      %mul3A_17 = arith.muli %add3A_13, %mul3A_16 : i32
      %add3A_18 = arith.addi %mul3A_15, %mul3A_17 : i32
      %mul3A_19 = arith.constant 2560 : i32
      %mul3A_20 = arith.muli %arg0, %mul3A_19 : i32
      %add3A_21 = arith.addi %mul3A_20, %add3A_18 : i32
      "tpu.region"() ({
        %run_scoped3A = tpu.sem_alloc : memref<!tpu.dma_semaphore, #tpu.memory_space<semaphore_mem>>
        %dma_start3A_81 = arith.constant 0 : i32
        %dma_start3A_82 = tpu.memref_slice %arg3[%add3A_21, %dma_start3A_81] : memref<5120x128xi32, #tpu.memory_space<hbm>> -> memref<40x128xi32, #tpu.memory_space<hbm>>
        %dma_start3A_83 = arith.constant 0 : i32
        %dma_start3A_84 = tpu.memref_slice %arg3[%add3A_21, %dma_start3A_83] : memref<5120x128xi32, #tpu.memory_space<hbm>> -> memref<40x128xi32, #tpu.memory_space<hbm>>
        tpu.enqueue_dma source(%dma_start3A_84 : memref<40x128xi32, #tpu.memory_space<hbm>>) target(%arg7 : memref<40x128xi32, #tpu.memory_space<vmem>>) target_semaphore(%run_scoped3A : memref<!tpu.dma_semaphore, #tpu.memory_space<semaphore_mem>>)
        %dma_wait3A_85 = arith.constant 0 : i32
        %dma_wait3A_86 = tpu.memref_slice %arg3[%add3A_21, %dma_wait3A_85] : memref<5120x128xi32, #tpu.memory_space<hbm>> -> memref<40x128xi32, #tpu.memory_space<hbm>>
        %dma_wait3A_87 = arith.constant 0 : i32
        %dma_wait3A_88 = tpu.memref_slice %arg3[%add3A_21, %dma_wait3A_87] : memref<5120x128xi32, #tpu.memory_space<hbm>> -> memref<40x128xi32, #tpu.memory_space<hbm>>
        tpu.wait_dma2 semaphore(%run_scoped3A : memref<!tpu.dma_semaphore, #tpu.memory_space<semaphore_mem>>) src(%dma_wait3A_88 : memref<40x128xi32, #tpu.memory_space<hbm>>) dst(%arg7 : memref<40x128xi32, #tpu.memory_space<vmem>>)
        tpu.yield
      }) : () -> ()
      "tpu.region"() ({
        %run_scoped3A = tpu.sem_alloc : memref<!tpu.dma_semaphore, #tpu.memory_space<semaphore_mem>>
        %dma_start3A_81 = arith.constant 0 : i32
        %dma_start3A_82 = tpu.memref_slice %arg4[%add3A_18, %dma_start3A_81] : memref<2560x128xi32, #tpu.memory_space<hbm>> -> memref<40x128xi32, #tpu.memory_space<hbm>>
        %dma_start3A_83 = arith.constant 0 : i32
        %dma_start3A_84 = tpu.memref_slice %arg4[%add3A_18, %dma_start3A_83] : memref<2560x128xi32, #tpu.memory_space<hbm>> -> memref<40x128xi32, #tpu.memory_space<hbm>>
        tpu.enqueue_dma source(%dma_start3A_84 : memref<40x128xi32, #tpu.memory_space<hbm>>) target(%arg8 : memref<40x128xi32, #tpu.memory_space<vmem>>) target_semaphore(%run_scoped3A : memref<!tpu.dma_semaphore, #tpu.memory_space<semaphore_mem>>)
        %dma_wait3A_85 = arith.constant 0 : i32
        %dma_wait3A_86 = tpu.memref_slice %arg4[%add3A_18, %dma_wait3A_85] : memref<2560x128xi32, #tpu.memory_space<hbm>> -> memref<40x128xi32, #tpu.memory_space<hbm>>
        %dma_wait3A_87 = arith.constant 0 : i32
        %dma_wait3A_88 = tpu.memref_slice %arg4[%add3A_18, %dma_wait3A_87] : memref<2560x128xi32, #tpu.memory_space<hbm>> -> memref<40x128xi32, #tpu.memory_space<hbm>>
        tpu.wait_dma2 semaphore(%run_scoped3A : memref<!tpu.dma_semaphore, #tpu.memory_space<semaphore_mem>>) src(%dma_wait3A_88 : memref<40x128xi32, #tpu.memory_space<hbm>>) dst(%arg8 : memref<40x128xi32, #tpu.memory_space<vmem>>)
        tpu.yield
      }) : () -> ()
      %dma_start3A = arith.constant 0 : i32
      %dma_start3A_22 = arith.constant 0 : i32
      %dma_start3A_23 = tpu.memref_slice %arg7[%dma_start3A, %dma_start3A_22] : memref<40x128xi32, #tpu.memory_space<vmem>> -> memref<1x128xi32, #tpu.memory_space<vmem>>
      %dma_start3A_24 = tpu.memref_squeeze %dma_start3A_23 : memref<1x128xi32, #tpu.memory_space<vmem>> -> memref<128xi32, #tpu.memory_space<vmem>>
      %dma_start3A_25 = arith.constant 0 : i32
      %dma_start3A_26 = arith.constant 0 : i32
      %dma_start3A_27 = tpu.memref_slice %arg2[%dma_start3A_25, %dma_start3A_26] : memref<20000x128xf32, #tpu.memory_space<hbm>> -> memref<20000x128xf32, #tpu.memory_space<hbm>>
      tpu.enqueue_indirect_dma source(%dma_start3A_27 : memref<20000x128xf32, #tpu.memory_space<hbm>>) target(%arg9 : memref<128x128xf32, #tpu.memory_space<vmem>>) offsets(%dma_start3A_24 : memref<128xi32, #tpu.memory_space<vmem>>) semaphore(%arg12 : memref<!tpu.dma_semaphore, #tpu.memory_space<semaphore_mem>>)
      %dma_start3A_28 = arith.constant 1 : i32
      %dma_start3A_29 = arith.constant 0 : i32
      %dma_start3A_30 = tpu.memref_slice %arg7[%dma_start3A_28, %dma_start3A_29] : memref<40x128xi32, #tpu.memory_space<vmem>> -> memref<1x128xi32, #tpu.memory_space<vmem>>
      %dma_start3A_31 = tpu.memref_squeeze %dma_start3A_30 : memref<1x128xi32, #tpu.memory_space<vmem>> -> memref<128xi32, #tpu.memory_space<vmem>>
      %dma_start3A_32 = arith.constant 0 : i32
      %dma_start3A_33 = arith.constant 0 : i32
      %dma_start3A_34 = tpu.memref_slice %arg2[%dma_start3A_32, %dma_start3A_33] : memref<20000x128xf32, #tpu.memory_space<hbm>> -> memref<20000x128xf32, #tpu.memory_space<hbm>>
      tpu.enqueue_indirect_dma source(%dma_start3A_34 : memref<20000x128xf32, #tpu.memory_space<hbm>>) target(%arg10 : memref<128x128xf32, #tpu.memory_space<vmem>>) offsets(%dma_start3A_31 : memref<128xi32, #tpu.memory_space<vmem>>) semaphore(%arg13 : memref<!tpu.dma_semaphore, #tpu.memory_space<semaphore_mem>>)
      %scan3A_35 = arith.constant 0 : i32
      %scan3A_36 = arith.constant 19 : i32
      %scan3A_37 = arith.addi %scan3A_35, %scan3A_36 : i32
      %scan3A_38 = arith.constant 1 : i32
      scf.for %scan3A_81 = %scan3A_35 to %scan3A_37 step %scan3A_38  : i32 {
        %mul3A_82 = arith.constant 1 : i32
        %mul3A_83 = arith.muli %scan3A_81, %mul3A_82 : i32
        %add3A_84 = arith.constant 0 : i32
        %add3A_85 = arith.addi %add3A_84, %mul3A_83 : i32
        %mul3A_86 = arith.constant 2 : i32
        %mul3A_87 = arith.muli %add3A_85, %mul3A_86 : i32
        %add3A_88 = arith.constant 0 : i32
        %add3A_89 = arith.addi %mul3A_87, %add3A_88 : i32
        %dma_wait3A_90 = arith.constant 0 : i32
        %dma_wait3A_91 = tpu.memref_slice %arg7[%add3A_89, %dma_wait3A_90] : memref<40x128xi32, #tpu.memory_space<vmem>> -> memref<1x128xi32, #tpu.memory_space<vmem>>
        %dma_wait3A_92 = tpu.memref_squeeze %dma_wait3A_91 : memref<1x128xi32, #tpu.memory_space<vmem>> -> memref<128xi32, #tpu.memory_space<vmem>>
        %dma_wait3A_93 = arith.constant 0 : i32
        %dma_wait3A_94 = arith.constant 0 : i32
        %dma_wait3A_95 = tpu.memref_slice %arg2[%dma_wait3A_93, %dma_wait3A_94] : memref<20000x128xf32, #tpu.memory_space<hbm>> -> memref<20000x128xf32, #tpu.memory_space<hbm>>
        tpu.wait_indirect_dma semaphore(%arg12 : memref<!tpu.dma_semaphore, #tpu.memory_space<semaphore_mem>>) src(%dma_wait3A_95 : memref<20000x128xf32, #tpu.memory_space<hbm>>) dst(%arg9 : memref<128x128xf32, #tpu.memory_space<vmem>>)
        %add3A_96 = arith.constant 0 : i32
        %add3A_97 = arith.addi %mul3A_87, %add3A_96 : i32
        %dma_start3A_98 = arith.constant 0 : i32
        %dma_start3A_99 = tpu.memref_slice %arg8[%add3A_97, %dma_start3A_98] : memref<40x128xi32, #tpu.memory_space<vmem>> -> memref<1x128xi32, #tpu.memory_space<vmem>>
        %dma_start3A_100 = tpu.memref_squeeze %dma_start3A_99 : memref<1x128xi32, #tpu.memory_space<vmem>> -> memref<128xi32, #tpu.memory_space<vmem>>
        %dma_start3A_101 = arith.constant 0 : i32
        %dma_start3A_102 = arith.constant 0 : i32
        %dma_start3A_103 = tpu.memref_slice %arg11[%dma_start3A_101, %dma_start3A_102] : memref<10112x128xf32, #tpu.memory_space<vmem_shared>> -> memref<10112x128xf32, #tpu.memory_space<vmem_shared>>
        tpu.enqueue_indirect_dma source(%arg9 : memref<128x128xf32, #tpu.memory_space<vmem>>) target(%dma_start3A_103 : memref<10112x128xf32, #tpu.memory_space<vmem_shared>>) offsets(%dma_start3A_100 : memref<128xi32, #tpu.memory_space<vmem>>) semaphore(%arg14 : memref<!tpu.dma_semaphore, #tpu.memory_space<semaphore_mem>>) {add = true}
        %add3A_104 = arith.constant 1 : i32
        %add3A_105 = arith.addi %mul3A_87, %add3A_104 : i32
        %dma_wait3A_106 = arith.constant 0 : i32
        %dma_wait3A_107 = tpu.memref_slice %arg7[%add3A_105, %dma_wait3A_106] : memref<40x128xi32, #tpu.memory_space<vmem>> -> memref<1x128xi32, #tpu.memory_space<vmem>>
        %dma_wait3A_108 = tpu.memref_squeeze %dma_wait3A_107 : memref<1x128xi32, #tpu.memory_space<vmem>> -> memref<128xi32, #tpu.memory_space<vmem>>
        %dma_wait3A_109 = arith.constant 0 : i32
        %dma_wait3A_110 = arith.constant 0 : i32
        %dma_wait3A_111 = tpu.memref_slice %arg2[%dma_wait3A_109, %dma_wait3A_110] : memref<20000x128xf32, #tpu.memory_space<hbm>> -> memref<20000x128xf32, #tpu.memory_space<hbm>>
        tpu.wait_indirect_dma semaphore(%arg13 : memref<!tpu.dma_semaphore, #tpu.memory_space<semaphore_mem>>) src(%dma_wait3A_111 : memref<20000x128xf32, #tpu.memory_space<hbm>>) dst(%arg10 : memref<128x128xf32, #tpu.memory_space<vmem>>)
        %add3A_112 = arith.constant 1 : i32
        %add3A_113 = arith.addi %mul3A_87, %add3A_112 : i32
        %dma_start3A_114 = arith.constant 0 : i32
        %dma_start3A_115 = tpu.memref_slice %arg8[%add3A_113, %dma_start3A_114] : memref<40x128xi32, #tpu.memory_space<vmem>> -> memref<1x128xi32, #tpu.memory_space<vmem>>
        %dma_start3A_116 = tpu.memref_squeeze %dma_start3A_115 : memref<1x128xi32, #tpu.memory_space<vmem>> -> memref<128xi32, #tpu.memory_space<vmem>>
        %dma_start3A_117 = arith.constant 0 : i32
        %dma_start3A_118 = arith.constant 0 : i32
        %dma_start3A_119 = tpu.memref_slice %arg11[%dma_start3A_117, %dma_start3A_118] : memref<10112x128xf32, #tpu.memory_space<vmem_shared>> -> memref<10112x128xf32, #tpu.memory_space<vmem_shared>>
        tpu.enqueue_indirect_dma source(%arg10 : memref<128x128xf32, #tpu.memory_space<vmem>>) target(%dma_start3A_119 : memref<10112x128xf32, #tpu.memory_space<vmem_shared>>) offsets(%dma_start3A_116 : memref<128xi32, #tpu.memory_space<vmem>>) semaphore(%arg15 : memref<!tpu.dma_semaphore, #tpu.memory_space<semaphore_mem>>) {add = true}
        %add3A_120 = arith.constant 0 : i32
        %add3A_121 = arith.addi %mul3A_87, %add3A_120 : i32
        %dma_wait3A_122 = arith.constant 0 : i32
        %dma_wait3A_123 = tpu.memref_slice %arg8[%add3A_121, %dma_wait3A_122] : memref<40x128xi32, #tpu.memory_space<vmem>> -> memref<1x128xi32, #tpu.memory_space<vmem>>
        %dma_wait3A_124 = tpu.memref_squeeze %dma_wait3A_123 : memref<1x128xi32, #tpu.memory_space<vmem>> -> memref<128xi32, #tpu.memory_space<vmem>>
        %dma_wait3A_125 = arith.constant 0 : i32
        %dma_wait3A_126 = arith.constant 0 : i32
        %dma_wait3A_127 = tpu.memref_slice %arg11[%dma_wait3A_125, %dma_wait3A_126] : memref<10112x128xf32, #tpu.memory_space<vmem_shared>> -> memref<10112x128xf32, #tpu.memory_space<vmem_shared>>
        tpu.wait_indirect_dma semaphore(%arg14 : memref<!tpu.dma_semaphore, #tpu.memory_space<semaphore_mem>>) src(%arg9 : memref<128x128xf32, #tpu.memory_space<vmem>>) dst(%dma_wait3A_127 : memref<10112x128xf32, #tpu.memory_space<vmem_shared>>)
        %add3A_128 = arith.constant 2 : i32
        %add3A_129 = arith.addi %mul3A_87, %add3A_128 : i32
        %add3A_130 = arith.constant 0 : i32
        %add3A_131 = arith.addi %add3A_129, %add3A_130 : i32
        %dma_start3A_132 = arith.constant 0 : i32
        %dma_start3A_133 = tpu.memref_slice %arg7[%add3A_131, %dma_start3A_132] : memref<40x128xi32, #tpu.memory_space<vmem>> -> memref<1x128xi32, #tpu.memory_space<vmem>>
        %dma_start3A_134 = tpu.memref_squeeze %dma_start3A_133 : memref<1x128xi32, #tpu.memory_space<vmem>> -> memref<128xi32, #tpu.memory_space<vmem>>
        %dma_start3A_135 = arith.constant 0 : i32
        %dma_start3A_136 = arith.constant 0 : i32
        %dma_start3A_137 = tpu.memref_slice %arg2[%dma_start3A_135, %dma_start3A_136] : memref<20000x128xf32, #tpu.memory_space<hbm>> -> memref<20000x128xf32, #tpu.memory_space<hbm>>
        tpu.enqueue_indirect_dma source(%dma_start3A_137 : memref<20000x128xf32, #tpu.memory_space<hbm>>) target(%arg9 : memref<128x128xf32, #tpu.memory_space<vmem>>) offsets(%dma_start3A_134 : memref<128xi32, #tpu.memory_space<vmem>>) semaphore(%arg12 : memref<!tpu.dma_semaphore, #tpu.memory_space<semaphore_mem>>)
        %add3A_138 = arith.constant 1 : i32
        %add3A_139 = arith.addi %mul3A_87, %add3A_138 : i32
        %dma_wait3A_140 = arith.constant 0 : i32
        %dma_wait3A_141 = tpu.memref_slice %arg8[%add3A_139, %dma_wait3A_140] : memref<40x128xi32, #tpu.memory_space<vmem>> -> memref<1x128xi32, #tpu.memory_space<vmem>>
        %dma_wait3A_142 = tpu.memref_squeeze %dma_wait3A_141 : memref<1x128xi32, #tpu.memory_space<vmem>> -> memref<128xi32, #tpu.memory_space<vmem>>
        %dma_wait3A_143 = arith.constant 0 : i32
        %dma_wait3A_144 = arith.constant 0 : i32
        %dma_wait3A_145 = tpu.memref_slice %arg11[%dma_wait3A_143, %dma_wait3A_144] : memref<10112x128xf32, #tpu.memory_space<vmem_shared>> -> memref<10112x128xf32, #tpu.memory_space<vmem_shared>>
        tpu.wait_indirect_dma semaphore(%arg15 : memref<!tpu.dma_semaphore, #tpu.memory_space<semaphore_mem>>) src(%arg10 : memref<128x128xf32, #tpu.memory_space<vmem>>) dst(%dma_wait3A_145 : memref<10112x128xf32, #tpu.memory_space<vmem_shared>>)
        %add3A_146 = arith.constant 2 : i32
        %add3A_147 = arith.addi %mul3A_87, %add3A_146 : i32
        %add3A_148 = arith.constant 1 : i32
        %add3A_149 = arith.addi %add3A_147, %add3A_148 : i32
        %dma_start3A_150 = arith.constant 0 : i32
        %dma_start3A_151 = tpu.memref_slice %arg7[%add3A_149, %dma_start3A_150] : memref<40x128xi32, #tpu.memory_space<vmem>> -> memref<1x128xi32, #tpu.memory_space<vmem>>
        %dma_start3A_152 = tpu.memref_squeeze %dma_start3A_151 : memref<1x128xi32, #tpu.memory_space<vmem>> -> memref<128xi32, #tpu.memory_space<vmem>>
        %dma_start3A_153 = arith.constant 0 : i32
        %dma_start3A_154 = arith.constant 0 : i32
        %dma_start3A_155 = tpu.memref_slice %arg2[%dma_start3A_153, %dma_start3A_154] : memref<20000x128xf32, #tpu.memory_space<hbm>> -> memref<20000x128xf32, #tpu.memory_space<hbm>>
        tpu.enqueue_indirect_dma source(%dma_start3A_155 : memref<20000x128xf32, #tpu.memory_space<hbm>>) target(%arg10 : memref<128x128xf32, #tpu.memory_space<vmem>>) offsets(%dma_start3A_152 : memref<128xi32, #tpu.memory_space<vmem>>) semaphore(%arg13 : memref<!tpu.dma_semaphore, #tpu.memory_space<semaphore_mem>>)
      }
      %scan3A_39 = arith.constant 19 : i32
      %dma_wait3A = arith.constant 38 : i32
      %dma_wait3A_40 = arith.constant 0 : i32
      %dma_wait3A_41 = tpu.memref_slice %arg7[%dma_wait3A, %dma_wait3A_40] : memref<40x128xi32, #tpu.memory_space<vmem>> -> memref<1x128xi32, #tpu.memory_space<vmem>>
      %dma_wait3A_42 = tpu.memref_squeeze %dma_wait3A_41 : memref<1x128xi32, #tpu.memory_space<vmem>> -> memref<128xi32, #tpu.memory_space<vmem>>
      %dma_wait3A_43 = arith.constant 0 : i32
      %dma_wait3A_44 = arith.constant 0 : i32
      %dma_wait3A_45 = tpu.memref_slice %arg2[%dma_wait3A_43, %dma_wait3A_44] : memref<20000x128xf32, #tpu.memory_space<hbm>> -> memref<20000x128xf32, #tpu.memory_space<hbm>>
      tpu.wait_indirect_dma semaphore(%arg12 : memref<!tpu.dma_semaphore, #tpu.memory_space<semaphore_mem>>) src(%dma_wait3A_45 : memref<20000x128xf32, #tpu.memory_space<hbm>>) dst(%arg9 : memref<128x128xf32, #tpu.memory_space<vmem>>)
      %dma_start3A_46 = arith.constant 38 : i32
      %dma_start3A_47 = arith.constant 0 : i32
      %dma_start3A_48 = tpu.memref_slice %arg8[%dma_start3A_46, %dma_start3A_47] : memref<40x128xi32, #tpu.memory_space<vmem>> -> memref<1x128xi32, #tpu.memory_space<vmem>>
      %dma_start3A_49 = tpu.memref_squeeze %dma_start3A_48 : memref<1x128xi32, #tpu.memory_space<vmem>> -> memref<128xi32, #tpu.memory_space<vmem>>
      %dma_start3A_50 = arith.constant 0 : i32
      %dma_start3A_51 = arith.constant 0 : i32
      %dma_start3A_52 = tpu.memref_slice %arg11[%dma_start3A_50, %dma_start3A_51] : memref<10112x128xf32, #tpu.memory_space<vmem_shared>> -> memref<10112x128xf32, #tpu.memory_space<vmem_shared>>
      tpu.enqueue_indirect_dma source(%arg9 : memref<128x128xf32, #tpu.memory_space<vmem>>) target(%dma_start3A_52 : memref<10112x128xf32, #tpu.memory_space<vmem_shared>>) offsets(%dma_start3A_49 : memref<128xi32, #tpu.memory_space<vmem>>) semaphore(%arg14 : memref<!tpu.dma_semaphore, #tpu.memory_space<semaphore_mem>>) {add = true}
      %dma_wait3A_53 = arith.constant 39 : i32
      %dma_wait3A_54 = arith.constant 0 : i32
      %dma_wait3A_55 = tpu.memref_slice %arg7[%dma_wait3A_53, %dma_wait3A_54] : memref<40x128xi32, #tpu.memory_space<vmem>> -> memref<1x128xi32, #tpu.memory_space<vmem>>
      %dma_wait3A_56 = tpu.memref_squeeze %dma_wait3A_55 : memref<1x128xi32, #tpu.memory_space<vmem>> -> memref<128xi32, #tpu.memory_space<vmem>>
      %dma_wait3A_57 = arith.constant 0 : i32
      %dma_wait3A_58 = arith.constant 0 : i32
      %dma_wait3A_59 = tpu.memref_slice %arg2[%dma_wait3A_57, %dma_wait3A_58] : memref<20000x128xf32, #tpu.memory_space<hbm>> -> memref<20000x128xf32, #tpu.memory_space<hbm>>
      tpu.wait_indirect_dma semaphore(%arg13 : memref<!tpu.dma_semaphore, #tpu.memory_space<semaphore_mem>>) src(%dma_wait3A_59 : memref<20000x128xf32, #tpu.memory_space<hbm>>) dst(%arg10 : memref<128x128xf32, #tpu.memory_space<vmem>>)
      %dma_start3A_60 = arith.constant 39 : i32
      %dma_start3A_61 = arith.constant 0 : i32
      %dma_start3A_62 = tpu.memref_slice %arg8[%dma_start3A_60, %dma_start3A_61] : memref<40x128xi32, #tpu.memory_space<vmem>> -> memref<1x128xi32, #tpu.memory_space<vmem>>
      %dma_start3A_63 = tpu.memref_squeeze %dma_start3A_62 : memref<1x128xi32, #tpu.memory_space<vmem>> -> memref<128xi32, #tpu.memory_space<vmem>>
      %dma_start3A_64 = arith.constant 0 : i32
      %dma_start3A_65 = arith.constant 0 : i32
      %dma_start3A_66 = tpu.memref_slice %arg11[%dma_start3A_64, %dma_start3A_65] : memref<10112x128xf32, #tpu.memory_space<vmem_shared>> -> memref<10112x128xf32, #tpu.memory_space<vmem_shared>>
      tpu.enqueue_indirect_dma source(%arg10 : memref<128x128xf32, #tpu.memory_space<vmem>>) target(%dma_start3A_66 : memref<10112x128xf32, #tpu.memory_space<vmem_shared>>) offsets(%dma_start3A_63 : memref<128xi32, #tpu.memory_space<vmem>>) semaphore(%arg15 : memref<!tpu.dma_semaphore, #tpu.memory_space<semaphore_mem>>) {add = true}
      %dma_wait3A_67 = arith.constant 38 : i32
      %dma_wait3A_68 = arith.constant 0 : i32
      %dma_wait3A_69 = tpu.memref_slice %arg8[%dma_wait3A_67, %dma_wait3A_68] : memref<40x128xi32, #tpu.memory_space<vmem>> -> memref<1x128xi32, #tpu.memory_space<vmem>>
      %dma_wait3A_70 = tpu.memref_squeeze %dma_wait3A_69 : memref<1x128xi32, #tpu.memory_space<vmem>> -> memref<128xi32, #tpu.memory_space<vmem>>
      %dma_wait3A_71 = arith.constant 0 : i32
      %dma_wait3A_72 = arith.constant 0 : i32
      %dma_wait3A_73 = tpu.memref_slice %arg11[%dma_wait3A_71, %dma_wait3A_72] : memref<10112x128xf32, #tpu.memory_space<vmem_shared>> -> memref<10112x128xf32, #tpu.memory_space<vmem_shared>>
      tpu.wait_indirect_dma semaphore(%arg14 : memref<!tpu.dma_semaphore, #tpu.memory_space<semaphore_mem>>) src(%arg9 : memref<128x128xf32, #tpu.memory_space<vmem>>) dst(%dma_wait3A_73 : memref<10112x128xf32, #tpu.memory_space<vmem_shared>>)
      %dma_wait3A_74 = arith.constant 39 : i32
      %dma_wait3A_75 = arith.constant 0 : i32
      %dma_wait3A_76 = tpu.memref_slice %arg8[%dma_wait3A_74, %dma_wait3A_75] : memref<40x128xi32, #tpu.memory_space<vmem>> -> memref<1x128xi32, #tpu.memory_space<vmem>>
      %dma_wait3A_77 = tpu.memref_squeeze %dma_wait3A_76 : memref<1x128xi32, #tpu.memory_space<vmem>> -> memref<128xi32, #tpu.memory_space<vmem>>
      %dma_wait3A_78 = arith.constant 0 : i32
      %dma_wait3A_79 = arith.constant 0 : i32
      %dma_wait3A_80 = tpu.memref_slice %arg11[%dma_wait3A_78, %dma_wait3A_79] : memref<10112x128xf32, #tpu.memory_space<vmem_shared>> -> memref<10112x128xf32, #tpu.memory_space<vmem_shared>>
      tpu.wait_indirect_dma semaphore(%arg15 : memref<!tpu.dma_semaphore, #tpu.memory_space<semaphore_mem>>) src(%arg10 : memref<128x128xf32, #tpu.memory_space<vmem>>) dst(%dma_wait3A_80 : memref<10112x128xf32, #tpu.memory_space<vmem_shared>>)
    }
    %scan3A_4 = arith.constant 4 : i32
    %barrier3A_5 = arith.constant 0 : index
    tpu.barrier barrier_id(%barrier3A_5)
    %mul3A_6 = arith.constant 632 : i32
    %mul3A_7 = arith.muli %arg1, %mul3A_6 : i32
    %mul3A_8 = arith.constant 632 : i32
    %mul3A_9 = arith.muli %arg1, %mul3A_8 : i32
    "tpu.region"() ({
      %run_scoped3A = tpu.sem_alloc : memref<!tpu.dma_semaphore, #tpu.memory_space<semaphore_mem>>
      %dma_start3A = arith.constant 0 : i32
      %dma_start3A_10 = tpu.memref_slice %arg6[%arg0, %mul3A_9, %dma_start3A] : memref<2x10112x128xf32, #tpu.memory_space<hbm>> -> memref<1x632x128xf32, #tpu.memory_space<hbm>>
      %dma_start3A_11 = tpu.memref_squeeze %dma_start3A_10 : memref<1x632x128xf32, #tpu.memory_space<hbm>> -> memref<632x128xf32, #tpu.memory_space<hbm>>
      %dma_start3A_12 = arith.constant 0 : i32
      %dma_start3A_13 = tpu.memref_slice %arg11[%mul3A_7, %dma_start3A_12] : memref<10112x128xf32, #tpu.memory_space<vmem_shared>> -> memref<632x128xf32, #tpu.memory_space<vmem_shared>>
      tpu.enqueue_dma source(%dma_start3A_13 : memref<632x128xf32, #tpu.memory_space<vmem_shared>>) target(%dma_start3A_11 : memref<632x128xf32, #tpu.memory_space<hbm>>) target_semaphore(%run_scoped3A : memref<!tpu.dma_semaphore, #tpu.memory_space<semaphore_mem>>)
      %dma_wait3A = arith.constant 0 : i32
      %dma_wait3A_14 = tpu.memref_slice %arg6[%arg0, %mul3A_9, %dma_wait3A] : memref<2x10112x128xf32, #tpu.memory_space<hbm>> -> memref<1x632x128xf32, #tpu.memory_space<hbm>>
      %dma_wait3A_15 = tpu.memref_squeeze %dma_wait3A_14 : memref<1x632x128xf32, #tpu.memory_space<hbm>> -> memref<632x128xf32, #tpu.memory_space<hbm>>
      %dma_wait3A_16 = arith.constant 0 : i32
      %dma_wait3A_17 = tpu.memref_slice %arg11[%mul3A_7, %dma_wait3A_16] : memref<10112x128xf32, #tpu.memory_space<vmem_shared>> -> memref<632x128xf32, #tpu.memory_space<vmem_shared>>
      tpu.wait_dma2 semaphore(%run_scoped3A : memref<!tpu.dma_semaphore, #tpu.memory_space<semaphore_mem>>) src(%dma_wait3A_17 : memref<632x128xf32, #tpu.memory_space<vmem_shared>>) dst(%dma_wait3A_15 : memref<632x128xf32, #tpu.memory_space<hbm>>)
      tpu.yield
    }) : () -> ()
    return
  }
}

module attributes {stable_mosaic.version = 14 : i64} {
  func.func @_embed_body(%arg0: i32, %arg1: memref<2000x128xf32, #tpu.memory_space<vmem>>, %arg2: memref<2000x1xi32, #tpu.memory_space<vmem>>, %arg3: memref<16x8xf32, #tpu.memory_space<vmem>>, %arg4: memref<136x256xf32, #tpu.memory_space<vmem>>, %arg5: memref<1x256xf32, #tpu.memory_space<vmem>>, %arg6: memref<2x2000x128xf32, #tpu.memory_space<vmem>>) attributes {dimension_semantics = [#tpu.dimension_semantics<arbitrary>], iteration_bounds = array<i64: 5>, scalar_prefetch = 0 : i64, scratch_operands = 0 : i64, tpu.core_type = #tpu.core_type<tc>, window_params = [{transform_indices = @transform_0, window_bounds = array<i64: 2000, 128>}, {transform_indices = @transform_1, window_bounds = array<i64: 2000, 1>}, {pipeline_mode = #tpu.pipeline_mode<synchronous>, transform_indices = @transform_2, window_bounds = array<i64: 16, 8>}, {pipeline_mode = #tpu.pipeline_mode<synchronous>, transform_indices = @transform_3, window_bounds = array<i64: 136, 256>}, {pipeline_mode = #tpu.pipeline_mode<synchronous>, transform_indices = @transform_4, window_bounds = array<i64: 1, 256>}, {transform_indices = @transform_5, window_bounds = array<i64: 2, 2000, 128>}]} {
    %get3A = arith.constant 0 : index
    %get3A_0 = arith.constant 0 : index
    %get3A_1 = vector.load %arg1[%get3A, %get3A_0] : memref<2000x128xf32, #tpu.memory_space<vmem>>, vector<2000x128xf32>
    %get3A_2 = arith.constant 0 : index
    %get3A_3 = arith.constant 0 : index
    %get3A_4 = vector.load %arg3[%get3A_2, %get3A_3] : memref<16x8xf32, #tpu.memory_space<vmem>>, vector<16x8xf32>
    %get3A_5 = arith.constant 128 : index
    %get3A_6 = arith.constant 0 : index
    %get3A_7 = vector.load %arg4[%get3A_5, %get3A_6] : memref<136x256xf32, #tpu.memory_space<vmem>>, vector<8x256xf32>
    %dot_general3A = arith.constant dense<0.000000e+00> : vector<16x256xf32>
    %dot_general3A_8 = tpu.matmul %get3A_4, %get3A_7, %dot_general3A {dimension_numbers = #tpu.dot_dimension_numbers<[1], [0], [0], [1], [0, 0, 1, 1], [], []>, transpose_lhs_hint = false} : vector<16x8xf32>, vector<8x256xf32>, vector<16x256xf32> -> vector<16x256xf32>
    %get3A_9 = arith.constant 0 : index
    %get3A_10 = arith.constant 0 : index
    %get3A_11 = vector.load %arg2[%get3A_9, %get3A_10] : memref<2000x1xi32, #tpu.memory_space<vmem>>, vector<2000x1xi32>
    %iota3A = tpu.iota {dimensions = array<i32: 1>} : vector<2000x16xi32>
    %eq3A = vector.broadcast %get3A_11 : vector<2000x1xi32> to vector<2000x16xi32>
    %eq3A_12 = arith.cmpi eq, %eq3A, %iota3A : vector<2000x16xi32>
    %get3A_13 = arith.constant 0 : index
    %get3A_14 = arith.constant 0 : index
    %get3A_15 = vector.load %arg4[%get3A_13, %get3A_14] : memref<136x256xf32, #tpu.memory_space<vmem>>, vector<128x256xf32>
    %dot_general3A_16 = arith.constant dense<0.000000e+00> : vector<2000x256xf32>
    %dot_general3A_17 = tpu.matmul %get3A_1, %get3A_15, %dot_general3A_16 {dimension_numbers = #tpu.dot_dimension_numbers<[1], [0], [0], [1], [0, 0, 1, 1], [], []>, transpose_lhs_hint = false} : vector<2000x128xf32>, vector<128x256xf32>, vector<2000x256xf32> -> vector<2000x256xf32>
    %convert_element_type3A = arith.extui %eq3A_12 : vector<2000x16xi1> to vector<2000x16xi32>
    %convert_element_type3A_18 = arith.sitofp %convert_element_type3A : vector<2000x16xi32> to vector<2000x16xf32>
    %dot_general3A_19 = arith.constant dense<0.000000e+00> : vector<2000x256xf32>
    %dot_general3A_20 = tpu.matmul %convert_element_type3A_18, %dot_general3A_8, %dot_general3A_19 {dimension_numbers = #tpu.dot_dimension_numbers<[1], [0], [0], [1], [0, 0, 1, 1], [], []>, transpose_lhs_hint = false} : vector<2000x16xf32>, vector<16x256xf32>, vector<2000x256xf32> -> vector<2000x256xf32>
    %add3A = arith.addf %dot_general3A_17, %dot_general3A_20 : vector<2000x256xf32>
    %get3A_21 = arith.constant 0 : index
    %get3A_22 = arith.constant 0 : index
    %get3A_23 = vector.load %arg5[%get3A_21, %get3A_22] : memref<1x256xf32, #tpu.memory_space<vmem>>, vector<1x256xf32>
    %add3A_24 = vector.broadcast %get3A_23 : vector<1x256xf32> to vector<2000x256xf32>
    %add3A_25 = arith.addf %add3A, %add3A_24 : vector<2000x256xf32>
    %slice3A = vector.extract_strided_slice %add3A_25 {offsets = [0, 0], sizes = [2000, 128], strides = [1, 1]} : vector<2000x256xf32> to vector<2000x128xf32>
    %swap3A = arith.constant 0 : index
    %swap3A_26 = arith.constant 0 : index
    %swap3A_27 = arith.constant 0 : index
    %swap3A_28 = vector.load %arg6[%swap3A, %swap3A_26, %swap3A_27] : memref<2x2000x128xf32, #tpu.memory_space<vmem>>, vector<1x2000x128xf32>
    %swap3A_29 = vector.shape_cast %swap3A_28 : vector<1x2000x128xf32> to vector<2000x128xf32>
    %swap3A_30 = vector.shape_cast %slice3A : vector<2000x128xf32> to vector<1x2000x128xf32>
    tpu.vector_store %arg6[%swap3A, %swap3A_26, %swap3A_27], %swap3A_30 {strides = array<i32>} : memref<2x2000x128xf32, #tpu.memory_space<vmem>>, vector<1x2000x128xf32>,
    %slice3A_31 = vector.extract_strided_slice %add3A_25 {offsets = [0, 128], sizes = [2000, 128], strides = [1, 1]} : vector<2000x256xf32> to vector<2000x128xf32>
    %swap3A_32 = arith.constant 1 : index
    %swap3A_33 = arith.constant 0 : index
    %swap3A_34 = arith.constant 0 : index
    %swap3A_35 = vector.load %arg6[%swap3A_32, %swap3A_33, %swap3A_34] : memref<2x2000x128xf32, #tpu.memory_space<vmem>>, vector<1x2000x128xf32>
    %swap3A_36 = vector.shape_cast %swap3A_35 : vector<1x2000x128xf32> to vector<2000x128xf32>
    %swap3A_37 = vector.shape_cast %slice3A_31 : vector<2000x128xf32> to vector<1x2000x128xf32>
    tpu.vector_store %arg6[%swap3A_32, %swap3A_33, %swap3A_34], %swap3A_37 {strides = array<i32>} : memref<2x2000x128xf32, #tpu.memory_space<vmem>>, vector<1x2000x128xf32>,
    return
  }
  func.func @transform_0(%arg0: i32) -> (i32, i32) {
    %c0_i32 = arith.constant 0 : i32
    %c0_i32_0 = arith.constant 0 : i32
    return %arg0, %c0_i32 : i32, i32
  }
  func.func @transform_1(%arg0: i32) -> (i32, i32) {
    %c0_i32 = arith.constant 0 : i32
    %c0_i32_0 = arith.constant 0 : i32
    return %arg0, %c0_i32 : i32, i32
  }
  func.func @transform_2(%arg0: i32) -> (i32, i32) {
    %c0_i32 = arith.constant 0 : i32
    %c0_i32_0 = arith.constant 0 : i32
    %c0_i32_1 = arith.constant 0 : i32
    return %c0_i32, %c0_i32_0 : i32, i32
  }
  func.func @transform_3(%arg0: i32) -> (i32, i32) {
    %c0_i32 = arith.constant 0 : i32
    %c0_i32_0 = arith.constant 0 : i32
    %c0_i32_1 = arith.constant 0 : i32
    return %c0_i32, %c0_i32_0 : i32, i32
  }
  func.func @transform_4(%arg0: i32) -> (i32, i32) {
    %c0_i32 = arith.constant 0 : i32
    %c0_i32_0 = arith.constant 0 : i32
    %c0_i32_1 = arith.constant 0 : i32
    return %c0_i32, %c0_i32_0 : i32, i32
  }
  func.func @transform_5(%arg0: i32) -> (i32, i32, i32) {
    %c0_i32 = arith.constant 0 : i32
    %c0_i32_0 = arith.constant 0 : i32
    %c0_i32_1 = arith.constant 0 : i32
    return %c0_i32, %arg0, %c0_i32_0 : i32, i32, i32
  }
}

module attributes {stable_mosaic.version = 14 : i64} {
  func.func @_layer_body(%arg0: i32, %arg1: memref<2x2000x128xf32, #tpu.memory_space<vmem>>, %arg2: memref<2x2000x128xf32, #tpu.memory_space<vmem>>, %arg3: memref<2x2000x8xf32, #tpu.memory_space<vmem>>, %arg4: memref<256x256xf32, #tpu.memory_space<vmem>>, %arg5: memref<1x256xf32, #tpu.memory_space<vmem>>, %arg6: memref<256x256xf32, #tpu.memory_space<vmem>>, %arg7: memref<1x256xf32, #tpu.memory_space<vmem>>, %arg8: memref<1x256xf32, #tpu.memory_space<vmem>>, %arg9: memref<2x2000x128xf32, #tpu.memory_space<vmem>>) attributes {dimension_semantics = [#tpu.dimension_semantics<arbitrary>], iteration_bounds = array<i64: 5>, scalar_prefetch = 0 : i64, scratch_operands = 0 : i64, tpu.core_type = #tpu.core_type<tc>, window_params = [{transform_indices = @transform_0, window_bounds = array<i64: 2, 2000, 128>}, {transform_indices = @transform_1, window_bounds = array<i64: 2, 2000, 128>}, {transform_indices = @transform_2, window_bounds = array<i64: 2, 2000, 8>}, {pipeline_mode = #tpu.pipeline_mode<synchronous>, transform_indices = @transform_3, window_bounds = array<i64: 256, 256>}, {pipeline_mode = #tpu.pipeline_mode<synchronous>, transform_indices = @transform_4, window_bounds = array<i64: 1, 256>}, {pipeline_mode = #tpu.pipeline_mode<synchronous>, transform_indices = @transform_5, window_bounds = array<i64: 256, 256>}, {pipeline_mode = #tpu.pipeline_mode<synchronous>, transform_indices = @transform_6, window_bounds = array<i64: 1, 256>}, {pipeline_mode = #tpu.pipeline_mode<synchronous>, transform_indices = @transform_7, window_bounds = array<i64: 1, 256>}, {transform_indices = @transform_8, window_bounds = array<i64: 2, 2000, 128>}]} {
    %get3A = arith.constant 0 : index
    %get3A_0 = arith.constant 0 : index
    %get3A_1 = arith.constant 0 : index
    %get3A_2 = vector.load %arg1[%get3A, %get3A_0, %get3A_1] : memref<2x2000x128xf32, #tpu.memory_space<vmem>>, vector<1x2000x128xf32>
    %get3A_3 = vector.shape_cast %get3A_2 : vector<1x2000x128xf32> to vector<2000x128xf32>
    %get3A_4 = arith.constant 1 : index
    %get3A_5 = arith.constant 0 : index
    %get3A_6 = arith.constant 0 : index
    %get3A_7 = vector.load %arg1[%get3A_4, %get3A_5, %get3A_6] : memref<2x2000x128xf32, #tpu.memory_space<vmem>>, vector<1x2000x128xf32>
    %get3A_8 = vector.shape_cast %get3A_7 : vector<1x2000x128xf32> to vector<2000x128xf32>
    %concatenate3A = tpu.concatenate %get3A_3, %get3A_8 in 1 : vector<2000x128xf32>, vector<2000x128xf32> -> vector<2000x256xf32>
    %get3A_9 = arith.constant 0 : index
    %get3A_10 = arith.constant 0 : index
    %get3A_11 = arith.constant 0 : index
    %get3A_12 = vector.load %arg2[%get3A_9, %get3A_10, %get3A_11] : memref<2x2000x128xf32, #tpu.memory_space<vmem>>, vector<1x2000x128xf32>
    %get3A_13 = vector.shape_cast %get3A_12 : vector<1x2000x128xf32> to vector<2000x128xf32>
    %get3A_14 = arith.constant 1 : index
    %get3A_15 = arith.constant 0 : index
    %get3A_16 = arith.constant 0 : index
    %get3A_17 = vector.load %arg2[%get3A_14, %get3A_15, %get3A_16] : memref<2x2000x128xf32, #tpu.memory_space<vmem>>, vector<1x2000x128xf32>
    %get3A_18 = vector.shape_cast %get3A_17 : vector<1x2000x128xf32> to vector<2000x128xf32>
    %concatenate3A_19 = tpu.concatenate %get3A_13, %get3A_18 in 1 : vector<2000x128xf32>, vector<2000x128xf32> -> vector<2000x256xf32>
    %get3A_20 = arith.constant 0 : index
    %get3A_21 = arith.constant 0 : index
    %get3A_22 = arith.constant 0 : index
    %get3A_23 = vector.load %arg3[%get3A_20, %get3A_21, %get3A_22] : memref<2x2000x8xf32, #tpu.memory_space<vmem>>, vector<1x2000x8xf32>
    %get3A_24 = vector.shape_cast %get3A_23 : vector<1x2000x8xf32> to vector<2000x8xf32>
    %slice3A = vector.extract_strided_slice %get3A_24 {offsets = [0, 0], sizes = [2000, 1], strides = [1, 1]} : vector<2000x8xf32> to vector<2000x1xf32>
    %get3A_25 = arith.constant 1 : index
    %get3A_26 = arith.constant 0 : index
    %get3A_27 = arith.constant 0 : index
    %get3A_28 = vector.load %arg3[%get3A_25, %get3A_26, %get3A_27] : memref<2x2000x8xf32, #tpu.memory_space<vmem>>, vector<1x2000x8xf32>
    %get3A_29 = vector.shape_cast %get3A_28 : vector<1x2000x8xf32> to vector<2000x8xf32>
    %slice3A_30 = vector.extract_strided_slice %get3A_29 {offsets = [0, 0], sizes = [2000, 1], strides = [1, 1]} : vector<2000x8xf32> to vector<2000x1xf32>
    %add3A = arith.addf %slice3A, %slice3A_30 : vector<2000x1xf32>
    %max3A = arith.constant 1.000000e+00 : f32
    %max3A_31 = vector.broadcast %max3A : f32 to vector<2000x1xf32>
    %max3A_32 = arith.maximumf %add3A, %max3A_31 : vector<2000x1xf32>
    %div3A = vector.broadcast %max3A_32 : vector<2000x1xf32> to vector<2000x256xf32>
    %div3A_33 = arith.divf %concatenate3A_19, %div3A : vector<2000x256xf32>
    %get3A_34 = arith.constant 0 : index
    %get3A_35 = arith.constant 0 : index
    %get3A_36 = vector.load %arg4[%get3A_34, %get3A_35] : memref<256x256xf32, #tpu.memory_space<vmem>>, vector<256x256xf32>
    %dot_general3A = arith.constant dense<0.000000e+00> : vector<2000x256xf32>
    %dot_general3A_37 = tpu.matmul %div3A_33, %get3A_36, %dot_general3A {dimension_numbers = #tpu.dot_dimension_numbers<[1], [0], [0], [1], [0, 0, 1, 1], [], []>, transpose_lhs_hint = false} : vector<2000x256xf32>, vector<256x256xf32>, vector<2000x256xf32> -> vector<2000x256xf32>
    %get3A_38 = arith.constant 0 : index
    %get3A_39 = arith.constant 0 : index
    %get3A_40 = vector.load %arg5[%get3A_38, %get3A_39] : memref<1x256xf32, #tpu.memory_space<vmem>>, vector<1x256xf32>
    %add3A_41 = vector.broadcast %get3A_40 : vector<1x256xf32> to vector<2000x256xf32>
    %add3A_42 = arith.addf %dot_general3A_37, %add3A_41 : vector<2000x256xf32>
    %get3A_43 = arith.constant 0 : index
    %get3A_44 = arith.constant 0 : index
    %get3A_45 = vector.load %arg6[%get3A_43, %get3A_44] : memref<256x256xf32, #tpu.memory_space<vmem>>, vector<256x256xf32>
    %dot_general3A_46 = arith.constant dense<0.000000e+00> : vector<2000x256xf32>
    %dot_general3A_47 = tpu.matmul %concatenate3A, %get3A_45, %dot_general3A_46 {dimension_numbers = #tpu.dot_dimension_numbers<[1], [0], [0], [1], [0, 0, 1, 1], [], []>, transpose_lhs_hint = false} : vector<2000x256xf32>, vector<256x256xf32>, vector<2000x256xf32> -> vector<2000x256xf32>
    %add3A_48 = arith.addf %add3A_42, %dot_general3A_47 : vector<2000x256xf32>
    %reduce_sum3A = arith.constant dense<0.000000e+00> : vector<2000xf32>
    %reduce_sum3A_49 = vector.multi_reduction <add>, %add3A_48, %reduce_sum3A [1] : vector<2000x256xf32> to vector<2000xf32>
    %broadcast_in_dim3A = vector.shape_cast %reduce_sum3A_49 : vector<2000xf32> to vector<2000x1xf32>
    %div3A_50 = arith.constant 2.560000e+02 : f32
    %div3A_51 = vector.broadcast %div3A_50 : f32 to vector<2000x1xf32>
    %div3A_52 = arith.divf %broadcast_in_dim3A, %div3A_51 : vector<2000x1xf32>
    %sub3A = vector.broadcast %div3A_52 : vector<2000x1xf32> to vector<2000x256xf32>
    %sub3A_53 = arith.subf %add3A_48, %sub3A : vector<2000x256xf32>
    %integer_pow3A = arith.mulf %sub3A_53, %sub3A_53 : vector<2000x256xf32>
    %reduce_sum3A_54 = arith.constant dense<0.000000e+00> : vector<2000xf32>
    %reduce_sum3A_55 = vector.multi_reduction <add>, %integer_pow3A, %reduce_sum3A_54 [1] : vector<2000x256xf32> to vector<2000xf32>
    %broadcast_in_dim3A_56 = vector.shape_cast %reduce_sum3A_55 : vector<2000xf32> to vector<2000x1xf32>
    %div3A_57 = arith.constant 2.560000e+02 : f32
    %div3A_58 = vector.broadcast %div3A_57 : f32 to vector<2000x1xf32>
    %div3A_59 = arith.divf %broadcast_in_dim3A_56, %div3A_58 : vector<2000x1xf32>
    %sub3A_60 = vector.broadcast %div3A_52 : vector<2000x1xf32> to vector<2000x256xf32>
    %sub3A_61 = arith.subf %add3A_48, %sub3A_60 : vector<2000x256xf32>
    %add3A_62 = arith.constant 9.99999974E-6 : f32
    %add3A_63 = vector.broadcast %add3A_62 : f32 to vector<2000x1xf32>
    %add3A_64 = arith.addf %div3A_59, %add3A_63 : vector<2000x1xf32>
    %rsqrt3A = math.rsqrt %add3A_64 : vector<2000x1xf32>
    %mul3A = vector.broadcast %rsqrt3A : vector<2000x1xf32> to vector<2000x256xf32>
    %mul3A_65 = arith.mulf %sub3A_61, %mul3A : vector<2000x256xf32>
    %get3A_66 = arith.constant 0 : index
    %get3A_67 = arith.constant 0 : index
    %get3A_68 = vector.load %arg7[%get3A_66, %get3A_67] : memref<1x256xf32, #tpu.memory_space<vmem>>, vector<1x256xf32>
    %mul3A_69 = vector.broadcast %get3A_68 : vector<1x256xf32> to vector<2000x256xf32>
    %mul3A_70 = arith.mulf %mul3A_65, %mul3A_69 : vector<2000x256xf32>
    %get3A_71 = arith.constant 0 : index
    %get3A_72 = arith.constant 0 : index
    %get3A_73 = vector.load %arg8[%get3A_71, %get3A_72] : memref<1x256xf32, #tpu.memory_space<vmem>>, vector<1x256xf32>
    %add3A_74 = vector.broadcast %get3A_73 : vector<1x256xf32> to vector<2000x256xf32>
    %add3A_75 = arith.addf %mul3A_70, %add3A_74 : vector<2000x256xf32>
    %mul3A_76 = arith.constant 5.000000e-01 : f32
    %mul3A_77 = vector.broadcast %mul3A_76 : f32 to vector<2000x256xf32>
    %mul3A_78 = arith.mulf %mul3A_77, %add3A_75 : vector<2000x256xf32>
    %mul3A_79 = arith.constant 0.707106769 : f32
    %mul3A_80 = vector.broadcast %mul3A_79 : f32 to vector<2000x256xf32>
    %mul3A_81 = arith.mulf %add3A_75, %mul3A_80 : vector<2000x256xf32>
    %erf3A = math.erf %mul3A_81 : vector<2000x256xf32>
    %add3A_82 = arith.constant 1.000000e+00 : f32
    %add3A_83 = vector.broadcast %add3A_82 : f32 to vector<2000x256xf32>
    %add3A_84 = arith.addf %add3A_83, %erf3A : vector<2000x256xf32>
    %mul3A_85 = arith.mulf %mul3A_78, %add3A_84 : vector<2000x256xf32>
    %add3A_86 = arith.addf %concatenate3A, %mul3A_85 : vector<2000x256xf32>
    %slice3A_87 = vector.extract_strided_slice %add3A_86 {offsets = [0, 0], sizes = [2000, 128], strides = [1, 1]} : vector<2000x256xf32> to vector<2000x128xf32>
    %swap3A = arith.constant 0 : index
    %swap3A_88 = arith.constant 0 : index
    %swap3A_89 = arith.constant 0 : index
    %swap3A_90 = vector.load %arg9[%swap3A, %swap3A_88, %swap3A_89] : memref<2x2000x128xf32, #tpu.memory_space<vmem>>, vector<1x2000x128xf32>
    %swap3A_91 = vector.shape_cast %swap3A_90 : vector<1x2000x128xf32> to vector<2000x128xf32>
    %swap3A_92 = vector.shape_cast %slice3A_87 : vector<2000x128xf32> to vector<1x2000x128xf32>
    tpu.vector_store %arg9[%swap3A, %swap3A_88, %swap3A_89], %swap3A_92 {strides = array<i32>} : memref<2x2000x128xf32, #tpu.memory_space<vmem>>, vector<1x2000x128xf32>,
    %slice3A_93 = vector.extract_strided_slice %add3A_86 {offsets = [0, 128], sizes = [2000, 128], strides = [1, 1]} : vector<2000x256xf32> to vector<2000x128xf32>
    %swap3A_94 = arith.constant 1 : index
    %swap3A_95 = arith.constant 0 : index
    %swap3A_96 = arith.constant 0 : index
    %swap3A_97 = vector.load %arg9[%swap3A_94, %swap3A_95, %swap3A_96] : memref<2x2000x128xf32, #tpu.memory_space<vmem>>, vector<1x2000x128xf32>
    %swap3A_98 = vector.shape_cast %swap3A_97 : vector<1x2000x128xf32> to vector<2000x128xf32>
    %swap3A_99 = vector.shape_cast %slice3A_93 : vector<2000x128xf32> to vector<1x2000x128xf32>
    tpu.vector_store %arg9[%swap3A_94, %swap3A_95, %swap3A_96], %swap3A_99 {strides = array<i32>} : memref<2x2000x128xf32, #tpu.memory_space<vmem>>, vector<1x2000x128xf32>,
    return
  }
  func.func @transform_0(%arg0: i32) -> (i32, i32, i32) {
    %c0_i32 = arith.constant 0 : i32
    %c0_i32_0 = arith.constant 0 : i32
    %c0_i32_1 = arith.constant 0 : i32
    return %c0_i32, %arg0, %c0_i32_0 : i32, i32, i32
  }
  func.func @transform_1(%arg0: i32) -> (i32, i32, i32) {
    %c0_i32 = arith.constant 0 : i32
    %c0_i32_0 = arith.constant 0 : i32
    %c0_i32_1 = arith.constant 0 : i32
    return %c0_i32, %arg0, %c0_i32_0 : i32, i32, i32
  }
  func.func @transform_2(%arg0: i32) -> (i32, i32, i32) {
    %c0_i32 = arith.constant 0 : i32
    %c0_i32_0 = arith.constant 0 : i32
    %c0_i32_1 = arith.constant 0 : i32
    return %c0_i32, %arg0, %c0_i32_0 : i32, i32, i32
  }
  func.func @transform_3(%arg0: i32) -> (i32, i32) {
    %c0_i32 = arith.constant 0 : i32
    %c0_i32_0 = arith.constant 0 : i32
    %c0_i32_1 = arith.constant 0 : i32
    return %c0_i32, %c0_i32_0 : i32, i32
  }
  func.func @transform_4(%arg0: i32) -> (i32, i32) {
    %c0_i32 = arith.constant 0 : i32
    %c0_i32_0 = arith.constant 0 : i32
    %c0_i32_1 = arith.constant 0 : i32
    return %c0_i32, %c0_i32_0 : i32, i32
  }
  func.func @transform_5(%arg0: i32) -> (i32, i32) {
    %c0_i32 = arith.constant 0 : i32
    %c0_i32_0 = arith.constant 0 : i32
    %c0_i32_1 = arith.constant 0 : i32
    return %c0_i32, %c0_i32_0 : i32, i32
  }
  func.func @transform_6(%arg0: i32) -> (i32, i32) {
    %c0_i32 = arith.constant 0 : i32
    %c0_i32_0 = arith.constant 0 : i32
    %c0_i32_1 = arith.constant 0 : i32
    return %c0_i32, %c0_i32_0 : i32, i32
  }
  func.func @transform_7(%arg0: i32) -> (i32, i32) {
    %c0_i32 = arith.constant 0 : i32
    %c0_i32_0 = arith.constant 0 : i32
    %c0_i32_1 = arith.constant 0 : i32
    return %c0_i32, %c0_i32_0 : i32, i32
  }
  func.func @transform_8(%arg0: i32) -> (i32, i32, i32) {
    %c0_i32 = arith.constant 0 : i32
    %c0_i32_0 = arith.constant 0 : i32
    %c0_i32_1 = arith.constant 0 : i32
    return %c0_i32, %arg0, %c0_i32_0 : i32, i32, i32
  }
}

module attributes {stable_mosaic.version = 14 : i64} {
  func.func @_head_body(%arg0: i32, %arg1: memref<2x2000x128xf32, #tpu.memory_space<vmem>>, %arg2: memref<256x128xf32, #tpu.memory_space<vmem>>, %arg3: memref<1x128xf32, #tpu.memory_space<vmem>>, %arg4: memref<1x128xf32, #tpu.memory_space<vmem>>, %arg5: memref<1x128xf32, #tpu.memory_space<vmem>>, %arg6: memref<128x32xf32, #tpu.memory_space<vmem>>, %arg7: memref<1x32xf32, #tpu.memory_space<vmem>>, %arg8: memref<2000x32xf32, #tpu.memory_space<vmem>>) attributes {dimension_semantics = [#tpu.dimension_semantics<arbitrary>], iteration_bounds = array<i64: 5>, scalar_prefetch = 0 : i64, scratch_operands = 0 : i64, tpu.core_type = #tpu.core_type<tc>, window_params = [{transform_indices = @transform_0, window_bounds = array<i64: 2, 2000, 128>}, {pipeline_mode = #tpu.pipeline_mode<synchronous>, transform_indices = @transform_1, window_bounds = array<i64: 256, 128>}, {pipeline_mode = #tpu.pipeline_mode<synchronous>, transform_indices = @transform_2, window_bounds = array<i64: 1, 128>}, {pipeline_mode = #tpu.pipeline_mode<synchronous>, transform_indices = @transform_3, window_bounds = array<i64: 1, 128>}, {pipeline_mode = #tpu.pipeline_mode<synchronous>, transform_indices = @transform_4, window_bounds = array<i64: 1, 128>}, {pipeline_mode = #tpu.pipeline_mode<synchronous>, transform_indices = @transform_5, window_bounds = array<i64: 128, 32>}, {pipeline_mode = #tpu.pipeline_mode<synchronous>, transform_indices = @transform_6, window_bounds = array<i64: 1, 32>}, {transform_indices = @transform_7, window_bounds = array<i64: 2000, 32>}]} {
    %get3A = arith.constant 0 : index
    %get3A_0 = arith.constant 0 : index
    %get3A_1 = arith.constant 0 : index
    %get3A_2 = vector.load %arg1[%get3A, %get3A_0, %get3A_1] : memref<2x2000x128xf32, #tpu.memory_space<vmem>>, vector<1x2000x128xf32>
    %get3A_3 = vector.shape_cast %get3A_2 : vector<1x2000x128xf32> to vector<2000x128xf32>
    %get3A_4 = arith.constant 1 : index
    %get3A_5 = arith.constant 0 : index
    %get3A_6 = arith.constant 0 : index
    %get3A_7 = vector.load %arg1[%get3A_4, %get3A_5, %get3A_6] : memref<2x2000x128xf32, #tpu.memory_space<vmem>>, vector<1x2000x128xf32>
    %get3A_8 = vector.shape_cast %get3A_7 : vector<1x2000x128xf32> to vector<2000x128xf32>
    %concatenate3A = tpu.concatenate %get3A_3, %get3A_8 in 1 : vector<2000x128xf32>, vector<2000x128xf32> -> vector<2000x256xf32>
    %get3A_9 = arith.constant 0 : index
    %get3A_10 = arith.constant 0 : index
    %get3A_11 = vector.load %arg2[%get3A_9, %get3A_10] : memref<256x128xf32, #tpu.memory_space<vmem>>, vector<256x128xf32>
    %dot_general3A = arith.constant dense<0.000000e+00> : vector<2000x128xf32>
    %dot_general3A_12 = tpu.matmul %concatenate3A, %get3A_11, %dot_general3A {dimension_numbers = #tpu.dot_dimension_numbers<[1], [0], [0], [1], [0, 0, 1, 1], [], []>, transpose_lhs_hint = false} : vector<2000x256xf32>, vector<256x128xf32>, vector<2000x128xf32> -> vector<2000x128xf32>
    %get3A_13 = arith.constant 0 : index
    %get3A_14 = arith.constant 0 : index
    %get3A_15 = vector.load %arg3[%get3A_13, %get3A_14] : memref<1x128xf32, #tpu.memory_space<vmem>>, vector<1x128xf32>
    %add3A = vector.broadcast %get3A_15 : vector<1x128xf32> to vector<2000x128xf32>
    %add3A_16 = arith.addf %dot_general3A_12, %add3A : vector<2000x128xf32>
    %reduce_sum3A = arith.constant dense<0.000000e+00> : vector<2000xf32>
    %reduce_sum3A_17 = vector.multi_reduction <add>, %add3A_16, %reduce_sum3A [1] : vector<2000x128xf32> to vector<2000xf32>
    %broadcast_in_dim3A = vector.shape_cast %reduce_sum3A_17 : vector<2000xf32> to vector<2000x1xf32>
    %div3A = arith.constant 1.280000e+02 : f32
    %div3A_18 = vector.broadcast %div3A : f32 to vector<2000x1xf32>
    %div3A_19 = arith.divf %broadcast_in_dim3A, %div3A_18 : vector<2000x1xf32>
    %sub3A = vector.broadcast %div3A_19 : vector<2000x1xf32> to vector<2000x128xf32>
    %sub3A_20 = arith.subf %add3A_16, %sub3A : vector<2000x128xf32>
    %integer_pow3A = arith.mulf %sub3A_20, %sub3A_20 : vector<2000x128xf32>
    %reduce_sum3A_21 = arith.constant dense<0.000000e+00> : vector<2000xf32>
    %reduce_sum3A_22 = vector.multi_reduction <add>, %integer_pow3A, %reduce_sum3A_21 [1] : vector<2000x128xf32> to vector<2000xf32>
    %broadcast_in_dim3A_23 = vector.shape_cast %reduce_sum3A_22 : vector<2000xf32> to vector<2000x1xf32>
    %div3A_24 = arith.constant 1.280000e+02 : f32
    %div3A_25 = vector.broadcast %div3A_24 : f32 to vector<2000x1xf32>
    %div3A_26 = arith.divf %broadcast_in_dim3A_23, %div3A_25 : vector<2000x1xf32>
    %sub3A_27 = vector.broadcast %div3A_19 : vector<2000x1xf32> to vector<2000x128xf32>
    %sub3A_28 = arith.subf %add3A_16, %sub3A_27 : vector<2000x128xf32>
    %add3A_29 = arith.constant 9.99999974E-6 : f32
    %add3A_30 = vector.broadcast %add3A_29 : f32 to vector<2000x1xf32>
    %add3A_31 = arith.addf %div3A_26, %add3A_30 : vector<2000x1xf32>
    %rsqrt3A = math.rsqrt %add3A_31 : vector<2000x1xf32>
    %mul3A = vector.broadcast %rsqrt3A : vector<2000x1xf32> to vector<2000x128xf32>
    %mul3A_32 = arith.mulf %sub3A_28, %mul3A : vector<2000x128xf32>
    %get3A_33 = arith.constant 0 : index
    %get3A_34 = arith.constant 0 : index
    %get3A_35 = vector.load %arg4[%get3A_33, %get3A_34] : memref<1x128xf32, #tpu.memory_space<vmem>>, vector<1x128xf32>
    %mul3A_36 = vector.broadcast %get3A_35 : vector<1x128xf32> to vector<2000x128xf32>
    %mul3A_37 = arith.mulf %mul3A_32, %mul3A_36 : vector<2000x128xf32>
    %get3A_38 = arith.constant 0 : index
    %get3A_39 = arith.constant 0 : index
    %get3A_40 = vector.load %arg5[%get3A_38, %get3A_39] : memref<1x128xf32, #tpu.memory_space<vmem>>, vector<1x128xf32>
    %add3A_41 = vector.broadcast %get3A_40 : vector<1x128xf32> to vector<2000x128xf32>
    %add3A_42 = arith.addf %mul3A_37, %add3A_41 : vector<2000x128xf32>
    %mul3A_43 = arith.constant 5.000000e-01 : f32
    %mul3A_44 = vector.broadcast %mul3A_43 : f32 to vector<2000x128xf32>
    %mul3A_45 = arith.mulf %mul3A_44, %add3A_42 : vector<2000x128xf32>
    %mul3A_46 = arith.constant 0.707106769 : f32
    %mul3A_47 = vector.broadcast %mul3A_46 : f32 to vector<2000x128xf32>
    %mul3A_48 = arith.mulf %add3A_42, %mul3A_47 : vector<2000x128xf32>
    %erf3A = math.erf %mul3A_48 : vector<2000x128xf32>
    %add3A_49 = arith.constant 1.000000e+00 : f32
    %add3A_50 = vector.broadcast %add3A_49 : f32 to vector<2000x128xf32>
    %add3A_51 = arith.addf %add3A_50, %erf3A : vector<2000x128xf32>
    %mul3A_52 = arith.mulf %mul3A_45, %add3A_51 : vector<2000x128xf32>
    %get3A_53 = arith.constant 0 : index
    %get3A_54 = arith.constant 0 : index
    %get3A_55 = vector.load %arg6[%get3A_53, %get3A_54] : memref<128x32xf32, #tpu.memory_space<vmem>>, vector<128x32xf32>
    %dot_general3A_56 = arith.constant dense<0.000000e+00> : vector<2000x32xf32>
    %dot_general3A_57 = tpu.matmul %mul3A_52, %get3A_55, %dot_general3A_56 {dimension_numbers = #tpu.dot_dimension_numbers<[1], [0], [0], [1], [0, 0, 1, 1], [], []>, transpose_lhs_hint = false} : vector<2000x128xf32>, vector<128x32xf32>, vector<2000x32xf32> -> vector<2000x32xf32>
    %get3A_58 = arith.constant 0 : index
    %get3A_59 = arith.constant 0 : index
    %get3A_60 = vector.load %arg7[%get3A_58, %get3A_59] : memref<1x32xf32, #tpu.memory_space<vmem>>, vector<1x32xf32>
    %add3A_61 = vector.broadcast %get3A_60 : vector<1x32xf32> to vector<2000x32xf32>
    %add3A_62 = arith.addf %dot_general3A_57, %add3A_61 : vector<2000x32xf32>
    %swap3A = arith.constant 0 : index
    %swap3A_63 = arith.constant 0 : index
    %swap3A_64 = vector.load %arg8[%swap3A, %swap3A_63] : memref<2000x32xf32, #tpu.memory_space<vmem>>, vector<2000x32xf32>
    tpu.vector_store %arg8[%swap3A, %swap3A_63], %add3A_62 {strides = array<i32>} : memref<2000x32xf32, #tpu.memory_space<vmem>>, vector<2000x32xf32>,
    return
  }
  func.func @transform_0(%arg0: i32) -> (i32, i32, i32) {
    %c0_i32 = arith.constant 0 : i32
    %c0_i32_0 = arith.constant 0 : i32
    %c0_i32_1 = arith.constant 0 : i32
    return %c0_i32, %arg0, %c0_i32_0 : i32, i32, i32
  }
  func.func @transform_1(%arg0: i32) -> (i32, i32) {
    %c0_i32 = arith.constant 0 : i32
    %c0_i32_0 = arith.constant 0 : i32
    %c0_i32_1 = arith.constant 0 : i32
    return %c0_i32, %c0_i32_0 : i32, i32
  }
  func.func @transform_2(%arg0: i32) -> (i32, i32) {
    %c0_i32 = arith.constant 0 : i32
    %c0_i32_0 = arith.constant 0 : i32
    %c0_i32_1 = arith.constant 0 : i32
    return %c0_i32, %c0_i32_0 : i32, i32
  }
  func.func @transform_3(%arg0: i32) -> (i32, i32) {
    %c0_i32 = arith.constant 0 : i32
    %c0_i32_0 = arith.constant 0 : i32
    %c0_i32_1 = arith.constant 0 : i32
    return %c0_i32, %c0_i32_0 : i32, i32
  }
  func.func @transform_4(%arg0: i32) -> (i32, i32) {
    %c0_i32 = arith.constant 0 : i32
    %c0_i32_0 = arith.constant 0 : i32
    %c0_i32_1 = arith.constant 0 : i32
    return %c0_i32, %c0_i32_0 : i32, i32
  }
  func.func @transform_5(%arg0: i32) -> (i32, i32) {
    %c0_i32 = arith.constant 0 : i32
    %c0_i32_0 = arith.constant 0 : i32
    %c0_i32_1 = arith.constant 0 : i32
    return %c0_i32, %c0_i32_0 : i32, i32
  }
  func.func @transform_6(%arg0: i32) -> (i32, i32) {
    %c0_i32 = arith.constant 0 : i32
    %c0_i32_0 = arith.constant 0 : i32
    %c0_i32_1 = arith.constant 0 : i32
    return %c0_i32, %c0_i32_0 : i32, i32
  }
  func.func @transform_7(%arg0: i32) -> (i32, i32) {
    %c0_i32 = arith.constant 0 : i32
    %c0_i32_0 = arith.constant 0 : i32
    return %arg0, %c0_i32 : i32, i32
  }
}

</mosaic_0001>

<sc_bundles>
// kernel: sc_degcount.3.cloned.1.call-start
scs
__scs_entry_jumppad:
0x0: {  	(pc) =	sbr.rel $0x88, $3  }
0x1: {  	(tag) =	ssettag $0x0;
	lr =	simm.s32 $0x1  }
0x2: {  	[smem:$0x3F81] =	sst lr;
	_ =	strace $0xD0000000  }
0x3: {  	_ = 	snop  }
0x4: {  	_ = 	snop  }
0x5: {  	_ = 	snop  }
0x6: {  	_ = 	snop  }
0x7: {  	_ = 	snop  }
__scs_overlays_trampoline_lowered:
0x8: {  	[smem:$0x3F90] =	sst s0  }
0x9: {  	[smem:$0x3F91] =	sst s1  }
0xa: {  	[smem:$0x3F92] =	sst s2  }
0xb: {  	[smem:$0x3F93] =	sst s3  }
0xc: {  	[smem:$0x3F94] =	sst s4  }
0xd: {  	[smem:$0x3F95] =	sst s5  }
0xe: {  	[smem:$0x3F96] =	sst s6  }
0xf: {  	[smem:$0x3F97] =	sst s7  }
0x10: {  	[smem:$0x3F98] =	sst s8  }
0x11: {  	[smem:$0x3F99] =	sst s9;
	s0 =	simm.s32 @!p0 $0x0  }
0x12: {  	s1 =	sld [smem:$0x3F7F];
	s0 =	simm.s32 @p0 $0x1  }
0x13: {  	[smem:$0x3F9A] =	sst s0;
	s0 =	simm.s32 @!p1 $0x0  }
0x14: {  	s2 =	sld [smem:$0x3F7E];
	s0 =	simm.s32 @p1 $0x1  }
0x15: {  	[smem:$0x3F9B] =	sst s0;
	s0 =	simm.s32 @!p2 $0x0  }
0x16: {  	s3 =	sld [smem:$0x3FDB];
	s0 =	simm.s32 @p2 $0x1  }
0x17: {  	s4 =	simm.s32 $0x1BF5;
	[smem:$0x3F9D] =	sst s0  }
0x18: {  	s0 =	sld [smem:$0x3F80];
	_ =	swait.ge [sflag:s4], $0x0  }
0x19: {  	s7 =	sld [smem:$0x3F81]  }
0x1a: {  	s8 =	sadd.s32 $0xFFFFE003, lr  }
0x1b: {  	s9 =	sadd.s32 $0xFFFFFEF7, lr;
	s5 =	simm.s32 $0xFFFFFFFF;
	p2 =	slt.u32 s8, $0xFFFFF086  }
0x1c: {  	p1 =	slt.u32 s9, $0xF7A;
	s5 =	simm.s32 @!p2 $0x0  }
0x1d: {  	s5 =	simm.s32 @p1 $0x1;
	p0 =	seq.s32 s7, s2  }
0x1e: {  	s7 =	smul.u32 @!p0 $0xF7A, s2;
	p2 =	seq.s32 @!p0 s5, $0x0  }
0x1f: {  	s9 =	smul.u32 $0xF7A, s1;
	s8 =	simm.s32 @!p0 $0x1BF5;
	p2 =	por !p2, p0  }
0x20: {  	[sflag:s8] =	ssyncset.s32 @!p0 $0xFFFFF086;
	s6 =	sadd.s32 @!p0 s3, s7;
	s7 =	simm.s32 @!p0 $0x108  }
0x21: {  	s3 =	sadd.s32 s3, s9;
	s6 =	sadd.s32 @!p0 $0x88, s6;
	s7 =	simm.s32 @p2 $0x1082  }
0x22: {  	[simem:s7], [sflag:s8] =	dma.local @!p0 [hbm:s6], $0xF7A  }
0x23: {  	s9 =	sor.u32 $0xD0000000, s2;
	s6 =	simm.s32 $0x108;
	_ =	swait.ge @!p0 [sflag:s8], $0x0  }
0x24: {  	s3 =	sadd.s32 $0x88, s3;
	s6 =	simm.s32 @!p1 $0x1082;
	[sflag:s4] =	ssyncset.s32 $0xFFFFF086  }
0x25: {  	[simem:s6], [sflag:s4] =	dma.local [hbm:s3], $0xF7A  }
0x26: {  	[smem:$0x3F81] =	sst s1;
	(tag) =	ssettag s2;
	_ =	strace s9  }
0x27: {  	s1 =	sld [smem:$0x3F91]  }
0x28: {  	s2 =	sld [smem:$0x3F92]  }
0x29: {  	s4 =	sld [smem:$0x3F94]  }
0x2a: {  	p0 =	seq.s32 s5, $0x0;
	s5 =	sld [smem:$0x3F95]  }
0x2b: {  	s6 =	sld [smem:$0x3F96]  }
0x2c: {  	s7 =	sld [smem:$0x3F97]  }
0x2d: {  	s3 =	simm.s32 $0x108;
	s8 =	sld [smem:$0x3F98]  }
0x2e: {  	s3 =	simm.s32 @!p0 $0x1082;
	s9 =	sld [smem:$0x3F99]  }
0x2f: {  	lr =	sadd.s32 s0, s3;
	s0 =	sld [smem:$0x3F90]  }
0x30: {  	s3 =	sld [smem:$0x3F93]  }
0x31: {  	[smem:$0x3F9C] =	sst s10  }
0x32: {  	s10 =	sld [smem:$0x3F9A];
	_ =	sdelay $0x3  }
0x33: {  	p0 =	seq.s32 s10, $0x1;
	s10 =	sld [smem:$0x3F9C];
	_ =	sdelay $0x3  }
0x34: {  	[smem:$0x3F9C] =	sst s10  }
0x35: {  	s10 =	sld [smem:$0x3F9B];
	_ =	sdelay $0x3  }
0x36: {  	p1 =	seq.s32 s10, $0x1;
	s10 =	sld [smem:$0x3F9C];
	_ =	sdelay $0x3  }
0x37: {  	[smem:$0x3F9C] =	sst s10  }
0x38: {  	s10 =	sld [smem:$0x3F9D]  }
0x39: {  	_ = 	snop;
	(pc) =	sbr.ind lr, $3  }
0x3a: {  	_ = 	snop  }
0x3b: {  	_ = 	snop  }
0x3c: {  	p2 =	seq.s32 s10, $0x1;
	s10 =	sld [smem:$0x3F9C]  }
0x3d: {  	_ =	shalt  }
0x3e: {  	_ =	shalt  }
0x3f: {  	_ =	shalt  }
0x40: {  	_ =	shalt  }
0x41: {  	_ =	shalt  }
0x42: {  	_ =	shalt  }
0x43: {  	_ =	shalt  }
0x44: {  	_ =	shalt  }
0x45: {  	_ =	shalt  }
0x46: {  	_ =	shalt  }
0x47: {  	_ =	shalt  }
0x48: {  	_ =	shalt  }
0x49: {  	_ =	shalt  }
0x4a: {  	_ =	shalt  }
0x4b: {  	_ =	shalt  }
0x4c: {  	_ =	shalt  }
0x4d: {  	_ =	shalt  }
0x4e: {  	_ =	shalt  }
0x4f: {  	_ =	shalt  }
0x50: {  	_ =	shalt  }
0x51: {  	_ =	shalt  }
0x52: {  	_ =	shalt  }
0x53: {  	_ =	shalt  }
0x54: {  	_ =	shalt  }
0x55: {  	_ =	shalt  }
0x56: {  	_ =	shalt  }
0x57: {  	_ =	shalt  }
0x58: {  	_ =	shalt  }
0x59: {  	_ =	shalt  }
0x5a: {  	_ =	shalt  }
0x5b: {  	_ =	shalt  }
0x5c: {  	_ =	shalt  }
0x5d: {  	_ =	shalt  }
0x5e: {  	_ =	shalt  }
0x5f: {  	_ =	shalt  }
0x60: {  	_ =	shalt  }
0x61: {  	_ =	shalt  }
0x62: {  	_ =	shalt  }
0x63: {  	_ =	shalt  }
0x64: {  	_ =	shalt  }
0x65: {  	_ =	shalt  }
0x66: {  	_ =	shalt  }
0x67: {  	_ =	shalt  }
0x68: {  	_ =	shalt  }
0x69: {  	_ =	shalt  }
0x6a: {  	_ =	shalt  }
0x6b: {  	_ =	shalt  }
0x6c: {  	_ =	shalt  }
0x6d: {  	_ =	shalt  }
0x6e: {  	_ =	shalt  }
0x6f: {  	_ =	shalt  }
0x70: {  	_ =	shalt  }
0x71: {  	_ =	shalt  }
0x72: {  	_ =	shalt  }
0x73: {  	_ =	shalt  }
0x74: {  	_ =	shalt  }
0x75: {  	_ =	shalt  }
0x76: {  	_ =	shalt  }
0x77: {  	_ =	shalt  }
0x78: {  	_ =	shalt  }
0x79: {  	_ =	shalt  }
0x7a: {  	_ =	shalt  }
0x7b: {  	_ =	shalt  }
0x7c: {  	_ =	shalt  }
0x7d: {  	_ =	shalt  }
0x7e: {  	_ =	shalt  }
0x7f: {  	_ =	shalt  }
0x80: {  	_ =	shalt  }
0x81: {  	_ =	shalt  }
0x82: {  	_ =	shalt  }
0x83: {  	_ =	shalt  }
0x84: {  	_ =	shalt  }
0x85: {  	_ =	shalt  }
0x86: {  	_ =	shalt  }
0x87: {  	_ =	shalt  }
.Lfunc_end0:
.L_simem_size_0:
called_computation_lowered:
.L_overlay_start_0:
0x88: {  	s2 =	sld [smem:$0x3FD9]  }
0x89: {  	s3 =	sld [smem:$0x3FFE];
	_ =	sdelay $0x1  }
0x8a: {  	s1 =	srdreg.scid  }
0x8b: {  	s0 =	sand.u32 $0x1, s1  }
0x8c: {  	s17 =	sshll.u32 s0, $0xA;
	s2 =	sadd.s32 s3, s2  }
0x8d: {  	s2 =	sadd.s32 s2, s17  }
0x8e: {  	[smem:$0x3FA8] =	sst s2  }
0x8f: {  	_ = 	snop  }
0x90: {  	s18 =	sld [smem:$0x3FD0];
	(tm) =	ssettm $0x1  }
0x91: {  	s19 =	sld [smem:$0x3FFB];
	_ =	sdelay $0x3  }
0x92: {  	_ =	strace s19  }
0x93: {  	s2 =	sld [smem:$0x3FFC];
	_ =	sdelay $0x3  }
0x94: {  	_ =	strace s2  }
0x95: {  	s2 =	sld [smem:$0x3FFD];
	_ =	sdelay $0x3  }
0x96: {  	_ =	strace s2  }
0x97: {  	_ =	strace $0x8FFFFFFF  }
0x98: {  	s20 =	sld [smem:$0x3FDB];
	_ =	sdelay $0x1  }
0x99: {  	s4 =	simm.s32 $_scs_section_size  }
0x9a: {  	s5 =	simm.s32 $_size__tile_overlayer_lowered;
	s6 =	simm.s32 $_tile_overlayer_lowered  }
0x9b: {  	s7 =	simm.s32 $0x1BFF;
	s21 =	sshll.u32 s6, $0x1;
	s4 =	sadd.s32 s4, s20  }
0x9c: {  	s22 =	simm.s32 $0x0;
	s5 =	sshll.u32 s5, $0x1;
	s6 =	sadd.s32 s21, s4  }
0x9d: {  	[timem:s22], [sflag:s7] =	dma.local [hbm:s6], s5  }
0x9e: {  	_ =	swait.ge [sflag:s7], s5  }
0x9f: {  	s5 =	ssub.s32 $0x0, s5;
	[sflag:s7] =	ssyncset.done $0x0  }
0xa0: {  	[sflag:s7] =	ssyncadd.s32 s5;
	_ =	sdelay $0x1  }
0xa1: {  	s23 =	simm.s32 $0x1B8B  }
0xa2: {  	_ =	swait.ge [sflag:s23], $0x1  }
0xa3: {  	[sflag:s23] =	ssyncset.done $0x0  }
0xa4: {  	[sflag:s23] =	ssyncadd.s32 $0xFFFFFFFF  }
0xa5: {  	s5 =	sld [smem:$0x0]  }
0xa6: {  	s6 =	sand.u32 $0xFFFFFFFE, s1  }
0xa7: {  	p0 =	sne.s32 s1, s6  }
0xa8: {  	s6 =	sshll.u32 @p0 s6, $0xE  }
0xa9: {  	s6 =	sadd.s32 @p0 $0x11B8D, s6;
	s7 =	sshll.u32 @p0 s5, $0x11  }
0xaa: {  	s6 =	sor.u32 @p0 s7, s6  }
0xab: {  	[sflag:s6] =	ssyncadd.remote.s32 @p0 $0x1;
	_ =	sdelay $0x1  }
0xac: {  	s6 =	simm.s32 @p0 $0x1B8D  }
0xad: {  	_ =	swait.eq @p0 [sflag:s6], $0x1  }
0xae: {  	[sflag:s6] =	ssyncadd.s32 @p0 $0xFFFFFFFF  }
0xaf: {  	s7 =	sshll.u32 @!p0 s1, $0xE  }
0xb0: {  	s7 =	sor.u32 @!p0 $0x4000, s7;
	s6 =	simm.s32 @!p0 $0x1B8D  }
0xb1: {  	s5 =	sshll.u32 @!p0 s5, $0x11;
	s7 =	sadd.s32 @!p0 $0x11B8D, s7;
	_ =	swait.eq @!p0 [sflag:s6], $0x1  }
0xb2: {  	s5 =	sor.u32 @!p0 s5, s7;
	[sflag:s6] =	ssyncadd.s32 @!p0 $0xFFFFFFFF  }
0xb3: {  	s25 =	simm.s32 $0x1B8E;
	s24 =	sld [smem:$0x3FFE];
	[sflag:s5] =	ssyncadd.remote.s32 @!p0 $0x1  }
0xb4: {  	s26 =	simm.s32 $execute0_lowered;
	[smem:$0x3FD2] =	sst s25  }
0xb5: {  	s6 =	sshll.u32 s26, $0x1;
	_ =	strace $0x80000049;
	[dreg:$0x1] =	wrdreg $0xFFFFFFFF  }
0xb6: {  	s28 =	simm.s32 $_size_execute0_lowered;
	s4 =	sadd.s32 s4, s6;
	[dreg:$0x0] =	wrdreg $0x0  }
0xb7: {  	s6 =	sshll.u32 s28, $0x1;
	[dreg:$0x2] =	wrdreg s4  }
0xb8: {  	[dreg:$0x3] =	wrdreg s6  }
0xb9: {  	[dreg:$0x4] =	wrdreg $0xC0  }
0xba: {  	_ =	task [dreg:s22], $0x5FFFF  }
0xbb: {  	[dreg:$0x1] =	wrdreg $0xFFFFFFFF  }
0xbc: {  	[dreg:$0x0] =	wrdreg $0x60  }
0xbd: {  	[dreg:$0x2] =	wrdreg s24  }
0xbe: {  	[dreg:$0x3] =	wrdreg s18  }
0xbf: {  	[dreg:$0x4] =	wrdreg $0x68000  }
0xc0: {  	[dreg:$0x5] =	wrdreg $0x9  }
0xc1: {  	_ =	task.clear_ibuf [dreg:s22], $0x6FFFF;
	_ =	strace $0x90000049  }
0xc2: {  	s29 =	simm.s32 $0x9;
	_ =	strace $0x8000004B  }
0xc3: {  	_ =	swait.ge [sflag:s29], $0x1  }
0xc4: {  	[sflag:s29] =	ssyncadd.s32 $0xFFFFFFFF  }
0xc5: {  	_ =	strace $0x9000004B  }
0xc6: {  	_ =	sfence  }
0xc7: {  	s30 =	sld [smem:$0x0];
	_ =	sdelay $0x2  }
0xc8: {  	s31 =	sshll.u32 s1, $0xD;
	s1 =	sshrl.u32 s1, $0x2  }
0xc9: {  	s4 =	sand.u32 $0x4000, s31;
	s1 =	sadd.s32 s1, s30  }
0xca: {  	s0 =	sor.u32 s4, s0;
	s1 =	sshll.u32 s1, $0x11  }
0xcb: {  	s0 =	sor.u32 s1, s0  }
0xcc: {  	s0 =	sadd.s32 $0x8F2B, s0  }
0xcd: {  	[sflag:s0] =	ssyncadd.remote.s32 $0x1  }
0xce: {  	_ =	sfence.sel $0xFFFF  }
0xcf: {  	[dreg:$0x0] =	wrdreg $0xFFFFFFFF;
	(pc) =	sbr.abs _section_cstart, $3  }
0xd0: {  	[dreg:$0x1] =	wrdreg $0xFFFFFFFF  }
0xd1: {  	_ =	task.clear_ibuf [dreg:s22], $0x2FFFF;
	_ =	strace $0x9FFFFFFF  }
0xd2: {  	(tm) =	ssettm $0x7FFFFFFF  }
0xd3: {  	_ =	shalt  }
tec
execute0_lowered:
.L_overlay_start_1:
0x0: {  	(tag) =	ssettag $0x1  }
0x1: {  	s6 =	rddreg [dreg:$0x0]  }
0x2: {  	s1 =	rddreg [dreg:$0x1]  }
0x3: {  	s3 =	rddreg [dreg:$0x2];
	s2 =	srdreg.scid  }
0x4: {  	s0 =	rddreg [dreg:$0x3];
	s4 =	simm.s32 $0x0;
	s13 =	simm.s32 $0x80  }
0x5: {  	s14 =	simm.s32 $0x1;
	s7 =	sand.u32 $0x1, s2;
	s2 =	stileid.u32  }
0x6: {  	s15 =	simm.s32 $0x0;
	[smem:$0x7FF] =	sst s4;
	s8 =	smul.u32 $0x13C000, s7  }
0x7: {  	s5 =	sshll.u32 s7, $0x4;
	s9 =	smul.u32 $0x13C00, s2;
	_ =	strace $0x8000004A  }
0x8: {  	s10 =	smul.u32 $0x4F000, s2;
	s31 =	ssub.s32 $0x2, s7;
	s5 =	sor.u32 s2, s5  }
0x9: {  	s11 =	sshll.u32 s2, $0x6;
	s7 =	sshrl.u32 s31, $0x1;
	s5 =	smul.u32 $0x500, s5  }
0xa: {  	s8 =	sadd.s32 s9, s8;
	s10 =	sshrl.u32 s10, $0x2;
	s12 =	ssub.s32 s31, s7  }
0xb: {  	s8 =	sshrl.u32 s8, $0x3;
	s10 =	sadd.s32 s10, s3;
	s9 =	smax.u32 s12, $0x1  }
0xc: {  	s12 =	simm.s32 $0x2800;
	s30 =	sadd.s32 s5, s6;
	s5 =	sadd.s32 $0xC3A00, s6  }
0xd: {  	s8 =	sadd.s32 s8, s6;
	s6 =	sor.u32 $0x1C02, s11;
	s10 =	sshrl.u32 s10, $0x3  }
0xe: {  	s11 =	simm.s32 $0x2;
	s7 =	sadd.s32 $0x8800, s30;
	s8 =	sadd.s32 $0xC4200, s8  }
.LBB2_1:
0xf: {  	[spmem:s10], [sflag:s6] =	dma.local [hbm:s1], $0x2780  }
0x10: {  	_ =	swait.ge [sflag:s11], $0x2780  }
0x11: {  	[sflag:s11] =	ssyncset.done $0x0  }
0x12: {  	[sflag:s11] =	ssyncadd.s32 $0xFFFFD880  }
0x13: {  	[tilespmem:s12], [sflag:$0x2] =	stream.linear.gather [hbm4b:s5+s4], $0x4000, $0x38;
	[tilespmem:$0x1A400] =	vst v63  }
0x14: {  	_ =	swait.ge [sflag:s11], $0x4000  }
0x15: {  	[sflag:s11] =	ssyncset.done $0x0  }
0x16: {  	[sflag:s11] =	ssyncadd.s32 $0xFFFFC000  }
0x17: {  	[tilespmem:s4], [sflag:$0x2] =	stream.linear.gather [hbm4b:s7+s4], $0x2800, $0x38;
	[tilespmem:$0x1A400] =	vst v63  }
0x18: {  	_ =	swait.ge [sflag:s11], $0x2800  }
0x19: {  	[sflag:s11] =	ssyncset.done $0x0  }
0x1a: {  	[sflag:s11] =	ssyncadd.s32 $0xFFFFD800  }
0x1b: {  	s16 =	simm.s32 $0x0;
	[bflag:$0x0] =	sbarrier.arrive $0xFFFF  }
0x1c: {  	[spmem:s3] =	stream.indirect.scatter.add.f32 [tilespmem:s12], [sflag:$0x1], $0x80, s16, s13, $0xb8;
	[tilespmem:$0x1A400] =	vst v63  }
0x1d: {  	s29 =	simm.s32 $0x80  }
0x1e: {  	[spmem:s3] =	stream.indirect.scatter.add.f32 [tilespmem:s12], [sflag:$0x1], $0x80, s29, s13, $0xb8;
	[tilespmem:$0x1A400] =	vst v63  }
0x1f: {  	s30 =	simm.s32 $0x100  }
0x20: {  	[spmem:s3] =	stream.indirect.scatter.add.f32 [tilespmem:s12], [sflag:$0x1], $0x80, s30, s13, $0xb8;
	[tilespmem:$0x1A400] =	vst v63  }
0x21: {  	s31 =	simm.s32 $0x180  }
0x22: {  	[spmem:s3] =	stream.indirect.scatter.add.f32 [tilespmem:s12], [sflag:$0x1], $0x80, s31, s13, $0xb8;
	[tilespmem:$0x1A400] =	vst v63  }
0x23: {  	_ =	swait.ge [sflag:s14], $0x4000  }
0x24: {  	[sflag:s14] =	ssyncset.done $0x0  }
0x25: {  	[sflag:s14] =	ssyncadd.s32 $0xFFFFC000  }
0x26: {  	_ =	swait.ge [sflag:s14], $0x4000  }
0x27: {  	[sflag:s14] =	ssyncset.done $0x0  }
0x28: {  	[sflag:s14] =	ssyncadd.s32 $0xFFFFC000  }
0x29: {  	_ =	swait.ge [sflag:s14], $0x4000  }
0x2a: {  	[sflag:s14] =	ssyncset.done $0x0  }
0x2b: {  	[sflag:s14] =	ssyncadd.s32 $0xFFFFC000  }
0x2c: {  	_ =	swait.ge [sflag:s14], $0x4000  }
0x2d: {  	s17 =	simm.s32 $0x1000;
	s16 =	simm.s32 $0x800;
	[sflag:s14] =	ssyncset.done $0x0  }
.LBB2_2:
0x2e: {  	s18 =	sshra.s32 s16, $0x2  }
0x2f: {  	[sflag:s14] =	ssyncadd.s32 $0xFFFFC000;
	s16 =	smov.u32 s17;
	s19 =	sadd.s32 $0x800, s17  }
0x30: {  	[spmem:s3] =	stream.indirect.scatter.add.f32 [tilespmem:s12], [sflag:$0x1], $0x80, s18, s13, $0xb8;
	[tilespmem:$0x1A400] =	vst v63  }
0x31: {  	p0 =	sne.s32 s17, $0x9800;
	s17 =	sadd.s32 $0x80, s18  }
0x32: {  	[spmem:s3] =	stream.indirect.scatter.add.f32 [tilespmem:s12], [sflag:$0x1], $0x80, s17, s13, $0xb8;
	[tilespmem:$0x1A400] =	vst v63  }
0x33: {  	s17 =	sadd.s32 $0x100, s18  }
0x34: {  	[spmem:s3] =	stream.indirect.scatter.add.f32 [tilespmem:s12], [sflag:$0x1], $0x80, s17, s13, $0xb8;
	[tilespmem:$0x1A400] =	vst v63  }
0x35: {  	s17 =	sadd.s32 $0x180, s18  }
0x36: {  	[spmem:s3] =	stream.indirect.scatter.add.f32 [tilespmem:s12], [sflag:$0x1], $0x80, s17, s13, $0xb8;
	[tilespmem:$0x1A400] =	vst v63  }
0x37: {  	_ =	swait.ge [sflag:s14], $0x4000  }
0x38: {  	[sflag:s14] =	ssyncset.done $0x0  }
0x39: {  	[sflag:s14] =	ssyncadd.s32 $0xFFFFC000  }
0x3a: {  	_ =	swait.ge [sflag:s14], $0x4000  }
0x3b: {  	[sflag:s14] =	ssyncset.done $0x0  }
0x3c: {  	[sflag:s14] =	ssyncadd.s32 $0xFFFFC000  }
.Ltmp0:
0x3d: {  	_ =	swait.ge [sflag:s14], $0x4000;
	(pc) =	sbr.rel @p0 .LBB2_2-.Ltmp0, $4  }
0x3e: {  	[sflag:s14] =	ssyncset.done $0x0  }
0x3f: {  	[sflag:s14] =	ssyncadd.s32 $0xFFFFC000  }
0x40: {  	_ =	swait.ge [sflag:s14], $0x4000  }
0x41: {  	s17 =	smov.u32 s19;
	[sflag:s14] =	ssyncset.done $0x0  }
0x42: {  	s16 =	sshra.s32 s16, $0x2;
	[sflag:s14] =	ssyncadd.s32 $0xFFFFC000  }
0x43: {  	[spmem:s3] =	stream.indirect.scatter.add.f32 [tilespmem:s12], [sflag:$0x1], $0x80, s16, s13, $0xb8;
	[tilespmem:$0x1A400] =	vst v63  }
0x44: {  	s17 =	sadd.s32 $0x80, s16  }
0x45: {  	[spmem:s3] =	stream.indirect.scatter.add.f32 [tilespmem:s12], [sflag:$0x1], $0x80, s17, s13, $0xb8;
	[tilespmem:$0x1A400] =	vst v63  }
0x46: {  	s31 =	sadd.s32 $0x100, s16  }
0x47: {  	[spmem:s3] =	stream.indirect.scatter.add.f32 [tilespmem:s12], [sflag:$0x1], $0x80, s31, s13, $0xb8;
	[tilespmem:$0x1A400] =	vst v63  }
0x48: {  	s16 =	sadd.s32 $0x180, s16  }
0x49: {  	[spmem:s3] =	stream.indirect.scatter.add.f32 [tilespmem:s12], [sflag:$0x1], $0x80, s16, s13, $0xb8;
	[tilespmem:$0x1A400] =	vst v63  }
0x4a: {  	_ =	swait.ge [sflag:s14], $0x4000  }
0x4b: {  	[sflag:s14] =	ssyncset.done $0x0  }
0x4c: {  	[sflag:s14] =	ssyncadd.s32 $0xFFFFC000  }
0x4d: {  	_ =	swait.ge [sflag:s14], $0x4000  }
0x4e: {  	[sflag:s14] =	ssyncset.done $0x0  }
0x4f: {  	[sflag:s14] =	ssyncadd.s32 $0xFFFFC000  }
0x50: {  	_ =	swait.ge [sflag:s14], $0x4000  }
0x51: {  	[sflag:s14] =	ssyncset.done $0x0  }
0x52: {  	[sflag:s14] =	ssyncadd.s32 $0xFFFFC000  }
0x53: {  	_ =	swait.ge [sflag:s14], $0x4000  }
0x54: {  	s15 =	sadd.s32 $0x1, s15;
	[sflag:s14] =	ssyncset.done $0x0  }
0x55: {  	p0 =	sne.s32 s15, s9;
	[sflag:s14] =	ssyncadd.s32 $0xFFFFC000  }
.Ltmp1:
0x56: {  	[bflag:$0x0] =	sbarrier.arrive $0xFFFF;
	(pc) =	sbr.rel @p0 .LBB2_1-.Ltmp1, $4  }
0x57: {  	[hbm:s8], [sflag:s6] =	dma.local [spmem:s10], $0x2780  }
0x58: {  	_ =	swait.ge [sflag:s11], $0x2780  }
0x59: {  	[sflag:s11] =	ssyncset.done $0x0  }
0x5a: {  	[sflag:s11] =	ssyncadd.s32 $0xFFFFD880  }
0x5b: {  	_ =	sfence.sel $0x180000  }
0x5c: {  	[bflag:$0x0] =	sbarrier.arrive $0xFFFF  }
0x5d: {  	p0 =	sne.s32 s2, $0x0;
	_ =	strace $0x9000004A  }
0x5e: {  	s0 =	sadd.s32 @!p0 $0x100000, s0;
	[bflag:$0x2] =	sbarrier.arrive $0xFFFF  }
0x5f: {  	[sflag:s0] =	ssyncadd.tile.s32 @!p0 $0x1;
	_ =	shalt  }
.Lfunc_end2:
_tile_overlayer_lowered:
.L_overlay_start_2:
0x60: {  	(tag) =	ssettag $0x2  }
0x61: {  	s0 =	rddreg [dreg:$0x0];
	s2 =	stileid.u32  }
0x62: {  	s1 =	rddreg [dreg:$0x1];
	p0 =	sne.s32 s2, $0x0  }
0x63: {  	s3 =	rddreg [dreg:$0x2];
	[bflag:$0x3] =	sbarrier.arrive $0xFFFF;
	s2 =	simm.s32 @!p0 $0x1C02  }
0x64: {  	[timem:s3], [sflag:s2] =	dma.local @!p0 [hbm:s0], s1  }
0x65: {  	s0 =	simm.s32 @!p0 $0x2  }
0x66: {  	_ =	swait.ge @!p0 [sflag:s0], s1  }
0x67: {  	s1 =	ssub.s32 @!p0 $0x0, s1;
	[sflag:s0] =	ssyncset.done @!p0 $0x0  }
0x68: {  	[sflag:s0] =	ssyncadd.s32 @!p0 s1  }
0x69: {  	[bflag:$0x3] =	sbarrier.arrive $0xFFFF  }
0x6a: {  	_ =	shalt  }

// kernel: sc_segsum.12.cloned.1.call-start
scs
__scs_entry_jumppad:
0x0: {  	(pc) =	sbr.rel $0x88, $3  }
0x1: {  	(tag) =	ssettag $0x0;
	lr =	simm.s32 $0x1  }
0x2: {  	[smem:$0x3F81] =	sst lr;
	_ =	strace $0xD0000000  }
0x3: {  	_ = 	snop  }
0x4: {  	_ = 	snop  }
0x5: {  	_ = 	snop  }
0x6: {  	_ = 	snop  }
0x7: {  	_ = 	snop  }
__scs_overlays_trampoline_lowered:
0x8: {  	[smem:$0x3F90] =	sst s0  }
0x9: {  	[smem:$0x3F91] =	sst s1  }
0xa: {  	[smem:$0x3F92] =	sst s2  }
0xb: {  	[smem:$0x3F93] =	sst s3  }
0xc: {  	[smem:$0x3F94] =	sst s4  }
0xd: {  	[smem:$0x3F95] =	sst s5  }
0xe: {  	[smem:$0x3F96] =	sst s6  }
0xf: {  	[smem:$0x3F97] =	sst s7  }
0x10: {  	[smem:$0x3F98] =	sst s8  }
0x11: {  	[smem:$0x3F99] =	sst s9;
	s0 =	simm.s32 @!p0 $0x0  }
0x12: {  	s1 =	sld [smem:$0x3F7F];
	s0 =	simm.s32 @p0 $0x1  }
0x13: {  	[smem:$0x3F9A] =	sst s0;
	s0 =	simm.s32 @!p1 $0x0  }
0x14: {  	s2 =	sld [smem:$0x3F7E];
	s0 =	simm.s32 @p1 $0x1  }
0x15: {  	[smem:$0x3F9B] =	sst s0;
	s0 =	simm.s32 @!p2 $0x0  }
0x16: {  	s3 =	sld [smem:$0x3FDB];
	s0 =	simm.s32 @p2 $0x1  }
0x17: {  	s4 =	simm.s32 $0x1BF5;
	[smem:$0x3F9D] =	sst s0  }
0x18: {  	s0 =	sld [smem:$0x3F80];
	_ =	swait.ge [sflag:s4], $0x0  }
0x19: {  	s7 =	sld [smem:$0x3F81]  }
0x1a: {  	s8 =	sadd.s32 $0xFFFFE003, lr  }
0x1b: {  	s9 =	sadd.s32 $0xFFFFFEF7, lr;
	s5 =	simm.s32 $0xFFFFFFFF;
	p2 =	slt.u32 s8, $0xFFFFF086  }
0x1c: {  	p1 =	slt.u32 s9, $0xF7A;
	s5 =	simm.s32 @!p2 $0x0  }
0x1d: {  	s5 =	simm.s32 @p1 $0x1;
	p0 =	seq.s32 s7, s2  }
0x1e: {  	s7 =	smul.u32 @!p0 $0xF7A, s2;
	p2 =	seq.s32 @!p0 s5, $0x0  }
0x1f: {  	s9 =	smul.u32 $0xF7A, s1;
	s8 =	simm.s32 @!p0 $0x1BF5;
	p2 =	por !p2, p0  }
0x20: {  	[sflag:s8] =	ssyncset.s32 @!p0 $0xFFFFF086;
	s6 =	sadd.s32 @!p0 s3, s7;
	s7 =	simm.s32 @!p0 $0x108  }
0x21: {  	s3 =	sadd.s32 s3, s9;
	s6 =	sadd.s32 @!p0 $0x88, s6;
	s7 =	simm.s32 @p2 $0x1082  }
0x22: {  	[simem:s7], [sflag:s8] =	dma.local @!p0 [hbm:s6], $0xF7A  }
0x23: {  	s9 =	sor.u32 $0xD0000000, s2;
	s6 =	simm.s32 $0x108;
	_ =	swait.ge @!p0 [sflag:s8], $0x0  }
0x24: {  	s3 =	sadd.s32 $0x88, s3;
	s6 =	simm.s32 @!p1 $0x1082;
	[sflag:s4] =	ssyncset.s32 $0xFFFFF086  }
0x25: {  	[simem:s6], [sflag:s4] =	dma.local [hbm:s3], $0xF7A  }
0x26: {  	[smem:$0x3F81] =	sst s1;
	(tag) =	ssettag s2;
	_ =	strace s9  }
0x27: {  	s1 =	sld [smem:$0x3F91]  }
0x28: {  	s2 =	sld [smem:$0x3F92]  }
0x29: {  	s4 =	sld [smem:$0x3F94]  }
0x2a: {  	p0 =	seq.s32 s5, $0x0;
	s5 =	sld [smem:$0x3F95]  }
0x2b: {  	s6 =	sld [smem:$0x3F96]  }
0x2c: {  	s7 =	sld [smem:$0x3F97]  }
0x2d: {  	s3 =	simm.s32 $0x108;
	s8 =	sld [smem:$0x3F98]  }
0x2e: {  	s3 =	simm.s32 @!p0 $0x1082;
	s9 =	sld [smem:$0x3F99]  }
0x2f: {  	lr =	sadd.s32 s0, s3;
	s0 =	sld [smem:$0x3F90]  }
0x30: {  	s3 =	sld [smem:$0x3F93]  }
0x31: {  	[smem:$0x3F9C] =	sst s10  }
0x32: {  	s10 =	sld [smem:$0x3F9A];
	_ =	sdelay $0x3  }
0x33: {  	p0 =	seq.s32 s10, $0x1;
	s10 =	sld [smem:$0x3F9C];
	_ =	sdelay $0x3  }
0x34: {  	[smem:$0x3F9C] =	sst s10  }
0x35: {  	s10 =	sld [smem:$0x3F9B];
	_ =	sdelay $0x3  }
0x36: {  	p1 =	seq.s32 s10, $0x1;
	s10 =	sld [smem:$0x3F9C];
	_ =	sdelay $0x3  }
0x37: {  	[smem:$0x3F9C] =	sst s10  }
0x38: {  	s10 =	sld [smem:$0x3F9D]  }
0x39: {  	_ = 	snop;
	(pc) =	sbr.ind lr, $3  }
0x3a: {  	_ = 	snop  }
0x3b: {  	_ = 	snop  }
0x3c: {  	p2 =	seq.s32 s10, $0x1;
	s10 =	sld [smem:$0x3F9C]  }
0x3d: {  	_ =	shalt  }
0x3e: {  	_ =	shalt  }
0x3f: {  	_ =	shalt  }
0x40: {  	_ =	shalt  }
0x41: {  	_ =	shalt  }
0x42: {  	_ =	shalt  }
0x43: {  	_ =	shalt  }
0x44: {  	_ =	shalt  }
0x45: {  	_ =	shalt  }
0x46: {  	_ =	shalt  }
0x47: {  	_ =	shalt  }
0x48: {  	_ =	shalt  }
0x49: {  	_ =	shalt  }
0x4a: {  	_ =	shalt  }
0x4b: {  	_ =	shalt  }
0x4c: {  	_ =	shalt  }
0x4d: {  	_ =	shalt  }
0x4e: {  	_ =	shalt  }
0x4f: {  	_ =	shalt  }
0x50: {  	_ =	shalt  }
0x51: {  	_ =	shalt  }
0x52: {  	_ =	shalt  }
0x53: {  	_ =	shalt  }
0x54: {  	_ =	shalt  }
0x55: {  	_ =	shalt  }
0x56: {  	_ =	shalt  }
0x57: {  	_ =	shalt  }
0x58: {  	_ =	shalt  }
0x59: {  	_ =	shalt  }
0x5a: {  	_ =	shalt  }
0x5b: {  	_ =	shalt  }
0x5c: {  	_ =	shalt  }
0x5d: {  	_ =	shalt  }
0x5e: {  	_ =	shalt  }
0x5f: {  	_ =	shalt  }
0x60: {  	_ =	shalt  }
0x61: {  	_ =	shalt  }
0x62: {  	_ =	shalt  }
0x63: {  	_ =	shalt  }
0x64: {  	_ =	shalt  }
0x65: {  	_ =	shalt  }
0x66: {  	_ =	shalt  }
0x67: {  	_ =	shalt  }
0x68: {  	_ =	shalt  }
0x69: {  	_ =	shalt  }
0x6a: {  	_ =	shalt  }
0x6b: {  	_ =	shalt  }
0x6c: {  	_ =	shalt  }
0x6d: {  	_ =	shalt  }
0x6e: {  	_ =	shalt  }
0x6f: {  	_ =	shalt  }
0x70: {  	_ =	shalt  }
0x71: {  	_ =	shalt  }
0x72: {  	_ =	shalt  }
0x73: {  	_ =	shalt  }
0x74: {  	_ =	shalt  }
0x75: {  	_ =	shalt  }
0x76: {  	_ =	shalt  }
0x77: {  	_ =	shalt  }
0x78: {  	_ =	shalt  }
0x79: {  	_ =	shalt  }
0x7a: {  	_ =	shalt  }
0x7b: {  	_ =	shalt  }
0x7c: {  	_ =	shalt  }
0x7d: {  	_ =	shalt  }
0x7e: {  	_ =	shalt  }
0x7f: {  	_ =	shalt  }
0x80: {  	_ =	shalt  }
0x81: {  	_ =	shalt  }
0x82: {  	_ =	shalt  }
0x83: {  	_ =	shalt  }
0x84: {  	_ =	shalt  }
0x85: {  	_ =	shalt  }
0x86: {  	_ =	shalt  }
0x87: {  	_ =	shalt  }
.Lfunc_end0:
.L_simem_size_0:
called_computation.3_lowered:
.L_overlay_start_0:
0x88: {  	s2 =	sld [smem:$0x3FD9]  }
0x89: {  	s3 =	sld [smem:$0x3FFE];
	_ =	sdelay $0x1  }
0x8a: {  	s1 =	srdreg.scid  }
0x8b: {  	s0 =	sand.u32 $0x1, s1  }
0x8c: {  	s17 =	sshll.u32 s0, $0xA;
	s2 =	sadd.s32 s3, s2  }
0x8d: {  	s2 =	sadd.s32 s2, s17  }
0x8e: {  	[smem:$0x3FA8] =	sst s2  }
0x8f: {  	_ = 	snop  }
0x90: {  	s2 =	sld [smem:$0x3FD0];
	(tm) =	ssettm $0x1  }
0x91: {  	s18 =	sld [smem:$0x3FFB];
	_ =	sdelay $0x3  }
0x92: {  	_ =	strace s18  }
0x93: {  	s3 =	sld [smem:$0x3FFC];
	_ =	sdelay $0x3  }
0x94: {  	_ =	strace s3  }
0x95: {  	s3 =	sld [smem:$0x3FFD];
	_ =	sdelay $0x3  }
0x96: {  	_ =	strace s3  }
0x97: {  	_ =	strace $0x8FFFFFFF  }
0x98: {  	s19 =	sld [smem:$0x3FDB];
	_ =	sdelay $0x1  }
0x99: {  	s4 =	simm.s32 $_scs_section_size  }
0x9a: {  	s5 =	simm.s32 $_size__tile_overlayer_lowered;
	s6 =	simm.s32 $_tile_overlayer_lowered  }
0x9b: {  	s22 =	simm.s32 $0x1BFF;
	s21 =	sshll.u32 s6, $0x1;
	s3 =	sadd.s32 s4, s19  }
0x9c: {  	s7 =	simm.s32 $0x0;
	s20 =	sshll.u32 s5, $0x1;
	s5 =	sadd.s32 s21, s3  }
0x9d: {  	[timem:s7], [sflag:s22] =	dma.local [hbm:s5], s20  }
0x9e: {  	_ =	swait.ge [sflag:s22], s20  }
0x9f: {  	s4 =	ssub.s32 $0x0, s20;
	[sflag:s22] =	ssyncset.done $0x0  }
0xa0: {  	[sflag:s22] =	ssyncadd.s32 s4;
	_ =	sdelay $0x1  }
0xa1: {  	s23 =	simm.s32 $0x1B8B  }
0xa2: {  	_ =	swait.ge [sflag:s23], $0x1  }
0xa3: {  	[sflag:s23] =	ssyncset.done $0x0  }
0xa4: {  	s25 =	simm.s32 $0x1B8E;
	s24 =	sld [smem:$0x3FFE];
	[sflag:s23] =	ssyncadd.s32 $0xFFFFFFFF  }
0xa5: {  	s26 =	simm.s32 $execute0_lowered;
	[smem:$0x3FD2] =	sst s25  }
0xa6: {  	s5 =	sshll.u32 s26, $0x1;
	_ =	strace $0x8000004F;
	[dreg:$0x1] =	wrdreg $0xFFFFFFFF  }
0xa7: {  	s28 =	simm.s32 $_size_execute0_lowered;
	s3 =	sadd.s32 s3, s5;
	[dreg:$0x0] =	wrdreg $0x0  }
0xa8: {  	s5 =	sshll.u32 s28, $0x1;
	[dreg:$0x2] =	wrdreg s3  }
0xa9: {  	[dreg:$0x3] =	wrdreg s5  }
0xaa: {  	[dreg:$0x4] =	wrdreg $0xC0  }
0xab: {  	_ =	task [dreg:s7], $0x5FFFF  }
0xac: {  	[dreg:$0x1] =	wrdreg $0xFFFFFFFF  }
0xad: {  	[dreg:$0x0] =	wrdreg $0x60  }
0xae: {  	[dreg:$0x2] =	wrdreg s24  }
0xaf: {  	[dreg:$0x3] =	wrdreg s2  }
0xb0: {  	[dreg:$0x4] =	wrdreg $0xA8000  }
0xb1: {  	[dreg:$0x5] =	wrdreg $0x9  }
0xb2: {  	_ =	task.clear_ibuf [dreg:s7], $0x6FFFF;
	_ =	strace $0x9000004F  }
0xb3: {  	s29 =	simm.s32 $0x9;
	_ =	strace $0x80000051  }
0xb4: {  	_ =	swait.ge [sflag:s29], $0x1  }
0xb5: {  	[sflag:s29] =	ssyncadd.s32 $0xFFFFFFFF  }
0xb6: {  	_ =	strace $0x90000051  }
0xb7: {  	_ =	sfence  }
0xb8: {  	s30 =	sld [smem:$0x0];
	_ =	sdelay $0x2  }
0xb9: {  	s31 =	sshll.u32 s1, $0xD;
	s1 =	sshrl.u32 s1, $0x2  }
0xba: {  	s3 =	sand.u32 $0x4000, s31;
	s1 =	sadd.s32 s1, s30  }
0xbb: {  	s0 =	sor.u32 s3, s0;
	s1 =	sshll.u32 s1, $0x11  }
0xbc: {  	s0 =	sor.u32 s1, s0  }
0xbd: {  	s0 =	sadd.s32 $0x8F2B, s0  }
0xbe: {  	[sflag:s0] =	ssyncadd.remote.s32 $0x1  }
0xbf: {  	_ =	sfence.sel $0xFFFF  }
0xc0: {  	[dreg:$0x0] =	wrdreg $0xFFFFFFFF;
	(pc) =	sbr.abs _section_cstart, $3  }
0xc1: {  	[dreg:$0x1] =	wrdreg $0xFFFFFFFF  }
0xc2: {  	_ =	task.clear_ibuf [dreg:s7], $0x2FFFF;
	_ =	strace $0x9FFFFFFF  }
0xc3: {  	(tm) =	ssettm $0x7FFFFFFF  }
tec
execute0_lowered:
.L_overlay_start_1:
0x0: {  	(tag) =	ssettag $0x1  }
0x1: {  	s8 =	rddreg [dreg:$0x0]  }
0x2: {  	s1 =	rddreg [dreg:$0x1]  }
0x3: {  	s2 =	rddreg [dreg:$0x2]  }
0x4: {  	s3 =	srdreg.scid;
	s0 =	rddreg [dreg:$0x3];
	s4 =	simm.s32 $0x0  }
0x5: {  	s16 =	simm.s32 $0x80;
	s17 =	simm.s32 $0x2800;
	s18 =	simm.s32 $0x6800  }
0x6: {  	s19 =	simm.s32 $0x1;
	s20 =	simm.s32 $0x2;
	s21 =	simm.s32 $0x3  }
0x7: {  	s22 =	simm.s32 $0x4;
	s23 =	simm.s32 $0x2700;
	s24 =	simm.s32 $0x2780  }
0x8: {  	s10 =	sand.u32 $0x1, s3;
	s3 =	stileid.u32;
	[smem:$0x7FF] =	sst s4  }
0x9: {  	s5 =	sadd.s32 $0x26800, s8;
	s6 =	sadd.s32 $0x12800, s8;
	s7 =	smul.u32 $0x13C000, s10  }
0xa: {  	s9 =	smul.u32 $0x13C00, s3;
	_ =	strace $0x80000050;
	s11 =	ssub.s32 $0x2, s10  }
0xb: {  	s12 =	smul.u32 $0x4F000, s3;
	s31 =	sshll.u32 s3, $0x6;
	s29 =	sshrl.u32 s11, $0x1  }
0xc: {  	s10 =	smul.u32 $0xA00, s10;
	s7 =	sadd.s32 s9, s7;
	s14 =	ssub.s32 s11, s29  }
0xd: {  	s30 =	sshrl.u32 s12, $0x2;
	s9 =	sshrl.u32 s7, $0x3;
	s7 =	sadd.s32 $0x8800, s8  }
0xe: {  	s15 =	sadd.s32 s30, s2;
	s12 =	smax.u32 s14, $0x1;
	s14 =	simm.s32 $0x5  }
0xf: {  	s13 =	sadd.s32 s9, s8;
	s8 =	sor.u32 $0x1C05, s31;
	s9 =	smul.u32 $0xA0, s3  }
0x10: {  	s11 =	sadd.s32 $0x74A00, s13;
	s13 =	sshrl.u32 s15, $0x3;
	s15 =	simm.s32 $0x1400  }
.LBB2_1:
0x11: {  	[spmem:s13], [sflag:s8] =	dma.local [hbm:s1], $0x2780  }
0x12: {  	_ =	swait.ge [sflag:s14], $0x2780  }
0x13: {  	[sflag:s14] =	ssyncset.done $0x0  }
0x14: {  	[sflag:s14] =	ssyncadd.s32 $0xFFFFD880  }
0x15: {  	s25 =	simm.s32 $0x0;
	[bflag:$0x0] =	sbarrier.arrive $0xFFFF  }
.LBB2_2:
0x16: {  	s26 =	smul.u32 $0x28, s25;
	_ =	sdelay $0x1  }
0x17: {  	s26 =	sadd.s32 s9, s26  }
0x18: {  	s28 =	sadd.s32 s10, s26  }
0x19: {  	s28 =	sshll.u32 s28, $0x4  }
0x1a: {  	s29 =	simm.s32 $0x0;
	s28 =	sadd.s32 s6, s28  }
0x1b: {  	[tilespmem:s29], [sflag:$0x5] =	stream.linear.gather [hbm4b:s28+s29], $0x1400, $0x38;
	[tilespmem:$0x1E400] =	vst v63  }
0x1c: {  	_ =	swait.ge [sflag:s14], $0x1400  }
0x1d: {  	s26 =	sshll.u32 s26, $0x4;
	[sflag:s14] =	ssyncset.done $0x0  }
0x1e: {  	s26 =	sadd.s32 s7, s26;
	[sflag:s14] =	ssyncadd.s32 $0xFFFFEC00  }
0x1f: {  	[tilespmem:s15], [sflag:$0x5] =	stream.linear.gather [hbm4b:s26+s29], $0x1400, $0x38;
	[tilespmem:$0x1E400] =	vst v63  }
0x20: {  	_ =	swait.ge [sflag:s14], $0x1400  }
0x21: {  	[sflag:s14] =	ssyncset.done $0x0  }
0x22: {  	[sflag:s14] =	ssyncadd.s32 $0xFFFFEC00  }
0x23: {  	[tilespmem:s17], [sflag:$0x1] =	stream.indirect.gather [hbm4b:s5+s16], $0x80, s29, s16, $0xb8;
	[tilespmem:$0x1E400] =	vst v63  }
0x24: {  	_ = 	snop  }
0x25: {  	[tilespmem:s18], [sflag:$0x2] =	stream.indirect.gather [hbm4b:s5+s16], $0x80, s16, s16, $0xb8;
	[tilespmem:$0x1E400] =	vst v63  }
0x26: {  	_ =	swait.ge [sflag:s19], $0x4000  }
0x27: {  	[sflag:s19] =	ssyncset.done $0x0  }
0x28: {  	s29 =	simm.s32 $0x1400;
	[sflag:s19] =	ssyncadd.s32 $0xFFFFC000  }
0x29: {  	[spmem:s2] =	stream.indirect.scatter.add.f32 [tilespmem:s17], [sflag:$0x3], $0x80, s29, s16, $0xb8;
	[tilespmem:$0x1E400] =	vst v63  }
0x2a: {  	_ =	swait.ge [sflag:s20], $0x4000  }
0x2b: {  	[sflag:s20] =	ssyncset.done $0x0  }
0x2c: {  	s30 =	simm.s32 $0x1480;
	[sflag:s20] =	ssyncadd.s32 $0xFFFFC000  }
0x2d: {  	[spmem:s2] =	stream.indirect.scatter.add.f32 [tilespmem:s18], [sflag:$0x4], $0x80, s30, s16, $0xb8;
	[tilespmem:$0x1E400] =	vst v63  }
0x2e: {  	_ =	swait.ge [sflag:s21], $0x4000  }
0x2f: {  	[sflag:s21] =	ssyncset.done $0x0  }
0x30: {  	s31 =	simm.s32 $0x100;
	[sflag:s21] =	ssyncadd.s32 $0xFFFFC000  }
0x31: {  	[tilespmem:s17], [sflag:$0x1] =	stream.indirect.gather [hbm4b:s5+s16], $0x80, s31, s16, $0xb8;
	[tilespmem:$0x1E400] =	vst v63  }
0x32: {  	_ =	swait.ge [sflag:s22], $0x4000  }
0x33: {  	[sflag:s22] =	ssyncset.done $0x0  }
0x34: {  	s28 =	simm.s32 $0x180;
	s26 =	simm.s32 $0x400;
	[sflag:s22] =	ssyncadd.s32 $0xFFFFC000  }
.LBB2_3:
0x35: {  	[tilespmem:s18], [sflag:$0x2] =	stream.indirect.gather [hbm4b:s5+s16], $0x80, s28, s16, $0xb8;
	[tilespmem:$0x1E400] =	vst v63  }
0x36: {  	s28 =	smov.u32 s26  }
0x37: {  	p0 =	sne.s32 s26, $0x4800;
	s26 =	sadd.s32 $0x400, s26;
	_ =	swait.ge [sflag:s19], $0x4000  }
0x38: {  	s28 =	sshra.s32 s28, $0x2;
	[sflag:s19] =	ssyncset.done $0x0  }
0x39: {  	s29 =	sadd.s32 $0x1400, s28;
	[sflag:s19] =	ssyncadd.s32 $0xFFFFC000  }
0x3a: {  	[spmem:s2] =	stream.indirect.scatter.add.f32 [tilespmem:s17], [sflag:$0x3], $0x80, s29, s16, $0xb8;
	[tilespmem:$0x1E400] =	vst v63  }
0x3b: {  	_ =	swait.ge [sflag:s20], $0x4000  }
0x3c: {  	[sflag:s20] =	ssyncset.done $0x0  }
0x3d: {  	s29 =	sadd.s32 $0x1480, s28;
	[sflag:s20] =	ssyncadd.s32 $0xFFFFC000  }
0x3e: {  	[spmem:s2] =	stream.indirect.scatter.add.f32 [tilespmem:s18], [sflag:$0x4], $0x80, s29, s16, $0xb8;
	[tilespmem:$0x1E400] =	vst v63  }
0x3f: {  	_ =	swait.ge [sflag:s21], $0x4000  }
0x40: {  	[sflag:s21] =	ssyncset.done $0x0  }
.Ltmp0:
0x41: {  	s29 =	sadd.s32 $0x100, s28;
	[sflag:s21] =	ssyncadd.s32 $0xFFFFC000;
	(pc) =	sbr.rel @p0 .LBB2_3-.Ltmp0, $4  }
0x42: {  	[tilespmem:s17], [sflag:$0x1] =	stream.indirect.gather [hbm4b:s5+s16], $0x80, s29, s16, $0xb8;
	[tilespmem:$0x1E400] =	vst v63  }
0x43: {  	_ =	swait.ge [sflag:s22], $0x4000  }
0x44: {  	[sflag:s22] =	ssyncset.done $0x0  }
0x45: {  	s28 =	sadd.s32 $0x180, s28;
	[sflag:s22] =	ssyncadd.s32 $0xFFFFC000  }
0x46: {  	[tilespmem:s18], [sflag:$0x2] =	stream.indirect.gather [hbm4b:s5+s16], $0x80, s28, s16, $0xb8;
	[tilespmem:$0x1E400] =	vst v63  }
0x47: {  	_ =	swait.ge [sflag:s19], $0x4000  }
0x48: {  	[sflag:s19] =	ssyncset.done $0x0  }
0x49: {  	[sflag:s19] =	ssyncadd.s32 $0xFFFFC000  }
0x4a: {  	[spmem:s2] =	stream.indirect.scatter.add.f32 [tilespmem:s17], [sflag:$0x3], $0x80, s23, s16, $0xb8;
	[tilespmem:$0x1E400] =	vst v63  }
0x4b: {  	_ =	swait.ge [sflag:s20], $0x4000  }
0x4c: {  	[sflag:s20] =	ssyncset.done $0x0  }
0x4d: {  	s25 =	sadd.s32 $0x1, s25;
	[sflag:s20] =	ssyncadd.s32 $0xFFFFC000  }
0x4e: {  	[spmem:s2] =	stream.indirect.scatter.add.f32 [tilespmem:s18], [sflag:$0x4], $0x80, s24, s16, $0xb8;
	[tilespmem:$0x1E400] =	vst v63  }
0x4f: {  	p0 =	sne.s32 s25, $0x4;
	_ =	swait.ge [sflag:s21], $0x4000  }
.Ltmp1:
0x50: {  	[sflag:s21] =	ssyncset.done $0x0;
	(pc) =	sbr.rel @p0 .LBB2_2-.Ltmp1, $4  }
0x51: {  	[sflag:s21] =	ssyncadd.s32 $0xFFFFC000  }
0x52: {  	_ =	swait.ge [sflag:s22], $0x4000  }
0x53: {  	[sflag:s22] =	ssyncset.done $0x0  }
0x54: {  	[sflag:s22] =	ssyncadd.s32 $0xFFFFC000  }
0x55: {  	s4 =	sadd.s32 $0x1, s4  }
0x56: {  	p0 =	sne.s32 s4, s12  }
.Ltmp2:
0x57: {  	[bflag:$0x0] =	sbarrier.arrive $0xFFFF;
	(pc) =	sbr.rel @p0 .LBB2_1-.Ltmp2, $4  }
0x58: {  	[hbm:s11], [sflag:s8] =	dma.local [spmem:s13], $0x2780  }
0x59: {  	_ =	swait.ge [sflag:s14], $0x2780  }
0x5a: {  	[sflag:s14] =	ssyncset.done $0x0  }
0x5b: {  	[sflag:s14] =	ssyncadd.s32 $0xFFFFD880  }
0x5c: {  	_ =	sfence.sel $0x180000  }
0x5d: {  	[bflag:$0x0] =	sbarrier.arrive $0xFFFF  }
0x5e: {  	p0 =	sne.s32 s3, $0x0;
	_ =	strace $0x90000050  }
0x5f: {  	s0 =	sadd.s32 @!p0 $0x100000, s0;
	[bflag:$0x2] =	sbarrier.arrive $0xFFFF  }
0x60: {  	[sflag:s0] =	ssyncadd.tile.s32 @!p0 $0x1;
	_ =	shalt  }
.Lfunc_end2:
_tile_overlayer_lowered:
.L_overlay_start_2:
0x61: {  	(tag) =	ssettag $0x2  }
0x62: {  	s0 =	rddreg [dreg:$0x0];
	s2 =	stileid.u32  }
0x63: {  	s1 =	rddreg [dreg:$0x1];
	p0 =	sne.s32 s2, $0x0  }
0x64: {  	s3 =	rddreg [dreg:$0x2];
	[bflag:$0x3] =	sbarrier.arrive $0xFFFF;
	s2 =	simm.s32 @!p0 $0x1C05  }
0x65: {  	[timem:s3], [sflag:s2] =	dma.local @!p0 [hbm:s0], s1  }
0x66: {  	s0 =	simm.s32 @!p0 $0x5  }
0x67: {  	_ =	swait.ge @!p0 [sflag:s0], s1  }
0x68: {  	s1 =	ssub.s32 @!p0 $0x0, s1;
	[sflag:s0] =	ssyncset.done @!p0 $0x0  }
0x69: {  	[sflag:s0] =	ssyncadd.s32 @!p0 s1  }
0x6a: {  	[bflag:$0x3] =	sbarrier.arrive $0xFFFF  }
0x6b: {  	_ =	shalt  }

// kernel: sc_segsum.15.cloned.1.call-start
scs
__scs_entry_jumppad:
0x0: {  	(pc) =	sbr.rel $0x88, $3  }
0x1: {  	(tag) =	ssettag $0x0;
	lr =	simm.s32 $0x1  }
0x2: {  	[smem:$0x3F81] =	sst lr;
	_ =	strace $0xD0000000  }
0x3: {  	_ = 	snop  }
0x4: {  	_ = 	snop  }
0x5: {  	_ = 	snop  }
0x6: {  	_ = 	snop  }
0x7: {  	_ = 	snop  }
__scs_overlays_trampoline_lowered:
0x8: {  	[smem:$0x3F90] =	sst s0  }
0x9: {  	[smem:$0x3F91] =	sst s1  }
0xa: {  	[smem:$0x3F92] =	sst s2  }
0xb: {  	[smem:$0x3F93] =	sst s3  }
0xc: {  	[smem:$0x3F94] =	sst s4  }
0xd: {  	[smem:$0x3F95] =	sst s5  }
0xe: {  	[smem:$0x3F96] =	sst s6  }
0xf: {  	[smem:$0x3F97] =	sst s7  }
0x10: {  	[smem:$0x3F98] =	sst s8  }
0x11: {  	[smem:$0x3F99] =	sst s9;
	s0 =	simm.s32 @!p0 $0x0  }
0x12: {  	s1 =	sld [smem:$0x3F7F];
	s0 =	simm.s32 @p0 $0x1  }
0x13: {  	[smem:$0x3F9A] =	sst s0;
	s0 =	simm.s32 @!p1 $0x0  }
0x14: {  	s2 =	sld [smem:$0x3F7E];
	s0 =	simm.s32 @p1 $0x1  }
0x15: {  	[smem:$0x3F9B] =	sst s0;
	s0 =	simm.s32 @!p2 $0x0  }
0x16: {  	s3 =	sld [smem:$0x3FDB];
	s0 =	simm.s32 @p2 $0x1  }
0x17: {  	s4 =	simm.s32 $0x1BF5;
	[smem:$0x3F9D] =	sst s0  }
0x18: {  	s0 =	sld [smem:$0x3F80];
	_ =	swait.ge [sflag:s4], $0x0  }
0x19: {  	s7 =	sld [smem:$0x3F81]  }
0x1a: {  	s8 =	sadd.s32 $0xFFFFE003, lr  }
0x1b: {  	s9 =	sadd.s32 $0xFFFFFEF7, lr;
	s5 =	simm.s32 $0xFFFFFFFF;
	p2 =	slt.u32 s8, $0xFFFFF086  }
0x1c: {  	p1 =	slt.u32 s9, $0xF7A;
	s5 =	simm.s32 @!p2 $0x0  }
0x1d: {  	s5 =	simm.s32 @p1 $0x1;
	p0 =	seq.s32 s7, s2  }
0x1e: {  	s7 =	smul.u32 @!p0 $0xF7A, s2;
	p2 =	seq.s32 @!p0 s5, $0x0  }
0x1f: {  	s9 =	smul.u32 $0xF7A, s1;
	s8 =	simm.s32 @!p0 $0x1BF5;
	p2 =	por !p2, p0  }
0x20: {  	[sflag:s8] =	ssyncset.s32 @!p0 $0xFFFFF086;
	s6 =	sadd.s32 @!p0 s3, s7;
	s7 =	simm.s32 @!p0 $0x108  }
0x21: {  	s3 =	sadd.s32 s3, s9;
	s6 =	sadd.s32 @!p0 $0x88, s6;
	s7 =	simm.s32 @p2 $0x1082  }
0x22: {  	[simem:s7], [sflag:s8] =	dma.local @!p0 [hbm:s6], $0xF7A  }
0x23: {  	s9 =	sor.u32 $0xD0000000, s2;
	s6 =	simm.s32 $0x108;
	_ =	swait.ge @!p0 [sflag:s8], $0x0  }
0x24: {  	s3 =	sadd.s32 $0x88, s3;
	s6 =	simm.s32 @!p1 $0x1082;
	[sflag:s4] =	ssyncset.s32 $0xFFFFF086  }
0x25: {  	[simem:s6], [sflag:s4] =	dma.local [hbm:s3], $0xF7A  }
0x26: {  	[smem:$0x3F81] =	sst s1;
	(tag) =	ssettag s2;
	_ =	strace s9  }
0x27: {  	s1 =	sld [smem:$0x3F91]  }
0x28: {  	s2 =	sld [smem:$0x3F92]  }
0x29: {  	s4 =	sld [smem:$0x3F94]  }
0x2a: {  	p0 =	seq.s32 s5, $0x0;
	s5 =	sld [smem:$0x3F95]  }
0x2b: {  	s6 =	sld [smem:$0x3F96]  }
0x2c: {  	s7 =	sld [smem:$0x3F97]  }
0x2d: {  	s3 =	simm.s32 $0x108;
	s8 =	sld [smem:$0x3F98]  }
0x2e: {  	s3 =	simm.s32 @!p0 $0x1082;
	s9 =	sld [smem:$0x3F99]  }
0x2f: {  	lr =	sadd.s32 s0, s3;
	s0 =	sld [smem:$0x3F90]  }
0x30: {  	s3 =	sld [smem:$0x3F93]  }
0x31: {  	[smem:$0x3F9C] =	sst s10  }
0x32: {  	s10 =	sld [smem:$0x3F9A];
	_ =	sdelay $0x3  }
0x33: {  	p0 =	seq.s32 s10, $0x1;
	s10 =	sld [smem:$0x3F9C];
	_ =	sdelay $0x3  }
0x34: {  	[smem:$0x3F9C] =	sst s10  }
0x35: {  	s10 =	sld [smem:$0x3F9B];
	_ =	sdelay $0x3  }
0x36: {  	p1 =	seq.s32 s10, $0x1;
	s10 =	sld [smem:$0x3F9C];
	_ =	sdelay $0x3  }
0x37: {  	[smem:$0x3F9C] =	sst s10  }
0x38: {  	s10 =	sld [smem:$0x3F9D]  }
0x39: {  	_ = 	snop;
	(pc) =	sbr.ind lr, $3  }
0x3a: {  	_ = 	snop  }
0x3b: {  	_ = 	snop  }
0x3c: {  	p2 =	seq.s32 s10, $0x1;
	s10 =	sld [smem:$0x3F9C]  }
0x3d: {  	_ =	shalt  }
0x3e: {  	_ =	shalt  }
0x3f: {  	_ =	shalt  }
0x40: {  	_ =	shalt  }
0x41: {  	_ =	shalt  }
0x42: {  	_ =	shalt  }
0x43: {  	_ =	shalt  }
0x44: {  	_ =	shalt  }
0x45: {  	_ =	shalt  }
0x46: {  	_ =	shalt  }
0x47: {  	_ =	shalt  }
0x48: {  	_ =	shalt  }
0x49: {  	_ =	shalt  }
0x4a: {  	_ =	shalt  }
0x4b: {  	_ =	shalt  }
0x4c: {  	_ =	shalt  }
0x4d: {  	_ =	shalt  }
0x4e: {  	_ =	shalt  }
0x4f: {  	_ =	shalt  }
0x50: {  	_ =	shalt  }
0x51: {  	_ =	shalt  }
0x52: {  	_ =	shalt  }
0x53: {  	_ =	shalt  }
0x54: {  	_ =	shalt  }
0x55: {  	_ =	shalt  }
0x56: {  	_ =	shalt  }
0x57: {  	_ =	shalt  }
0x58: {  	_ =	shalt  }
0x59: {  	_ =	shalt  }
0x5a: {  	_ =	shalt  }
0x5b: {  	_ =	shalt  }
0x5c: {  	_ =	shalt  }
0x5d: {  	_ =	shalt  }
0x5e: {  	_ =	shalt  }
0x5f: {  	_ =	shalt  }
0x60: {  	_ =	shalt  }
0x61: {  	_ =	shalt  }
0x62: {  	_ =	shalt  }
0x63: {  	_ =	shalt  }
0x64: {  	_ =	shalt  }
0x65: {  	_ =	shalt  }
0x66: {  	_ =	shalt  }
0x67: {  	_ =	shalt  }
0x68: {  	_ =	shalt  }
0x69: {  	_ =	shalt  }
0x6a: {  	_ =	shalt  }
0x6b: {  	_ =	shalt  }
0x6c: {  	_ =	shalt  }
0x6d: {  	_ =	shalt  }
0x6e: {  	_ =	shalt  }
0x6f: {  	_ =	shalt  }
0x70: {  	_ =	shalt  }
0x71: {  	_ =	shalt  }
0x72: {  	_ =	shalt  }
0x73: {  	_ =	shalt  }
0x74: {  	_ =	shalt  }
0x75: {  	_ =	shalt  }
0x76: {  	_ =	shalt  }
0x77: {  	_ =	shalt  }
0x78: {  	_ =	shalt  }
0x79: {  	_ =	shalt  }
0x7a: {  	_ =	shalt  }
0x7b: {  	_ =	shalt  }
0x7c: {  	_ =	shalt  }
0x7d: {  	_ =	shalt  }
0x7e: {  	_ =	shalt  }
0x7f: {  	_ =	shalt  }
0x80: {  	_ =	shalt  }
0x81: {  	_ =	shalt  }
0x82: {  	_ =	shalt  }
0x83: {  	_ =	shalt  }
0x84: {  	_ =	shalt  }
0x85: {  	_ =	shalt  }
0x86: {  	_ =	shalt  }
0x87: {  	_ =	shalt  }
.Lfunc_end0:
.L_simem_size_0:
called_computation.4_lowered:
.L_overlay_start_0:
0x88: {  	s2 =	sld [smem:$0x3FD9]  }
0x89: {  	s3 =	sld [smem:$0x3FFE];
	_ =	sdelay $0x1  }
0x8a: {  	s1 =	srdreg.scid  }
0x8b: {  	s0 =	sand.u32 $0x1, s1  }
0x8c: {  	s17 =	sshll.u32 s0, $0xA;
	s2 =	sadd.s32 s3, s2  }
0x8d: {  	s2 =	sadd.s32 s2, s17  }
0x8e: {  	[smem:$0x3FA8] =	sst s2  }
0x8f: {  	_ = 	snop  }
0x90: {  	s2 =	sld [smem:$0x3FD0];
	(tm) =	ssettm $0x1  }
0x91: {  	s18 =	sld [smem:$0x3FFB];
	_ =	sdelay $0x3  }
0x92: {  	_ =	strace s18  }
0x93: {  	s3 =	sld [smem:$0x3FFC];
	_ =	sdelay $0x3  }
0x94: {  	_ =	strace s3  }
0x95: {  	s3 =	sld [smem:$0x3FFD];
	_ =	sdelay $0x3  }
0x96: {  	_ =	strace s3  }
0x97: {  	_ =	strace $0x8FFFFFFF  }
0x98: {  	s19 =	sld [smem:$0x3FDB];
	_ =	sdelay $0x1  }
0x99: {  	s4 =	simm.s32 $_scs_section_size  }
0x9a: {  	s5 =	simm.s32 $_size__tile_overlayer_lowered;
	s6 =	simm.s32 $_tile_overlayer_lowered  }
0x9b: {  	s22 =	simm.s32 $0x1BFF;
	s21 =	sshll.u32 s6, $0x1;
	s3 =	sadd.s32 s4, s19  }
0x9c: {  	s7 =	simm.s32 $0x0;
	s20 =	sshll.u32 s5, $0x1;
	s5 =	sadd.s32 s21, s3  }
0x9d: {  	[timem:s7], [sflag:s22] =	dma.local [hbm:s5], s20  }
0x9e: {  	_ =	swait.ge [sflag:s22], s20  }
0x9f: {  	s4 =	ssub.s32 $0x0, s20;
	[sflag:s22] =	ssyncset.done $0x0  }
0xa0: {  	[sflag:s22] =	ssyncadd.s32 s4;
	_ =	sdelay $0x1  }
0xa1: {  	s23 =	simm.s32 $0x1B8B  }
0xa2: {  	_ =	swait.ge [sflag:s23], $0x1  }
0xa3: {  	[sflag:s23] =	ssyncset.done $0x0  }
0xa4: {  	s25 =	simm.s32 $0x1B8E;
	s24 =	sld [smem:$0x3FFE];
	[sflag:s23] =	ssyncadd.s32 $0xFFFFFFFF  }
0xa5: {  	s26 =	simm.s32 $execute0_lowered;
	[smem:$0x3FD2] =	sst s25  }
0xa6: {  	s5 =	sshll.u32 s26, $0x1;
	_ =	strace $0x80000052;
	[dreg:$0x1] =	wrdreg $0xFFFFFFFF  }
0xa7: {  	s28 =	simm.s32 $_size_execute0_lowered;
	s3 =	sadd.s32 s3, s5;
	[dreg:$0x0] =	wrdreg $0x0  }
0xa8: {  	s5 =	sshll.u32 s28, $0x1;
	[dreg:$0x2] =	wrdreg s3  }
0xa9: {  	[dreg:$0x3] =	wrdreg s5  }
0xaa: {  	[dreg:$0x4] =	wrdreg $0xC0  }
0xab: {  	_ =	task [dreg:s7], $0x5FFFF  }
0xac: {  	[dreg:$0x1] =	wrdreg $0xFFFFFFFF  }
0xad: {  	[dreg:$0x0] =	wrdreg $0x60  }
0xae: {  	[dreg:$0x2] =	wrdreg s24  }
0xaf: {  	[dreg:$0x3] =	wrdreg s2  }
0xb0: {  	[dreg:$0x4] =	wrdreg $0xA8000  }
0xb1: {  	[dreg:$0x5] =	wrdreg $0x9  }
0xb2: {  	_ =	task.clear_ibuf [dreg:s7], $0x6FFFF;
	_ =	strace $0x90000052  }
0xb3: {  	s29 =	simm.s32 $0x9;
	_ =	strace $0x80000054  }
0xb4: {  	_ =	swait.ge [sflag:s29], $0x1  }
0xb5: {  	[sflag:s29] =	ssyncadd.s32 $0xFFFFFFFF  }
0xb6: {  	_ =	strace $0x90000054  }
0xb7: {  	_ =	sfence  }
0xb8: {  	s30 =	sld [smem:$0x0];
	_ =	sdelay $0x2  }
0xb9: {  	s31 =	sshll.u32 s1, $0xD;
	s1 =	sshrl.u32 s1, $0x2  }
0xba: {  	s3 =	sand.u32 $0x4000, s31;
	s1 =	sadd.s32 s1, s30  }
0xbb: {  	s0 =	sor.u32 s3, s0;
	s1 =	sshll.u32 s1, $0x11  }
0xbc: {  	s0 =	sor.u32 s1, s0  }
0xbd: {  	s0 =	sadd.s32 $0x8F2B, s0  }
0xbe: {  	[sflag:s0] =	ssyncadd.remote.s32 $0x1  }
0xbf: {  	_ =	sfence.sel $0xFFFF  }
0xc0: {  	[dreg:$0x0] =	wrdreg $0xFFFFFFFF;
	(pc) =	sbr.abs _section_cstart, $3  }
0xc1: {  	[dreg:$0x1] =	wrdreg $0xFFFFFFFF  }
0xc2: {  	_ =	task.clear_ibuf [dreg:s7], $0x2FFFF;
	_ =	strace $0x9FFFFFFF  }
0xc3: {  	(tm) =	ssettm $0x7FFFFFFF  }
tec
execute0_lowered:
.L_overlay_start_1:
0x0: {  	(tag) =	ssettag $0x1  }
0x1: {  	s8 =	rddreg [dreg:$0x0]  }
0x2: {  	s1 =	rddreg [dreg:$0x1]  }
0x3: {  	s2 =	rddreg [dreg:$0x2]  }
0x4: {  	s3 =	srdreg.scid;
	s0 =	rddreg [dreg:$0x3];
	s4 =	simm.s32 $0x0  }
0x5: {  	s16 =	simm.s32 $0x80;
	s17 =	simm.s32 $0x2800;
	s18 =	simm.s32 $0x6800  }
0x6: {  	s19 =	simm.s32 $0x1;
	s20 =	simm.s32 $0x2;
	s21 =	simm.s32 $0x3  }
0x7: {  	s22 =	simm.s32 $0x4;
	s23 =	simm.s32 $0x2700;
	s24 =	simm.s32 $0x2780  }
0x8: {  	s10 =	sand.u32 $0x1, s3;
	s3 =	stileid.u32;
	[smem:$0x7FF] =	sst s4  }
0x9: {  	s5 =	sadd.s32 $0x26800, s8;
	s6 =	sadd.s32 $0x12800, s8;
	s7 =	smul.u32 $0x13C000, s10  }
0xa: {  	s9 =	smul.u32 $0x13C00, s3;
	_ =	strace $0x80000053;
	s11 =	ssub.s32 $0x2, s10  }
0xb: {  	s12 =	smul.u32 $0x4F000, s3;
	s31 =	sshll.u32 s3, $0x6;
	s29 =	sshrl.u32 s11, $0x1  }
0xc: {  	s10 =	smul.u32 $0xA00, s10;
	s7 =	sadd.s32 s9, s7;
	s14 =	ssub.s32 s11, s29  }
0xd: {  	s30 =	sshrl.u32 s12, $0x2;
	s9 =	sshrl.u32 s7, $0x3;
	s7 =	sadd.s32 $0x8800, s8  }
0xe: {  	s15 =	sadd.s32 s30, s2;
	s12 =	smax.u32 s14, $0x1;
	s14 =	simm.s32 $0x5  }
0xf: {  	s13 =	sadd.s32 s9, s8;
	s8 =	sor.u32 $0x1C05, s31;
	s9 =	smul.u32 $0xA0, s3  }
0x10: {  	s11 =	sadd.s32 $0x74A00, s13;
	s13 =	sshrl.u32 s15, $0x3;
	s15 =	simm.s32 $0x1400  }
.LBB2_1:
0x11: {  	[spmem:s13], [sflag:s8] =	dma.local [hbm:s1], $0x2780  }
0x12: {  	_ =	swait.ge [sflag:s14], $0x2780  }
0x13: {  	[sflag:s14] =	ssyncset.done $0x0  }
0x14: {  	[sflag:s14] =	ssyncadd.s32 $0xFFFFD880  }
0x15: {  	s25 =	simm.s32 $0x0;
	[bflag:$0x0] =	sbarrier.arrive $0xFFFF  }
.LBB2_2:
0x16: {  	s26 =	smul.u32 $0x28, s25;
	_ =	sdelay $0x1  }
0x17: {  	s26 =	sadd.s32 s9, s26  }
0x18: {  	s28 =	sadd.s32 s10, s26  }
0x19: {  	s28 =	sshll.u32 s28, $0x4  }
0x1a: {  	s29 =	simm.s32 $0x0;
	s28 =	sadd.s32 s6, s28  }
0x1b: {  	[tilespmem:s29], [sflag:$0x5] =	stream.linear.gather [hbm4b:s28+s29], $0x1400, $0x38;
	[tilespmem:$0x1E400] =	vst v63  }
0x1c: {  	_ =	swait.ge [sflag:s14], $0x1400  }
0x1d: {  	s26 =	sshll.u32 s26, $0x4;
	[sflag:s14] =	ssyncset.done $0x0  }
0x1e: {  	s26 =	sadd.s32 s7, s26;
	[sflag:s14] =	ssyncadd.s32 $0xFFFFEC00  }
0x1f: {  	[tilespmem:s15], [sflag:$0x5] =	stream.linear.gather [hbm4b:s26+s29], $0x1400, $0x38;
	[tilespmem:$0x1E400] =	vst v63  }
0x20: {  	_ =	swait.ge [sflag:s14], $0x1400  }
0x21: {  	[sflag:s14] =	ssyncset.done $0x0  }
0x22: {  	[sflag:s14] =	ssyncadd.s32 $0xFFFFEC00  }
0x23: {  	[tilespmem:s17], [sflag:$0x1] =	stream.indirect.gather [hbm4b:s5+s16], $0x80, s29, s16, $0xb8;
	[tilespmem:$0x1E400] =	vst v63  }
0x24: {  	_ = 	snop  }
0x25: {  	[tilespmem:s18], [sflag:$0x2] =	stream.indirect.gather [hbm4b:s5+s16], $0x80, s16, s16, $0xb8;
	[tilespmem:$0x1E400] =	vst v63  }
0x26: {  	_ =	swait.ge [sflag:s19], $0x4000  }
0x27: {  	[sflag:s19] =	ssyncset.done $0x0  }
0x28: {  	s29 =	simm.s32 $0x1400;
	[sflag:s19] =	ssyncadd.s32 $0xFFFFC000  }
0x29: {  	[spmem:s2] =	stream.indirect.scatter.add.f32 [tilespmem:s17], [sflag:$0x3], $0x80, s29, s16, $0xb8;
	[tilespmem:$0x1E400] =	vst v63  }
0x2a: {  	_ =	swait.ge [sflag:s20], $0x4000  }
0x2b: {  	[sflag:s20] =	ssyncset.done $0x0  }
0x2c: {  	s30 =	simm.s32 $0x1480;
	[sflag:s20] =	ssyncadd.s32 $0xFFFFC000  }
0x2d: {  	[spmem:s2] =	stream.indirect.scatter.add.f32 [tilespmem:s18], [sflag:$0x4], $0x80, s30, s16, $0xb8;
	[tilespmem:$0x1E400] =	vst v63  }
0x2e: {  	_ =	swait.ge [sflag:s21], $0x4000  }
0x2f: {  	[sflag:s21] =	ssyncset.done $0x0  }
0x30: {  	s31 =	simm.s32 $0x100;
	[sflag:s21] =	ssyncadd.s32 $0xFFFFC000  }
0x31: {  	[tilespmem:s17], [sflag:$0x1] =	stream.indirect.gather [hbm4b:s5+s16], $0x80, s31, s16, $0xb8;
	[tilespmem:$0x1E400] =	vst v63  }
0x32: {  	_ =	swait.ge [sflag:s22], $0x4000  }
0x33: {  	[sflag:s22] =	ssyncset.done $0x0  }
0x34: {  	s28 =	simm.s32 $0x180;
	s26 =	simm.s32 $0x400;
	[sflag:s22] =	ssyncadd.s32 $0xFFFFC000  }
.LBB2_3:
0x35: {  	[tilespmem:s18], [sflag:$0x2] =	stream.indirect.gather [hbm4b:s5+s16], $0x80, s28, s16, $0xb8;
	[tilespmem:$0x1E400] =	vst v63  }
0x36: {  	s28 =	smov.u32 s26  }
0x37: {  	p0 =	sne.s32 s26, $0x4800;
	s26 =	sadd.s32 $0x400, s26;
	_ =	swait.ge [sflag:s19], $0x4000  }
0x38: {  	s28 =	sshra.s32 s28, $0x2;
	[sflag:s19] =	ssyncset.done $0x0  }
0x39: {  	s29 =	sadd.s32 $0x1400, s28;
	[sflag:s19] =	ssyncadd.s32 $0xFFFFC000  }
0x3a: {  	[spmem:s2] =	stream.indirect.scatter.add.f32 [tilespmem:s17], [sflag:$0x3], $0x80, s29, s16, $0xb8;
	[tilespmem:$0x1E400] =	vst v63  }
0x3b: {  	_ =	swait.ge [sflag:s20], $0x4000  }
0x3c: {  	[sflag:s20] =	ssyncset.done $0x0  }
0x3d: {  	s29 =	sadd.s32 $0x1480, s28;
	[sflag:s20] =	ssyncadd.s32 $0xFFFFC000  }
0x3e: {  	[spmem:s2] =	stream.indirect.scatter.add.f32 [tilespmem:s18], [sflag:$0x4], $0x80, s29, s16, $0xb8;
	[tilespmem:$0x1E400] =	vst v63  }
0x3f: {  	_ =	swait.ge [sflag:s21], $0x4000  }
0x40: {  	[sflag:s21] =	ssyncset.done $0x0  }
.Ltmp0:
0x41: {  	s29 =	sadd.s32 $0x100, s28;
	[sflag:s21] =	ssyncadd.s32 $0xFFFFC000;
	(pc) =	sbr.rel @p0 .LBB2_3-.Ltmp0, $4  }
0x42: {  	[tilespmem:s17], [sflag:$0x1] =	stream.indirect.gather [hbm4b:s5+s16], $0x80, s29, s16, $0xb8;
	[tilespmem:$0x1E400] =	vst v63  }
0x43: {  	_ =	swait.ge [sflag:s22], $0x4000  }
0x44: {  	[sflag:s22] =	ssyncset.done $0x0  }
0x45: {  	s28 =	sadd.s32 $0x180, s28;
	[sflag:s22] =	ssyncadd.s32 $0xFFFFC000  }
0x46: {  	[tilespmem:s18], [sflag:$0x2] =	stream.indirect.gather [hbm4b:s5+s16], $0x80, s28, s16, $0xb8;
	[tilespmem:$0x1E400] =	vst v63  }
0x47: {  	_ =	swait.ge [sflag:s19], $0x4000  }
0x48: {  	[sflag:s19] =	ssyncset.done $0x0  }
0x49: {  	[sflag:s19] =	ssyncadd.s32 $0xFFFFC000  }
0x4a: {  	[spmem:s2] =	stream.indirect.scatter.add.f32 [tilespmem:s17], [sflag:$0x3], $0x80, s23, s16, $0xb8;
	[tilespmem:$0x1E400] =	vst v63  }
0x4b: {  	_ =	swait.ge [sflag:s20], $0x4000  }
0x4c: {  	[sflag:s20] =	ssyncset.done $0x0  }
0x4d: {  	s25 =	sadd.s32 $0x1, s25;
	[sflag:s20] =	ssyncadd.s32 $0xFFFFC000  }
0x4e: {  	[spmem:s2] =	stream.indirect.scatter.add.f32 [tilespmem:s18], [sflag:$0x4], $0x80, s24, s16, $0xb8;
	[tilespmem:$0x1E400] =	vst v63  }
0x4f: {  	p0 =	sne.s32 s25, $0x4;
	_ =	swait.ge [sflag:s21], $0x4000  }
.Ltmp1:
0x50: {  	[sflag:s21] =	ssyncset.done $0x0;
	(pc) =	sbr.rel @p0 .LBB2_2-.Ltmp1, $4  }
0x51: {  	[sflag:s21] =	ssyncadd.s32 $0xFFFFC000  }
0x52: {  	_ =	swait.ge [sflag:s22], $0x4000  }
0x53: {  	[sflag:s22] =	ssyncset.done $0x0  }
0x54: {  	[sflag:s22] =	ssyncadd.s32 $0xFFFFC000  }
0x55: {  	s4 =	sadd.s32 $0x1, s4  }
0x56: {  	p0 =	sne.s32 s4, s12  }
.Ltmp2:
0x57: {  	[bflag:$0x0] =	sbarrier.arrive $0xFFFF;
	(pc) =	sbr.rel @p0 .LBB2_1-.Ltmp2, $4  }
0x58: {  	[hbm:s11], [sflag:s8] =	dma.local [spmem:s13], $0x2780  }
0x59: {  	_ =	swait.ge [sflag:s14], $0x2780  }
0x5a: {  	[sflag:s14] =	ssyncset.done $0x0  }
0x5b: {  	[sflag:s14] =	ssyncadd.s32 $0xFFFFD880  }
0x5c: {  	_ =	sfence.sel $0x180000  }
0x5d: {  	[bflag:$0x0] =	sbarrier.arrive $0xFFFF  }
0x5e: {  	p0 =	sne.s32 s3, $0x0;
	_ =	strace $0x90000053  }
0x5f: {  	s0 =	sadd.s32 @!p0 $0x100000, s0;
	[bflag:$0x2] =	sbarrier.arrive $0xFFFF  }
0x60: {  	[sflag:s0] =	ssyncadd.tile.s32 @!p0 $0x1;
	_ =	shalt  }
.Lfunc_end2:
_tile_overlayer_lowered:
.L_overlay_start_2:
0x61: {  	(tag) =	ssettag $0x2  }
0x62: {  	s0 =	rddreg [dreg:$0x0];
	s2 =	stileid.u32  }
0x63: {  	s1 =	rddreg [dreg:$0x1];
	p0 =	sne.s32 s2, $0x0  }
0x64: {  	s3 =	rddreg [dreg:$0x2];
	[bflag:$0x3] =	sbarrier.arrive $0xFFFF;
	s2 =	simm.s32 @!p0 $0x1C05  }
0x65: {  	[timem:s3], [sflag:s2] =	dma.local @!p0 [hbm:s0], s1  }
0x66: {  	s0 =	simm.s32 @!p0 $0x5  }
0x67: {  	_ =	swait.ge @!p0 [sflag:s0], s1  }
0x68: {  	s1 =	ssub.s32 @!p0 $0x0, s1;
	[sflag:s0] =	ssyncset.done @!p0 $0x0  }
0x69: {  	[sflag:s0] =	ssyncadd.s32 @!p0 s1  }
0x6a: {  	[bflag:$0x3] =	sbarrier.arrive $0xFFFF  }
0x6b: {  	_ =	shalt  }

// kernel: sc_segsum.6.cloned.1.call-start
scs
__scs_entry_jumppad:
0x0: {  	(pc) =	sbr.rel $0x88, $3  }
0x1: {  	(tag) =	ssettag $0x0;
	lr =	simm.s32 $0x1  }
0x2: {  	[smem:$0x3F81] =	sst lr;
	_ =	strace $0xD0000000  }
0x3: {  	_ = 	snop  }
0x4: {  	_ = 	snop  }
0x5: {  	_ = 	snop  }
0x6: {  	_ = 	snop  }
0x7: {  	_ = 	snop  }
__scs_overlays_trampoline_lowered:
0x8: {  	[smem:$0x3F90] =	sst s0  }
0x9: {  	[smem:$0x3F91] =	sst s1  }
0xa: {  	[smem:$0x3F92] =	sst s2  }
0xb: {  	[smem:$0x3F93] =	sst s3  }
0xc: {  	[smem:$0x3F94] =	sst s4  }
0xd: {  	[smem:$0x3F95] =	sst s5  }
0xe: {  	[smem:$0x3F96] =	sst s6  }
0xf: {  	[smem:$0x3F97] =	sst s7  }
0x10: {  	[smem:$0x3F98] =	sst s8  }
0x11: {  	[smem:$0x3F99] =	sst s9;
	s0 =	simm.s32 @!p0 $0x0  }
0x12: {  	s1 =	sld [smem:$0x3F7F];
	s0 =	simm.s32 @p0 $0x1  }
0x13: {  	[smem:$0x3F9A] =	sst s0;
	s0 =	simm.s32 @!p1 $0x0  }
0x14: {  	s2 =	sld [smem:$0x3F7E];
	s0 =	simm.s32 @p1 $0x1  }
0x15: {  	[smem:$0x3F9B] =	sst s0;
	s0 =	simm.s32 @!p2 $0x0  }
0x16: {  	s3 =	sld [smem:$0x3FDB];
	s0 =	simm.s32 @p2 $0x1  }
0x17: {  	s4 =	simm.s32 $0x1BF5;
	[smem:$0x3F9D] =	sst s0  }
0x18: {  	s0 =	sld [smem:$0x3F80];
	_ =	swait.ge [sflag:s4], $0x0  }
0x19: {  	s7 =	sld [smem:$0x3F81]  }
0x1a: {  	s8 =	sadd.s32 $0xFFFFE003, lr  }
0x1b: {  	s9 =	sadd.s32 $0xFFFFFEF7, lr;
	s5 =	simm.s32 $0xFFFFFFFF;
	p2 =	slt.u32 s8, $0xFFFFF086  }
0x1c: {  	p1 =	slt.u32 s9, $0xF7A;
	s5 =	simm.s32 @!p2 $0x0  }
0x1d: {  	s5 =	simm.s32 @p1 $0x1;
	p0 =	seq.s32 s7, s2  }
0x1e: {  	s7 =	smul.u32 @!p0 $0xF7A, s2;
	p2 =	seq.s32 @!p0 s5, $0x0  }
0x1f: {  	s9 =	smul.u32 $0xF7A, s1;
	s8 =	simm.s32 @!p0 $0x1BF5;
	p2 =	por !p2, p0  }
0x20: {  	[sflag:s8] =	ssyncset.s32 @!p0 $0xFFFFF086;
	s6 =	sadd.s32 @!p0 s3, s7;
	s7 =	simm.s32 @!p0 $0x108  }
0x21: {  	s3 =	sadd.s32 s3, s9;
	s6 =	sadd.s32 @!p0 $0x88, s6;
	s7 =	simm.s32 @p2 $0x1082  }
0x22: {  	[simem:s7], [sflag:s8] =	dma.local @!p0 [hbm:s6], $0xF7A  }
0x23: {  	s9 =	sor.u32 $0xD0000000, s2;
	s6 =	simm.s32 $0x108;
	_ =	swait.ge @!p0 [sflag:s8], $0x0  }
0x24: {  	s3 =	sadd.s32 $0x88, s3;
	s6 =	simm.s32 @!p1 $0x1082;
	[sflag:s4] =	ssyncset.s32 $0xFFFFF086  }
0x25: {  	[simem:s6], [sflag:s4] =	dma.local [hbm:s3], $0xF7A  }
0x26: {  	[smem:$0x3F81] =	sst s1;
	(tag) =	ssettag s2;
	_ =	strace s9  }
0x27: {  	s1 =	sld [smem:$0x3F91]  }
0x28: {  	s2 =	sld [smem:$0x3F92]  }
0x29: {  	s4 =	sld [smem:$0x3F94]  }
0x2a: {  	p0 =	seq.s32 s5, $0x0;
	s5 =	sld [smem:$0x3F95]  }
0x2b: {  	s6 =	sld [smem:$0x3F96]  }
0x2c: {  	s7 =	sld [smem:$0x3F97]  }
0x2d: {  	s3 =	simm.s32 $0x108;
	s8 =	sld [smem:$0x3F98]  }
0x2e: {  	s3 =	simm.s32 @!p0 $0x1082;
	s9 =	sld [smem:$0x3F99]  }
0x2f: {  	lr =	sadd.s32 s0, s3;
	s0 =	sld [smem:$0x3F90]  }
0x30: {  	s3 =	sld [smem:$0x3F93]  }
0x31: {  	[smem:$0x3F9C] =	sst s10  }
0x32: {  	s10 =	sld [smem:$0x3F9A];
	_ =	sdelay $0x3  }
0x33: {  	p0 =	seq.s32 s10, $0x1;
	s10 =	sld [smem:$0x3F9C];
	_ =	sdelay $0x3  }
0x34: {  	[smem:$0x3F9C] =	sst s10  }
0x35: {  	s10 =	sld [smem:$0x3F9B];
	_ =	sdelay $0x3  }
0x36: {  	p1 =	seq.s32 s10, $0x1;
	s10 =	sld [smem:$0x3F9C];
	_ =	sdelay $0x3  }
0x37: {  	[smem:$0x3F9C] =	sst s10  }
0x38: {  	s10 =	sld [smem:$0x3F9D]  }
0x39: {  	_ = 	snop;
	(pc) =	sbr.ind lr, $3  }
0x3a: {  	_ = 	snop  }
0x3b: {  	_ = 	snop  }
0x3c: {  	p2 =	seq.s32 s10, $0x1;
	s10 =	sld [smem:$0x3F9C]  }
0x3d: {  	_ =	shalt  }
0x3e: {  	_ =	shalt  }
0x3f: {  	_ =	shalt  }
0x40: {  	_ =	shalt  }
0x41: {  	_ =	shalt  }
0x42: {  	_ =	shalt  }
0x43: {  	_ =	shalt  }
0x44: {  	_ =	shalt  }
0x45: {  	_ =	shalt  }
0x46: {  	_ =	shalt  }
0x47: {  	_ =	shalt  }
0x48: {  	_ =	shalt  }
0x49: {  	_ =	shalt  }
0x4a: {  	_ =	shalt  }
0x4b: {  	_ =	shalt  }
0x4c: {  	_ =	shalt  }
0x4d: {  	_ =	shalt  }
0x4e: {  	_ =	shalt  }
0x4f: {  	_ =	shalt  }
0x50: {  	_ =	shalt  }
0x51: {  	_ =	shalt  }
0x52: {  	_ =	shalt  }
0x53: {  	_ =	shalt  }
0x54: {  	_ =	shalt  }
0x55: {  	_ =	shalt  }
0x56: {  	_ =	shalt  }
0x57: {  	_ =	shalt  }
0x58: {  	_ =	shalt  }
0x59: {  	_ =	shalt  }
0x5a: {  	_ =	shalt  }
0x5b: {  	_ =	shalt  }
0x5c: {  	_ =	shalt  }
0x5d: {  	_ =	shalt  }
0x5e: {  	_ =	shalt  }
0x5f: {  	_ =	shalt  }
0x60: {  	_ =	shalt  }
0x61: {  	_ =	shalt  }
0x62: {  	_ =	shalt  }
0x63: {  	_ =	shalt  }
0x64: {  	_ =	shalt  }
0x65: {  	_ =	shalt  }
0x66: {  	_ =	shalt  }
0x67: {  	_ =	shalt  }
0x68: {  	_ =	shalt  }
0x69: {  	_ =	shalt  }
0x6a: {  	_ =	shalt  }
0x6b: {  	_ =	shalt  }
0x6c: {  	_ =	shalt  }
0x6d: {  	_ =	shalt  }
0x6e: {  	_ =	shalt  }
0x6f: {  	_ =	shalt  }
0x70: {  	_ =	shalt  }
0x71: {  	_ =	shalt  }
0x72: {  	_ =	shalt  }
0x73: {  	_ =	shalt  }
0x74: {  	_ =	shalt  }
0x75: {  	_ =	shalt  }
0x76: {  	_ =	shalt  }
0x77: {  	_ =	shalt  }
0x78: {  	_ =	shalt  }
0x79: {  	_ =	shalt  }
0x7a: {  	_ =	shalt  }
0x7b: {  	_ =	shalt  }
0x7c: {  	_ =	shalt  }
0x7d: {  	_ =	shalt  }
0x7e: {  	_ =	shalt  }
0x7f: {  	_ =	shalt  }
0x80: {  	_ =	shalt  }
0x81: {  	_ =	shalt  }
0x82: {  	_ =	shalt  }
0x83: {  	_ =	shalt  }
0x84: {  	_ =	shalt  }
0x85: {  	_ =	shalt  }
0x86: {  	_ =	shalt  }
0x87: {  	_ =	shalt  }
.Lfunc_end0:
.L_simem_size_0:
called_computation.1_lowered:
.L_overlay_start_0:
0x88: {  	s2 =	sld [smem:$0x3FD9]  }
0x89: {  	s3 =	sld [smem:$0x3FFE];
	_ =	sdelay $0x1  }
0x8a: {  	s1 =	srdreg.scid  }
0x8b: {  	s0 =	sand.u32 $0x1, s1  }
0x8c: {  	s17 =	sshll.u32 s0, $0xA;
	s2 =	sadd.s32 s3, s2  }
0x8d: {  	s2 =	sadd.s32 s2, s17  }
0x8e: {  	[smem:$0x3FA8] =	sst s2  }
0x8f: {  	_ = 	snop  }
0x90: {  	s2 =	sld [smem:$0x3FD0];
	(tm) =	ssettm $0x1  }
0x91: {  	s18 =	sld [smem:$0x3FFB];
	_ =	sdelay $0x3  }
0x92: {  	_ =	strace s18  }
0x93: {  	s3 =	sld [smem:$0x3FFC];
	_ =	sdelay $0x3  }
0x94: {  	_ =	strace s3  }
0x95: {  	s3 =	sld [smem:$0x3FFD];
	_ =	sdelay $0x3  }
0x96: {  	_ =	strace s3  }
0x97: {  	_ =	strace $0x8FFFFFFF  }
0x98: {  	s19 =	sld [smem:$0x3FDB];
	_ =	sdelay $0x1  }
0x99: {  	s4 =	simm.s32 $_scs_section_size  }
0x9a: {  	s5 =	simm.s32 $_size__tile_overlayer_lowered;
	s6 =	simm.s32 $_tile_overlayer_lowered  }
0x9b: {  	s22 =	simm.s32 $0x1BFF;
	s21 =	sshll.u32 s6, $0x1;
	s3 =	sadd.s32 s4, s19  }
0x9c: {  	s7 =	simm.s32 $0x0;
	s20 =	sshll.u32 s5, $0x1;
	s5 =	sadd.s32 s21, s3  }
0x9d: {  	[timem:s7], [sflag:s22] =	dma.local [hbm:s5], s20  }
0x9e: {  	_ =	swait.ge [sflag:s22], s20  }
0x9f: {  	s4 =	ssub.s32 $0x0, s20;
	[sflag:s22] =	ssyncset.done $0x0  }
0xa0: {  	[sflag:s22] =	ssyncadd.s32 s4;
	_ =	sdelay $0x1  }
0xa1: {  	s23 =	simm.s32 $0x1B8B  }
0xa2: {  	_ =	swait.ge [sflag:s23], $0x1  }
0xa3: {  	[sflag:s23] =	ssyncset.done $0x0  }
0xa4: {  	s25 =	simm.s32 $0x1B8E;
	s24 =	sld [smem:$0x3FFE];
	[sflag:s23] =	ssyncadd.s32 $0xFFFFFFFF  }
0xa5: {  	s26 =	simm.s32 $execute0_lowered;
	[smem:$0x3FD2] =	sst s25  }
0xa6: {  	s5 =	sshll.u32 s26, $0x1;
	_ =	strace $0x80000046;
	[dreg:$0x1] =	wrdreg $0xFFFFFFFF  }
0xa7: {  	s28 =	simm.s32 $_size_execute0_lowered;
	s3 =	sadd.s32 s3, s5;
	[dreg:$0x0] =	wrdreg $0x0  }
0xa8: {  	s5 =	sshll.u32 s28, $0x1;
	[dreg:$0x2] =	wrdreg s3  }
0xa9: {  	[dreg:$0x3] =	wrdreg s5  }
0xaa: {  	[dreg:$0x4] =	wrdreg $0xC0  }
0xab: {  	_ =	task [dreg:s7], $0x5FFFF  }
0xac: {  	[dreg:$0x1] =	wrdreg $0xFFFFFFFF  }
0xad: {  	[dreg:$0x0] =	wrdreg $0x60  }
0xae: {  	[dreg:$0x2] =	wrdreg s24  }
0xaf: {  	[dreg:$0x3] =	wrdreg s2  }
0xb0: {  	[dreg:$0x4] =	wrdreg $0xA8000  }
0xb1: {  	[dreg:$0x5] =	wrdreg $0xA  }
0xb2: {  	_ =	task.clear_ibuf [dreg:s7], $0x6FFFF;
	_ =	strace $0x90000046  }
0xb3: {  	s29 =	simm.s32 $0xA;
	_ =	strace $0x80000048  }
0xb4: {  	_ =	swait.ge [sflag:s29], $0x1  }
0xb5: {  	[sflag:s29] =	ssyncadd.s32 $0xFFFFFFFF  }
0xb6: {  	_ =	strace $0x90000048  }
0xb7: {  	_ =	sfence  }
0xb8: {  	s30 =	sld [smem:$0x0];
	_ =	sdelay $0x2  }
0xb9: {  	s31 =	sshll.u32 s1, $0xD;
	s1 =	sshrl.u32 s1, $0x2  }
0xba: {  	s3 =	sand.u32 $0x4000, s31;
	s1 =	sadd.s32 s1, s30  }
0xbb: {  	s0 =	sor.u32 s3, s0;
	s1 =	sshll.u32 s1, $0x11  }
0xbc: {  	s0 =	sor.u32 s1, s0  }
0xbd: {  	s0 =	sadd.s32 $0x8F2B, s0  }
0xbe: {  	[sflag:s0] =	ssyncadd.remote.s32 $0x1  }
0xbf: {  	_ =	sfence.sel $0xFFFF  }
0xc0: {  	[dreg:$0x0] =	wrdreg $0xFFFFFFFF;
	(pc) =	sbr.abs _section_cstart, $3  }
0xc1: {  	[dreg:$0x1] =	wrdreg $0xFFFFFFFF  }
0xc2: {  	_ =	task.clear_ibuf [dreg:s7], $0x2FFFF;
	_ =	strace $0x9FFFFFFF  }
0xc3: {  	(tm) =	ssettm $0x7FFFFFFF  }
tec
execute0_lowered:
.L_overlay_start_1:
0x0: {  	(tag) =	ssettag $0x1  }
0x1: {  	s8 =	rddreg [dreg:$0x0]  }
0x2: {  	s1 =	rddreg [dreg:$0x1]  }
0x3: {  	s2 =	rddreg [dreg:$0x2]  }
0x4: {  	s3 =	srdreg.scid;
	s0 =	rddreg [dreg:$0x3];
	s4 =	simm.s32 $0x0  }
0x5: {  	s16 =	simm.s32 $0x80;
	s17 =	simm.s32 $0x2800;
	s18 =	simm.s32 $0x6800  }
0x6: {  	s19 =	simm.s32 $0x1;
	s20 =	simm.s32 $0x2;
	s21 =	simm.s32 $0x3  }
0x7: {  	s22 =	simm.s32 $0x4;
	s23 =	simm.s32 $0x2700;
	s24 =	simm.s32 $0x2780  }
0x8: {  	s10 =	sand.u32 $0x1, s3;
	s3 =	stileid.u32;
	[smem:$0x7FF] =	sst s4  }
0x9: {  	s5 =	sadd.s32 $0x26800, s8;
	s6 =	sadd.s32 $0x12800, s8;
	s7 =	smul.u32 $0x13C000, s10  }
0xa: {  	s9 =	smul.u32 $0x13C00, s3;
	_ =	strace $0x80000047;
	s11 =	ssub.s32 $0x2, s10  }
0xb: {  	s12 =	smul.u32 $0x4F000, s3;
	s31 =	sshll.u32 s3, $0x6;
	s29 =	sshrl.u32 s11, $0x1  }
0xc: {  	s10 =	smul.u32 $0xA00, s10;
	s7 =	sadd.s32 s9, s7;
	s14 =	ssub.s32 s11, s29  }
0xd: {  	s30 =	sshrl.u32 s12, $0x2;
	s9 =	sshrl.u32 s7, $0x3;
	s7 =	sadd.s32 $0x8800, s8  }
0xe: {  	s15 =	sadd.s32 s30, s2;
	s12 =	smax.u32 s14, $0x1;
	s14 =	simm.s32 $0x5  }
0xf: {  	s13 =	sadd.s32 s9, s8;
	s8 =	sor.u32 $0x1C05, s31;
	s9 =	smul.u32 $0xA0, s3  }
0x10: {  	s11 =	sadd.s32 $0x74A00, s13;
	s13 =	sshrl.u32 s15, $0x3;
	s15 =	simm.s32 $0x1400  }
.LBB2_1:
0x11: {  	[spmem:s13], [sflag:s8] =	dma.local [hbm:s1], $0x2780  }
0x12: {  	_ =	swait.ge [sflag:s14], $0x2780  }
0x13: {  	[sflag:s14] =	ssyncset.done $0x0  }
0x14: {  	[sflag:s14] =	ssyncadd.s32 $0xFFFFD880  }
0x15: {  	s25 =	simm.s32 $0x0;
	[bflag:$0x0] =	sbarrier.arrive $0xFFFF  }
.LBB2_2:
0x16: {  	s26 =	smul.u32 $0x28, s25;
	_ =	sdelay $0x1  }
0x17: {  	s26 =	sadd.s32 s9, s26  }
0x18: {  	s28 =	sadd.s32 s10, s26  }
0x19: {  	s28 =	sshll.u32 s28, $0x4  }
0x1a: {  	s29 =	simm.s32 $0x0;
	s28 =	sadd.s32 s6, s28  }
0x1b: {  	[tilespmem:s29], [sflag:$0x5] =	stream.linear.gather [hbm4b:s28+s29], $0x1400, $0x38;
	[tilespmem:$0x1E400] =	vst v63  }
0x1c: {  	_ =	swait.ge [sflag:s14], $0x1400  }
0x1d: {  	s26 =	sshll.u32 s26, $0x4;
	[sflag:s14] =	ssyncset.done $0x0  }
0x1e: {  	s26 =	sadd.s32 s7, s26;
	[sflag:s14] =	ssyncadd.s32 $0xFFFFEC00  }
0x1f: {  	[tilespmem:s15], [sflag:$0x5] =	stream.linear.gather [hbm4b:s26+s29], $0x1400, $0x38;
	[tilespmem:$0x1E400] =	vst v63  }
0x20: {  	_ =	swait.ge [sflag:s14], $0x1400  }
0x21: {  	[sflag:s14] =	ssyncset.done $0x0  }
0x22: {  	[sflag:s14] =	ssyncadd.s32 $0xFFFFEC00  }
0x23: {  	[tilespmem:s17], [sflag:$0x1] =	stream.indirect.gather [hbm4b:s5+s16], $0x80, s29, s16, $0xb8;
	[tilespmem:$0x1E400] =	vst v63  }
0x24: {  	_ = 	snop  }
0x25: {  	[tilespmem:s18], [sflag:$0x2] =	stream.indirect.gather [hbm4b:s5+s16], $0x80, s16, s16, $0xb8;
	[tilespmem:$0x1E400] =	vst v63  }
0x26: {  	_ =	swait.ge [sflag:s19], $0x4000  }
0x27: {  	[sflag:s19] =	ssyncset.done $0x0  }
0x28: {  	s29 =	simm.s32 $0x1400;
	[sflag:s19] =	ssyncadd.s32 $0xFFFFC000  }
0x29: {  	[spmem:s2] =	stream.indirect.scatter.add.f32 [tilespmem:s17], [sflag:$0x3], $0x80, s29, s16, $0xb8;
	[tilespmem:$0x1E400] =	vst v63  }
0x2a: {  	_ =	swait.ge [sflag:s20], $0x4000  }
0x2b: {  	[sflag:s20] =	ssyncset.done $0x0  }
0x2c: {  	s30 =	simm.s32 $0x1480;
	[sflag:s20] =	ssyncadd.s32 $0xFFFFC000  }
0x2d: {  	[spmem:s2] =	stream.indirect.scatter.add.f32 [tilespmem:s18], [sflag:$0x4], $0x80, s30, s16, $0xb8;
	[tilespmem:$0x1E400] =	vst v63  }
0x2e: {  	_ =	swait.ge [sflag:s21], $0x4000  }
0x2f: {  	[sflag:s21] =	ssyncset.done $0x0  }
0x30: {  	s31 =	simm.s32 $0x100;
	[sflag:s21] =	ssyncadd.s32 $0xFFFFC000  }
0x31: {  	[tilespmem:s17], [sflag:$0x1] =	stream.indirect.gather [hbm4b:s5+s16], $0x80, s31, s16, $0xb8;
	[tilespmem:$0x1E400] =	vst v63  }
0x32: {  	_ =	swait.ge [sflag:s22], $0x4000  }
0x33: {  	[sflag:s22] =	ssyncset.done $0x0  }
0x34: {  	s28 =	simm.s32 $0x180;
	s26 =	simm.s32 $0x400;
	[sflag:s22] =	ssyncadd.s32 $0xFFFFC000  }
.LBB2_3:
0x35: {  	[tilespmem:s18], [sflag:$0x2] =	stream.indirect.gather [hbm4b:s5+s16], $0x80, s28, s16, $0xb8;
	[tilespmem:$0x1E400] =	vst v63  }
0x36: {  	s28 =	smov.u32 s26  }
0x37: {  	p0 =	sne.s32 s26, $0x4800;
	s26 =	sadd.s32 $0x400, s26;
	_ =	swait.ge [sflag:s19], $0x4000  }
0x38: {  	s28 =	sshra.s32 s28, $0x2;
	[sflag:s19] =	ssyncset.done $0x0  }
0x39: {  	s29 =	sadd.s32 $0x1400, s28;
	[sflag:s19] =	ssyncadd.s32 $0xFFFFC000  }
0x3a: {  	[spmem:s2] =	stream.indirect.scatter.add.f32 [tilespmem:s17], [sflag:$0x3], $0x80, s29, s16, $0xb8;
	[tilespmem:$0x1E400] =	vst v63  }
0x3b: {  	_ =	swait.ge [sflag:s20], $0x4000  }
0x3c: {  	[sflag:s20] =	ssyncset.done $0x0  }
0x3d: {  	s29 =	sadd.s32 $0x1480, s28;
	[sflag:s20] =	ssyncadd.s32 $0xFFFFC000  }
0x3e: {  	[spmem:s2] =	stream.indirect.scatter.add.f32 [tilespmem:s18], [sflag:$0x4], $0x80, s29, s16, $0xb8;
	[tilespmem:$0x1E400] =	vst v63  }
0x3f: {  	_ =	swait.ge [sflag:s21], $0x4000  }
0x40: {  	[sflag:s21] =	ssyncset.done $0x0  }
.Ltmp0:
0x41: {  	s29 =	sadd.s32 $0x100, s28;
	[sflag:s21] =	ssyncadd.s32 $0xFFFFC000;
	(pc) =	sbr.rel @p0 .LBB2_3-.Ltmp0, $4  }
0x42: {  	[tilespmem:s17], [sflag:$0x1] =	stream.indirect.gather [hbm4b:s5+s16], $0x80, s29, s16, $0xb8;
	[tilespmem:$0x1E400] =	vst v63  }
0x43: {  	_ =	swait.ge [sflag:s22], $0x4000  }
0x44: {  	[sflag:s22] =	ssyncset.done $0x0  }
0x45: {  	s28 =	sadd.s32 $0x180, s28;
	[sflag:s22] =	ssyncadd.s32 $0xFFFFC000  }
0x46: {  	[tilespmem:s18], [sflag:$0x2] =	stream.indirect.gather [hbm4b:s5+s16], $0x80, s28, s16, $0xb8;
	[tilespmem:$0x1E400] =	vst v63  }
0x47: {  	_ =	swait.ge [sflag:s19], $0x4000  }
0x48: {  	[sflag:s19] =	ssyncset.done $0x0  }
0x49: {  	[sflag:s19] =	ssyncadd.s32 $0xFFFFC000  }
0x4a: {  	[spmem:s2] =	stream.indirect.scatter.add.f32 [tilespmem:s17], [sflag:$0x3], $0x80, s23, s16, $0xb8;
	[tilespmem:$0x1E400] =	vst v63  }
0x4b: {  	_ =	swait.ge [sflag:s20], $0x4000  }
0x4c: {  	[sflag:s20] =	ssyncset.done $0x0  }
0x4d: {  	s25 =	sadd.s32 $0x1, s25;
	[sflag:s20] =	ssyncadd.s32 $0xFFFFC000  }
0x4e: {  	[spmem:s2] =	stream.indirect.scatter.add.f32 [tilespmem:s18], [sflag:$0x4], $0x80, s24, s16, $0xb8;
	[tilespmem:$0x1E400] =	vst v63  }
0x4f: {  	p0 =	sne.s32 s25, $0x4;
	_ =	swait.ge [sflag:s21], $0x4000  }
.Ltmp1:
0x50: {  	[sflag:s21] =	ssyncset.done $0x0;
	(pc) =	sbr.rel @p0 .LBB2_2-.Ltmp1, $4  }
0x51: {  	[sflag:s21] =	ssyncadd.s32 $0xFFFFC000  }
0x52: {  	_ =	swait.ge [sflag:s22], $0x4000  }
0x53: {  	[sflag:s22] =	ssyncset.done $0x0  }
0x54: {  	[sflag:s22] =	ssyncadd.s32 $0xFFFFC000  }
0x55: {  	s4 =	sadd.s32 $0x1, s4  }
0x56: {  	p0 =	sne.s32 s4, s12  }
.Ltmp2:
0x57: {  	[bflag:$0x0] =	sbarrier.arrive $0xFFFF;
	(pc) =	sbr.rel @p0 .LBB2_1-.Ltmp2, $4  }
0x58: {  	[hbm:s11], [sflag:s8] =	dma.local [spmem:s13], $0x2780  }
0x59: {  	_ =	swait.ge [sflag:s14], $0x2780  }
0x5a: {  	[sflag:s14] =	ssyncset.done $0x0  }
0x5b: {  	[sflag:s14] =	ssyncadd.s32 $0xFFFFD880  }
0x5c: {  	_ =	sfence.sel $0x180000  }
0x5d: {  	[bflag:$0x0] =	sbarrier.arrive $0xFFFF  }
0x5e: {  	p0 =	sne.s32 s3, $0x0;
	_ =	strace $0x90000047  }
0x5f: {  	s0 =	sadd.s32 @!p0 $0x100000, s0;
	[bflag:$0x2] =	sbarrier.arrive $0xFFFF  }
0x60: {  	[sflag:s0] =	ssyncadd.tile.s32 @!p0 $0x1;
	_ =	shalt  }
.Lfunc_end2:
_tile_overlayer_lowered:
.L_overlay_start_2:
0x61: {  	(tag) =	ssettag $0x2  }
0x62: {  	s0 =	rddreg [dreg:$0x0];
	s2 =	stileid.u32  }
0x63: {  	s1 =	rddreg [dreg:$0x1];
	p0 =	sne.s32 s2, $0x0  }
0x64: {  	s3 =	rddreg [dreg:$0x2];
	[bflag:$0x3] =	sbarrier.arrive $0xFFFF;
	s2 =	simm.s32 @!p0 $0x1C05  }
0x65: {  	[timem:s3], [sflag:s2] =	dma.local @!p0 [hbm:s0], s1  }
0x66: {  	s0 =	simm.s32 @!p0 $0x5  }
0x67: {  	_ =	swait.ge @!p0 [sflag:s0], s1  }
0x68: {  	s1 =	ssub.s32 @!p0 $0x0, s1;
	[sflag:s0] =	ssyncset.done @!p0 $0x0  }
0x69: {  	[sflag:s0] =	ssyncadd.s32 @!p0 s1  }
0x6a: {  	[bflag:$0x3] =	sbarrier.arrive $0xFFFF  }
0x6b: {  	_ =	shalt  }

// kernel: sc_segsum.9.cloned.1.call-start
scs
__scs_entry_jumppad:
0x0: {  	(pc) =	sbr.rel $0x88, $3  }
0x1: {  	(tag) =	ssettag $0x0;
	lr =	simm.s32 $0x1  }
0x2: {  	[smem:$0x3F81] =	sst lr;
	_ =	strace $0xD0000000  }
0x3: {  	_ = 	snop  }
0x4: {  	_ = 	snop  }
0x5: {  	_ = 	snop  }
0x6: {  	_ = 	snop  }
0x7: {  	_ = 	snop  }
__scs_overlays_trampoline_lowered:
0x8: {  	[smem:$0x3F90] =	sst s0  }
0x9: {  	[smem:$0x3F91] =	sst s1  }
0xa: {  	[smem:$0x3F92] =	sst s2  }
0xb: {  	[smem:$0x3F93] =	sst s3  }
0xc: {  	[smem:$0x3F94] =	sst s4  }
0xd: {  	[smem:$0x3F95] =	sst s5  }
0xe: {  	[smem:$0x3F96] =	sst s6  }
0xf: {  	[smem:$0x3F97] =	sst s7  }
0x10: {  	[smem:$0x3F98] =	sst s8  }
0x11: {  	[smem:$0x3F99] =	sst s9;
	s0 =	simm.s32 @!p0 $0x0  }
0x12: {  	s1 =	sld [smem:$0x3F7F];
	s0 =	simm.s32 @p0 $0x1  }
0x13: {  	[smem:$0x3F9A] =	sst s0;
	s0 =	simm.s32 @!p1 $0x0  }
0x14: {  	s2 =	sld [smem:$0x3F7E];
	s0 =	simm.s32 @p1 $0x1  }
0x15: {  	[smem:$0x3F9B] =	sst s0;
	s0 =	simm.s32 @!p2 $0x0  }
0x16: {  	s3 =	sld [smem:$0x3FDB];
	s0 =	simm.s32 @p2 $0x1  }
0x17: {  	s4 =	simm.s32 $0x1BF5;
	[smem:$0x3F9D] =	sst s0  }
0x18: {  	s0 =	sld [smem:$0x3F80];
	_ =	swait.ge [sflag:s4], $0x0  }
0x19: {  	s7 =	sld [smem:$0x3F81]  }
0x1a: {  	s8 =	sadd.s32 $0xFFFFE003, lr  }
0x1b: {  	s9 =	sadd.s32 $0xFFFFFEF7, lr;
	s5 =	simm.s32 $0xFFFFFFFF;
	p2 =	slt.u32 s8, $0xFFFFF086  }
0x1c: {  	p1 =	slt.u32 s9, $0xF7A;
	s5 =	simm.s32 @!p2 $0x0  }
0x1d: {  	s5 =	simm.s32 @p1 $0x1;
	p0 =	seq.s32 s7, s2  }
0x1e: {  	s7 =	smul.u32 @!p0 $0xF7A, s2;
	p2 =	seq.s32 @!p0 s5, $0x0  }
0x1f: {  	s9 =	smul.u32 $0xF7A, s1;
	s8 =	simm.s32 @!p0 $0x1BF5;
	p2 =	por !p2, p0  }
0x20: {  	[sflag:s8] =	ssyncset.s32 @!p0 $0xFFFFF086;
	s6 =	sadd.s32 @!p0 s3, s7;
	s7 =	simm.s32 @!p0 $0x108  }
0x21: {  	s3 =	sadd.s32 s3, s9;
	s6 =	sadd.s32 @!p0 $0x88, s6;
	s7 =	simm.s32 @p2 $0x1082  }
0x22: {  	[simem:s7], [sflag:s8] =	dma.local @!p0 [hbm:s6], $0xF7A  }
0x23: {  	s9 =	sor.u32 $0xD0000000, s2;
	s6 =	simm.s32 $0x108;
	_ =	swait.ge @!p0 [sflag:s8], $0x0  }
0x24: {  	s3 =	sadd.s32 $0x88, s3;
	s6 =	simm.s32 @!p1 $0x1082;
	[sflag:s4] =	ssyncset.s32 $0xFFFFF086  }
0x25: {  	[simem:s6], [sflag:s4] =	dma.local [hbm:s3], $0xF7A  }
0x26: {  	[smem:$0x3F81] =	sst s1;
	(tag) =	ssettag s2;
	_ =	strace s9  }
0x27: {  	s1 =	sld [smem:$0x3F91]  }
0x28: {  	s2 =	sld [smem:$0x3F92]  }
0x29: {  	s4 =	sld [smem:$0x3F94]  }
0x2a: {  	p0 =	seq.s32 s5, $0x0;
	s5 =	sld [smem:$0x3F95]  }
0x2b: {  	s6 =	sld [smem:$0x3F96]  }
0x2c: {  	s7 =	sld [smem:$0x3F97]  }
0x2d: {  	s3 =	simm.s32 $0x108;
	s8 =	sld [smem:$0x3F98]  }
0x2e: {  	s3 =	simm.s32 @!p0 $0x1082;
	s9 =	sld [smem:$0x3F99]  }
0x2f: {  	lr =	sadd.s32 s0, s3;
	s0 =	sld [smem:$0x3F90]  }
0x30: {  	s3 =	sld [smem:$0x3F93]  }
0x31: {  	[smem:$0x3F9C] =	sst s10  }
0x32: {  	s10 =	sld [smem:$0x3F9A];
	_ =	sdelay $0x3  }
0x33: {  	p0 =	seq.s32 s10, $0x1;
	s10 =	sld [smem:$0x3F9C];
	_ =	sdelay $0x3  }
0x34: {  	[smem:$0x3F9C] =	sst s10  }
0x35: {  	s10 =	sld [smem:$0x3F9B];
	_ =	sdelay $0x3  }
0x36: {  	p1 =	seq.s32 s10, $0x1;
	s10 =	sld [smem:$0x3F9C];
	_ =	sdelay $0x3  }
0x37: {  	[smem:$0x3F9C] =	sst s10  }
0x38: {  	s10 =	sld [smem:$0x3F9D]  }
0x39: {  	_ = 	snop;
	(pc) =	sbr.ind lr, $3  }
0x3a: {  	_ = 	snop  }
0x3b: {  	_ = 	snop  }
0x3c: {  	p2 =	seq.s32 s10, $0x1;
	s10 =	sld [smem:$0x3F9C]  }
0x3d: {  	_ =	shalt  }
0x3e: {  	_ =	shalt  }
0x3f: {  	_ =	shalt  }
0x40: {  	_ =	shalt  }
0x41: {  	_ =	shalt  }
0x42: {  	_ =	shalt  }
0x43: {  	_ =	shalt  }
0x44: {  	_ =	shalt  }
0x45: {  	_ =	shalt  }
0x46: {  	_ =	shalt  }
0x47: {  	_ =	shalt  }
0x48: {  	_ =	shalt  }
0x49: {  	_ =	shalt  }
0x4a: {  	_ =	shalt  }
0x4b: {  	_ =	shalt  }
0x4c: {  	_ =	shalt  }
0x4d: {  	_ =	shalt  }
0x4e: {  	_ =	shalt  }
0x4f: {  	_ =	shalt  }
0x50: {  	_ =	shalt  }
0x51: {  	_ =	shalt  }
0x52: {  	_ =	shalt  }
0x53: {  	_ =	shalt  }
0x54: {  	_ =	shalt  }
0x55: {  	_ =	shalt  }
0x56: {  	_ =	shalt  }
0x57: {  	_ =	shalt  }
0x58: {  	_ =	shalt  }
0x59: {  	_ =	shalt  }
0x5a: {  	_ =	shalt  }
0x5b: {  	_ =	shalt  }
0x5c: {  	_ =	shalt  }
0x5d: {  	_ =	shalt  }
0x5e: {  	_ =	shalt  }
0x5f: {  	_ =	shalt  }
0x60: {  	_ =	shalt  }
0x61: {  	_ =	shalt  }
0x62: {  	_ =	shalt  }
0x63: {  	_ =	shalt  }
0x64: {  	_ =	shalt  }
0x65: {  	_ =	shalt  }
0x66: {  	_ =	shalt  }
0x67: {  	_ =	shalt  }
0x68: {  	_ =	shalt  }
0x69: {  	_ =	shalt  }
0x6a: {  	_ =	shalt  }
0x6b: {  	_ =	shalt  }
0x6c: {  	_ =	shalt  }
0x6d: {  	_ =	shalt  }
0x6e: {  	_ =	shalt  }
0x6f: {  	_ =	shalt  }
0x70: {  	_ =	shalt  }
0x71: {  	_ =	shalt  }
0x72: {  	_ =	shalt  }
0x73: {  	_ =	shalt  }
0x74: {  	_ =	shalt  }
0x75: {  	_ =	shalt  }
0x76: {  	_ =	shalt  }
0x77: {  	_ =	shalt  }
0x78: {  	_ =	shalt  }
0x79: {  	_ =	shalt  }
0x7a: {  	_ =	shalt  }
0x7b: {  	_ =	shalt  }
0x7c: {  	_ =	shalt  }
0x7d: {  	_ =	shalt  }
0x7e: {  	_ =	shalt  }
0x7f: {  	_ =	shalt  }
0x80: {  	_ =	shalt  }
0x81: {  	_ =	shalt  }
0x82: {  	_ =	shalt  }
0x83: {  	_ =	shalt  }
0x84: {  	_ =	shalt  }
0x85: {  	_ =	shalt  }
0x86: {  	_ =	shalt  }
0x87: {  	_ =	shalt  }
.Lfunc_end0:
.L_simem_size_0:
called_computation.2_lowered:
.L_overlay_start_0:
0x88: {  	s2 =	sld [smem:$0x3FD9]  }
0x89: {  	s3 =	sld [smem:$0x3FFE];
	_ =	sdelay $0x1  }
0x8a: {  	s1 =	srdreg.scid  }
0x8b: {  	s0 =	sand.u32 $0x1, s1  }
0x8c: {  	s17 =	sshll.u32 s0, $0xA;
	s2 =	sadd.s32 s3, s2  }
0x8d: {  	s2 =	sadd.s32 s2, s17  }
0x8e: {  	[smem:$0x3FA8] =	sst s2  }
0x8f: {  	_ = 	snop  }
0x90: {  	s2 =	sld [smem:$0x3FD0];
	(tm) =	ssettm $0x1  }
0x91: {  	s18 =	sld [smem:$0x3FFB];
	_ =	sdelay $0x3  }
0x92: {  	_ =	strace s18  }
0x93: {  	s3 =	sld [smem:$0x3FFC];
	_ =	sdelay $0x3  }
0x94: {  	_ =	strace s3  }
0x95: {  	s3 =	sld [smem:$0x3FFD];
	_ =	sdelay $0x3  }
0x96: {  	_ =	strace s3  }
0x97: {  	_ =	strace $0x8FFFFFFF  }
0x98: {  	s19 =	sld [smem:$0x3FDB];
	_ =	sdelay $0x1  }
0x99: {  	s4 =	simm.s32 $_scs_section_size  }
0x9a: {  	s5 =	simm.s32 $_size__tile_overlayer_lowered;
	s6 =	simm.s32 $_tile_overlayer_lowered  }
0x9b: {  	s22 =	simm.s32 $0x1BFF;
	s21 =	sshll.u32 s6, $0x1;
	s3 =	sadd.s32 s4, s19  }
0x9c: {  	s7 =	simm.s32 $0x0;
	s20 =	sshll.u32 s5, $0x1;
	s5 =	sadd.s32 s21, s3  }
0x9d: {  	[timem:s7], [sflag:s22] =	dma.local [hbm:s5], s20  }
0x9e: {  	_ =	swait.ge [sflag:s22], s20  }
0x9f: {  	s4 =	ssub.s32 $0x0, s20;
	[sflag:s22] =	ssyncset.done $0x0  }
0xa0: {  	[sflag:s22] =	ssyncadd.s32 s4;
	_ =	sdelay $0x1  }
0xa1: {  	s23 =	simm.s32 $0x1B8B  }
0xa2: {  	_ =	swait.ge [sflag:s23], $0x1  }
0xa3: {  	[sflag:s23] =	ssyncset.done $0x0  }
0xa4: {  	s25 =	simm.s32 $0x1B8E;
	s24 =	sld [smem:$0x3FFE];
	[sflag:s23] =	ssyncadd.s32 $0xFFFFFFFF  }
0xa5: {  	s26 =	simm.s32 $execute0_lowered;
	[smem:$0x3FD2] =	sst s25  }
0xa6: {  	s5 =	sshll.u32 s26, $0x1;
	_ =	strace $0x8000004C;
	[dreg:$0x1] =	wrdreg $0xFFFFFFFF  }
0xa7: {  	s28 =	simm.s32 $_size_execute0_lowered;
	s3 =	sadd.s32 s3, s5;
	[dreg:$0x0] =	wrdreg $0x0  }
0xa8: {  	s5 =	sshll.u32 s28, $0x1;
	[dreg:$0x2] =	wrdreg s3  }
0xa9: {  	[dreg:$0x3] =	wrdreg s5  }
0xaa: {  	[dreg:$0x4] =	wrdreg $0xC0  }
0xab: {  	_ =	task [dreg:s7], $0x5FFFF  }
0xac: {  	[dreg:$0x1] =	wrdreg $0xFFFFFFFF  }
0xad: {  	[dreg:$0x0] =	wrdreg $0x60  }
0xae: {  	[dreg:$0x2] =	wrdreg s24  }
0xaf: {  	[dreg:$0x3] =	wrdreg s2  }
0xb0: {  	[dreg:$0x4] =	wrdreg $0xA8000  }
0xb1: {  	[dreg:$0x5] =	wrdreg $0x9  }
0xb2: {  	_ =	task.clear_ibuf [dreg:s7], $0x6FFFF;
	_ =	strace $0x9000004C  }
0xb3: {  	s29 =	simm.s32 $0x9;
	_ =	strace $0x8000004E  }
0xb4: {  	_ =	swait.ge [sflag:s29], $0x1  }
0xb5: {  	[sflag:s29] =	ssyncadd.s32 $0xFFFFFFFF  }
0xb6: {  	_ =	strace $0x9000004E  }
0xb7: {  	_ =	sfence  }
0xb8: {  	s30 =	sld [smem:$0x0];
	_ =	sdelay $0x2  }
0xb9: {  	s31 =	sshll.u32 s1, $0xD;
	s1 =	sshrl.u32 s1, $0x2  }
0xba: {  	s3 =	sand.u32 $0x4000, s31;
	s1 =	sadd.s32 s1, s30  }
0xbb: {  	s0 =	sor.u32 s3, s0;
	s1 =	sshll.u32 s1, $0x11  }
0xbc: {  	s0 =	sor.u32 s1, s0  }
0xbd: {  	s0 =	sadd.s32 $0x8F2B, s0  }
0xbe: {  	[sflag:s0] =	ssyncadd.remote.s32 $0x1  }
0xbf: {  	_ =	sfence.sel $0xFFFF  }
0xc0: {  	[dreg:$0x0] =	wrdreg $0xFFFFFFFF;
	(pc) =	sbr.abs _section_cstart, $3  }
0xc1: {  	[dreg:$0x1] =	wrdreg $0xFFFFFFFF  }
0xc2: {  	_ =	task.clear_ibuf [dreg:s7], $0x2FFFF;
	_ =	strace $0x9FFFFFFF  }
0xc3: {  	(tm) =	ssettm $0x7FFFFFFF  }
tec
execute0_lowered:
.L_overlay_start_1:
0x0: {  	(tag) =	ssettag $0x1  }
0x1: {  	s8 =	rddreg [dreg:$0x0]  }
0x2: {  	s1 =	rddreg [dreg:$0x1]  }
0x3: {  	s2 =	rddreg [dreg:$0x2]  }
0x4: {  	s3 =	srdreg.scid;
	s0 =	rddreg [dreg:$0x3];
	s4 =	simm.s32 $0x0  }
0x5: {  	s16 =	simm.s32 $0x80;
	s17 =	simm.s32 $0x2800;
	s18 =	simm.s32 $0x6800  }
0x6: {  	s19 =	simm.s32 $0x1;
	s20 =	simm.s32 $0x2;
	s21 =	simm.s32 $0x3  }
0x7: {  	s22 =	simm.s32 $0x4;
	s23 =	simm.s32 $0x2700;
	s24 =	simm.s32 $0x2780  }
0x8: {  	s10 =	sand.u32 $0x1, s3;
	s3 =	stileid.u32;
	[smem:$0x7FF] =	sst s4  }
0x9: {  	s5 =	sadd.s32 $0x26800, s8;
	s6 =	sadd.s32 $0x12800, s8;
	s7 =	smul.u32 $0x13C000, s10  }
0xa: {  	s9 =	smul.u32 $0x13C00, s3;
	_ =	strace $0x8000004D;
	s11 =	ssub.s32 $0x2, s10  }
0xb: {  	s12 =	smul.u32 $0x4F000, s3;
	s31 =	sshll.u32 s3, $0x6;
	s29 =	sshrl.u32 s11, $0x1  }
0xc: {  	s10 =	smul.u32 $0xA00, s10;
	s7 =	sadd.s32 s9, s7;
	s14 =	ssub.s32 s11, s29  }
0xd: {  	s30 =	sshrl.u32 s12, $0x2;
	s9 =	sshrl.u32 s7, $0x3;
	s7 =	sadd.s32 $0x8800, s8  }
0xe: {  	s15 =	sadd.s32 s30, s2;
	s12 =	smax.u32 s14, $0x1;
	s14 =	simm.s32 $0x5  }
0xf: {  	s13 =	sadd.s32 s9, s8;
	s8 =	sor.u32 $0x1C05, s31;
	s9 =	smul.u32 $0xA0, s3  }
0x10: {  	s11 =	sadd.s32 $0x74A00, s13;
	s13 =	sshrl.u32 s15, $0x3;
	s15 =	simm.s32 $0x1400  }
.LBB2_1:
0x11: {  	[spmem:s13], [sflag:s8] =	dma.local [hbm:s1], $0x2780  }
0x12: {  	_ =	swait.ge [sflag:s14], $0x2780  }
0x13: {  	[sflag:s14] =	ssyncset.done $0x0  }
0x14: {  	[sflag:s14] =	ssyncadd.s32 $0xFFFFD880  }
0x15: {  	s25 =	simm.s32 $0x0;
	[bflag:$0x0] =	sbarrier.arrive $0xFFFF  }
.LBB2_2:
0x16: {  	s26 =	smul.u32 $0x28, s25;
	_ =	sdelay $0x1  }
0x17: {  	s26 =	sadd.s32 s9, s26  }
0x18: {  	s28 =	sadd.s32 s10, s26  }
0x19: {  	s28 =	sshll.u32 s28, $0x4  }
0x1a: {  	s29 =	simm.s32 $0x0;
	s28 =	sadd.s32 s6, s28  }
0x1b: {  	[tilespmem:s29], [sflag:$0x5] =	stream.linear.gather [hbm4b:s28+s29], $0x1400, $0x38;
	[tilespmem:$0x1E400] =	vst v63  }
0x1c: {  	_ =	swait.ge [sflag:s14], $0x1400  }
0x1d: {  	s26 =	sshll.u32 s26, $0x4;
	[sflag:s14] =	ssyncset.done $0x0  }
0x1e: {  	s26 =	sadd.s32 s7, s26;
	[sflag:s14] =	ssyncadd.s32 $0xFFFFEC00  }
0x1f: {  	[tilespmem:s15], [sflag:$0x5] =	stream.linear.gather [hbm4b:s26+s29], $0x1400, $0x38;
	[tilespmem:$0x1E400] =	vst v63  }
0x20: {  	_ =	swait.ge [sflag:s14], $0x1400  }
0x21: {  	[sflag:s14] =	ssyncset.done $0x0  }
0x22: {  	[sflag:s14] =	ssyncadd.s32 $0xFFFFEC00  }
0x23: {  	[tilespmem:s17], [sflag:$0x1] =	stream.indirect.gather [hbm4b:s5+s16], $0x80, s29, s16, $0xb8;
	[tilespmem:$0x1E400] =	vst v63  }
0x24: {  	_ = 	snop  }
0x25: {  	[tilespmem:s18], [sflag:$0x2] =	stream.indirect.gather [hbm4b:s5+s16], $0x80, s16, s16, $0xb8;
	[tilespmem:$0x1E400] =	vst v63  }
0x26: {  	_ =	swait.ge [sflag:s19], $0x4000  }
0x27: {  	[sflag:s19] =	ssyncset.done $0x0  }
0x28: {  	s29 =	simm.s32 $0x1400;
	[sflag:s19] =	ssyncadd.s32 $0xFFFFC000  }
0x29: {  	[spmem:s2] =	stream.indirect.scatter.add.f32 [tilespmem:s17], [sflag:$0x3], $0x80, s29, s16, $0xb8;
	[tilespmem:$0x1E400] =	vst v63  }
0x2a: {  	_ =	swait.ge [sflag:s20], $0x4000  }
0x2b: {  	[sflag:s20] =	ssyncset.done $0x0  }
0x2c: {  	s30 =	simm.s32 $0x1480;
	[sflag:s20] =	ssyncadd.s32 $0xFFFFC000  }
0x2d: {  	[spmem:s2] =	stream.indirect.scatter.add.f32 [tilespmem:s18], [sflag:$0x4], $0x80, s30, s16, $0xb8;
	[tilespmem:$0x1E400] =	vst v63  }
0x2e: {  	_ =	swait.ge [sflag:s21], $0x4000  }
0x2f: {  	[sflag:s21] =	ssyncset.done $0x0  }
0x30: {  	s31 =	simm.s32 $0x100;
	[sflag:s21] =	ssyncadd.s32 $0xFFFFC000  }
0x31: {  	[tilespmem:s17], [sflag:$0x1] =	stream.indirect.gather [hbm4b:s5+s16], $0x80, s31, s16, $0xb8;
	[tilespmem:$0x1E400] =	vst v63  }
0x32: {  	_ =	swait.ge [sflag:s22], $0x4000  }
0x33: {  	[sflag:s22] =	ssyncset.done $0x0  }
0x34: {  	s28 =	simm.s32 $0x180;
	s26 =	simm.s32 $0x400;
	[sflag:s22] =	ssyncadd.s32 $0xFFFFC000  }
.LBB2_3:
0x35: {  	[tilespmem:s18], [sflag:$0x2] =	stream.indirect.gather [hbm4b:s5+s16], $0x80, s28, s16, $0xb8;
	[tilespmem:$0x1E400] =	vst v63  }
0x36: {  	s28 =	smov.u32 s26  }
0x37: {  	p0 =	sne.s32 s26, $0x4800;
	s26 =	sadd.s32 $0x400, s26;
	_ =	swait.ge [sflag:s19], $0x4000  }
0x38: {  	s28 =	sshra.s32 s28, $0x2;
	[sflag:s19] =	ssyncset.done $0x0  }
0x39: {  	s29 =	sadd.s32 $0x1400, s28;
	[sflag:s19] =	ssyncadd.s32 $0xFFFFC000  }
0x3a: {  	[spmem:s2] =	stream.indirect.scatter.add.f32 [tilespmem:s17], [sflag:$0x3], $0x80, s29, s16, $0xb8;
	[tilespmem:$0x1E400] =	vst v63  }
0x3b: {  	_ =	swait.ge [sflag:s20], $0x4000  }
0x3c: {  	[sflag:s20] =	ssyncset.done $0x0  }
0x3d: {  	s29 =	sadd.s32 $0x1480, s28;
	[sflag:s20] =	ssyncadd.s32 $0xFFFFC000  }
0x3e: {  	[spmem:s2] =	stream.indirect.scatter.add.f32 [tilespmem:s18], [sflag:$0x4], $0x80, s29, s16, $0xb8;
	[tilespmem:$0x1E400] =	vst v63  }
0x3f: {  	_ =	swait.ge [sflag:s21], $0x4000  }
0x40: {  	[sflag:s21] =	ssyncset.done $0x0  }
.Ltmp0:
0x41: {  	s29 =	sadd.s32 $0x100, s28;
	[sflag:s21] =	ssyncadd.s32 $0xFFFFC000;
	(pc) =	sbr.rel @p0 .LBB2_3-.Ltmp0, $4  }
0x42: {  	[tilespmem:s17], [sflag:$0x1] =	stream.indirect.gather [hbm4b:s5+s16], $0x80, s29, s16, $0xb8;
	[tilespmem:$0x1E400] =	vst v63  }
0x43: {  	_ =	swait.ge [sflag:s22], $0x4000  }
0x44: {  	[sflag:s22] =	ssyncset.done $0x0  }
0x45: {  	s28 =	sadd.s32 $0x180, s28;
	[sflag:s22] =	ssyncadd.s32 $0xFFFFC000  }
0x46: {  	[tilespmem:s18], [sflag:$0x2] =	stream.indirect.gather [hbm4b:s5+s16], $0x80, s28, s16, $0xb8;
	[tilespmem:$0x1E400] =	vst v63  }
0x47: {  	_ =	swait.ge [sflag:s19], $0x4000  }
0x48: {  	[sflag:s19] =	ssyncset.done $0x0  }
0x49: {  	[sflag:s19] =	ssyncadd.s32 $0xFFFFC000  }
0x4a: {  	[spmem:s2] =	stream.indirect.scatter.add.f32 [tilespmem:s17], [sflag:$0x3], $0x80, s23, s16, $0xb8;
	[tilespmem:$0x1E400] =	vst v63  }
0x4b: {  	_ =	swait.ge [sflag:s20], $0x4000  }
0x4c: {  	[sflag:s20] =	ssyncset.done $0x0  }
0x4d: {  	s25 =	sadd.s32 $0x1, s25;
	[sflag:s20] =	ssyncadd.s32 $0xFFFFC000  }
0x4e: {  	[spmem:s2] =	stream.indirect.scatter.add.f32 [tilespmem:s18], [sflag:$0x4], $0x80, s24, s16, $0xb8;
	[tilespmem:$0x1E400] =	vst v63  }
0x4f: {  	p0 =	sne.s32 s25, $0x4;
	_ =	swait.ge [sflag:s21], $0x4000  }
.Ltmp1:
0x50: {  	[sflag:s21] =	ssyncset.done $0x0;
	(pc) =	sbr.rel @p0 .LBB2_2-.Ltmp1, $4  }
0x51: {  	[sflag:s21] =	ssyncadd.s32 $0xFFFFC000  }
0x52: {  	_ =	swait.ge [sflag:s22], $0x4000  }
0x53: {  	[sflag:s22] =	ssyncset.done $0x0  }
0x54: {  	[sflag:s22] =	ssyncadd.s32 $0xFFFFC000  }
0x55: {  	s4 =	sadd.s32 $0x1, s4  }
0x56: {  	p0 =	sne.s32 s4, s12  }
.Ltmp2:
0x57: {  	[bflag:$0x0] =	sbarrier.arrive $0xFFFF;
	(pc) =	sbr.rel @p0 .LBB2_1-.Ltmp2, $4  }
0x58: {  	[hbm:s11], [sflag:s8] =	dma.local [spmem:s13], $0x2780  }
0x59: {  	_ =	swait.ge [sflag:s14], $0x2780  }
0x5a: {  	[sflag:s14] =	ssyncset.done $0x0  }
0x5b: {  	[sflag:s14] =	ssyncadd.s32 $0xFFFFD880  }
0x5c: {  	_ =	sfence.sel $0x180000  }
0x5d: {  	[bflag:$0x0] =	sbarrier.arrive $0xFFFF  }
0x5e: {  	p0 =	sne.s32 s3, $0x0;
	_ =	strace $0x9000004D  }
0x5f: {  	s0 =	sadd.s32 @!p0 $0x100000, s0;
	[bflag:$0x2] =	sbarrier.arrive $0xFFFF  }
0x60: {  	[sflag:s0] =	ssyncadd.tile.s32 @!p0 $0x1;
	_ =	shalt  }
.Lfunc_end2:
_tile_overlayer_lowered:
.L_overlay_start_2:
0x61: {  	(tag) =	ssettag $0x2  }
0x62: {  	s0 =	rddreg [dreg:$0x0];
	s2 =	stileid.u32  }
0x63: {  	s1 =	rddreg [dreg:$0x1];
	p0 =	sne.s32 s2, $0x0  }
0x64: {  	s3 =	rddreg [dreg:$0x2];
	[bflag:$0x3] =	sbarrier.arrive $0xFFFF;
	s2 =	simm.s32 @!p0 $0x1C05  }
0x65: {  	[timem:s3], [sflag:s2] =	dma.local @!p0 [hbm:s0], s1  }
0x66: {  	s0 =	simm.s32 @!p0 $0x5  }
0x67: {  	_ =	swait.ge @!p0 [sflag:s0], s1  }
0x68: {  	s1 =	ssub.s32 @!p0 $0x0, s1;
	[sflag:s0] =	ssyncset.done @!p0 $0x0  }
0x69: {  	[sflag:s0] =	ssyncadd.s32 @!p0 s1  }
0x6a: {  	[bflag:$0x3] =	sbarrier.arrive $0xFFFF  }
0x6b: {  	_ =	shalt  }

</sc_bundles>
